<compile_context>
chip_gen: v7x
topology: tpu7x:2x2x1
jax: 0.10.2.dev20260603
libtpu: 0.0.44.dev20260713+nightly
codegen_flags: <defaults>
</compile_context>

<pallas_src>
import functools
import jax
import jax.numpy as jnp
from jax import lax
from jax.experimental import pallas as pl
from jax.experimental.pallas import tpu as pltpu
from jax.experimental.pallas import tpu_sc as plsc

N = 2048
NFEAT = 128
NHID = 64
NC, NS, L = 2, 16, 16
NW = NC * NS
RW = N // NW
CH = 16
NCH = RW // CH


def _prep_kernel(x_ref, Wl_ref, b_ref, a1_ref, a2r_ref,
                 h_ref, u_ref, v_ref):
    x = x_ref[...]
    Wl = Wl_ref[...]
    h = jax.lax.dot_general(
        x, Wl, (((1,), (1,)), ((), ())),
        preferred_element_type=jnp.float32) + b_ref[...]
    h_ref[...] = h
    u_ref[...] = jnp.dot(h, a1_ref[...], preferred_element_type=jnp.float32)
    wv = jnp.dot(a2r_ref[...], Wl, preferred_element_type=jnp.float32)
    cv = jnp.sum(a2r_ref[...] * b_ref[...])
    v_ref[...] = jax.lax.dot_general(
        wv, x, (((1,), (1,)), ((), ())),
        preferred_element_type=jnp.float32) + cv


def _sc_edge_body(adj_ref, u_ref, v_ref, out_ref, uv, vv, v2v, av, ov):
    c = lax.axis_index("c")
    s = lax.axis_index("s")
    wid = s * NC + c
    base = wid * RW
    pltpu.sync_copy(u_ref.at[pl.ds(base, RW)], uv)
    pltpu.sync_copy(v_ref, vv)

    def dbl(j, carry):
        v2v[pl.ds(j * L, L)] = vv[pl.ds(j * L, L)] * 2.0
        return carry

    lax.fori_loop(0, N // L, dbl, 0)

    for k in range(NCH):
        r0 = base + k * CH
        pltpu.sync_copy(adj_ref.at[pl.ds(r0, CH)], av)
        u16 = uv[pl.ds(k * CH, L)] * 2.0
        for i in range(CH):
            tu = u16[i]

            def col(j, carry2, i=i, tu=tu):
                t = v2v[pl.ds(j * L, L)] + tu
                ov[i, pl.ds(j * L, L)] = av[i, pl.ds(j * L, L)] * t
                return carry2

            lax.fori_loop(0, N // L, col, 0)
        pltpu.sync_copy(ov, out_ref.at[pl.ds(r0, CH)])


def _sc_edge(adj, u, v, interpret=False):
    fn = functools.partial(
        pl.kernel,
        out_type=jax.ShapeDtypeStruct((N, N), jnp.float32),
        mesh=plsc.VectorSubcoreMesh(core_axis_name="c", subcore_axis_name="s",
                                    num_cores=NC, num_subcores=NS),
        scratch_types=[
            pltpu.VMEM((RW,), jnp.float32),
            pltpu.VMEM((N,), jnp.float32),
            pltpu.VMEM((N,), jnp.float32),
            pltpu.VMEM((CH, N), jnp.float32),
            pltpu.VMEM((CH, N), jnp.float32),
        ],
        interpret=interpret,
    )(_sc_edge_body)
    return fn(adj, u, v)


def kernel(adj, x, W_lin, b_lin, W_att, _interpret=False):
    b_row = b_lin.reshape(1, NHID)
    a1_col = W_att[0, :NHID].reshape(NHID, 1)
    a2_row = W_att[:, NHID:]

    h, u, v = pl.pallas_call(
        _prep_kernel,
        out_shape=(
            jax.ShapeDtypeStruct((N, NHID), jnp.float32),
            jax.ShapeDtypeStruct((N, 1), jnp.float32),
            jax.ShapeDtypeStruct((1, N), jnp.float32),
        ),
        interpret=_interpret,
    )(x, W_lin, b_row, a1_col, a2_row)

    new_adj = _sc_edge(adj, u.reshape(N), v.reshape(N),
                       interpret=_interpret)
    return (new_adj, h)

# --- scband reference (transcript-rebuilt; emitter-appended) ---
"""Pipeline reference for scband-edge-learning-17154099380257 (READ-ONLY COPY).

The authoritative reference and input builder live on the scoring server;
editing this copy changes nothing except your own understanding.
"""

import jax, jax.numpy as jnp
import numpy as np

N = 2048
NFEAT = 128
NHID = 64


def setup_inputs(seed: int = 0) -> dict:
    key = jax.random.key(seed)
    k1, k2, k3, k4 = jax.random.split(key, 4)
    # adj: binary {0,1} dense adjacency mask (density ~0.5), matches fill=randint(max=2)
    adj = jax.random.randint(k1, (N, N), 0, 2).astype(jnp.float32)
    x = jax.random.normal(k2, (N, NFEAT), dtype=jnp.float32)
    # learned params: nn.Linear(nfeat, nhid) and nn.Linear(2*nhid, 1, bias=False)
    W_lin = jax.random.normal(k3, (NHID, NFEAT), dtype=jnp.float32) * 0.05
    b_lin = jnp.zeros((NHID,), dtype=jnp.float32)
    W_att = jax.random.normal(k4, (1, 2 * NHID), dtype=jnp.float32) * 0.05
    return {"adj": adj, "x": x, "W_lin": W_lin, "b_lin": b_lin, "W_att": W_att}


def reference(adj, x, W_lin, b_lin, W_att):
    # F.dropout in eval mode (training=False) is the identity
    h = x @ W_lin.T + b_lin  # [N, nhid]
    # edge_list = adj.nonzero().t(); edge_h = cat(h[src], h[dst]); e = tanh(att(edge_h))
    # computed densely for all (src, dst) pairs with identical per-edge arithmetic
    e_grid = jax.lax.map(
        lambda hi: jnp.tanh(
            jnp.concatenate([jnp.broadcast_to(hi, h.shape), h], axis=1) @ W_att.T
        )[:, 0],
        h,
    )  # [N, N], e_grid[i, j] == tanh(cat(h[i], h[j]) @ W_att.T)
    # sparse COO -> to_dense(): duplicate-free indices, scatter-add == coalesce-sum,
    # equal to a dense masked write at positions where adj is nonzero
    new_adj = jnp.where(adj != 0, e_grid, jnp.zeros((), dtype=h.dtype))
    return (new_adj * adj, h)

if __name__ == "__main__":
    import jax
    _d = setup_inputs()
    print(jax.jit(kernel)(*tuple(_d.values())))

</pallas_src>

<mosaic_0001>
#map = affine_map<(d0, d1) -> (0, 0)>
#map1 = affine_map<(d0, d1) -> (0)>
module attributes {stable_mosaic.version = 14 : i64} {
  func.func @_sc_edge_body(%arg0: i32, %arg1: i32, %arg2: memref<2048x2048xf32, #tpu.memory_space<hbm>>, %arg3: memref<2048xf32, #tpu.memory_space<hbm>>, %arg4: memref<2048xf32, #tpu.memory_space<hbm>>, %arg5: memref<2048x2048xf32, #tpu.memory_space<hbm>>, %arg6: memref<64xf32, #tpu.memory_space<vmem>>, %arg7: memref<2048xf32, #tpu.memory_space<vmem>>, %arg8: memref<2048xf32, #tpu.memory_space<vmem>>, %arg9: memref<16x2048xf32, #tpu.memory_space<vmem>>, %arg10: memref<16x2048xf32, #tpu.memory_space<vmem>>) attributes {dimension_semantics = [#tpu.dimension_semantics<core_parallel>, #tpu.dimension_semantics<subcore_parallel>], iteration_bounds = array<i64: 2, 16>, scalar_prefetch = 0 : i64, scratch_operands = 5 : i64, tpu.core_type = #tpu.core_type<sc_vector_subcore>, window_params = [{transform_indices = #map}, {transform_indices = #map1}, {transform_indices = #map1}, {transform_indices = #map}]} {
    %mul3A = arith.constant 2 : i32
    %mul3A_0 = arith.muli %arg1, %mul3A : i32
    %add3A = arith.addi %mul3A_0, %arg0 : i32
    %mul3A_1 = arith.constant 64 : i32
    %mul3A_2 = arith.muli %add3A, %mul3A_1 : i32
    "tpu.region"() ({
      %run_scoped3A = tpu.sem_alloc : memref<!tpu.dma_semaphore, #tpu.memory_space<semaphore_mem>>
      %dma_start3A = tpu.memref_slice %arg3[%mul3A_2] : memref<2048xf32, #tpu.memory_space<hbm>> -> memref<64xf32, #tpu.memory_space<hbm>>
      %dma_start3A_549 = tpu.memref_slice %arg3[%mul3A_2] : memref<2048xf32, #tpu.memory_space<hbm>> -> memref<64xf32, #tpu.memory_space<hbm>>
      tpu.enqueue_dma source(%dma_start3A_549 : memref<64xf32, #tpu.memory_space<hbm>>) target(%arg6 : memref<64xf32, #tpu.memory_space<vmem>>) target_semaphore(%run_scoped3A : memref<!tpu.dma_semaphore, #tpu.memory_space<semaphore_mem>>)
      %dma_wait3A = tpu.memref_slice %arg3[%mul3A_2] : memref<2048xf32, #tpu.memory_space<hbm>> -> memref<64xf32, #tpu.memory_space<hbm>>
      %dma_wait3A_550 = tpu.memref_slice %arg3[%mul3A_2] : memref<2048xf32, #tpu.memory_space<hbm>> -> memref<64xf32, #tpu.memory_space<hbm>>
      tpu.wait_dma2 semaphore(%run_scoped3A : memref<!tpu.dma_semaphore, #tpu.memory_space<semaphore_mem>>) src(%dma_wait3A_550 : memref<64xf32, #tpu.memory_space<hbm>>) dst(%arg6 : memref<64xf32, #tpu.memory_space<vmem>>)
      tpu.yield
    }) : () -> ()
    "tpu.region"() ({
      %run_scoped3A = tpu.sem_alloc : memref<!tpu.dma_semaphore, #tpu.memory_space<semaphore_mem>>
      tpu.enqueue_dma source(%arg4 : memref<2048xf32, #tpu.memory_space<hbm>>) target(%arg7 : memref<2048xf32, #tpu.memory_space<vmem>>) target_semaphore(%run_scoped3A : memref<!tpu.dma_semaphore, #tpu.memory_space<semaphore_mem>>)
      tpu.wait_dma2 semaphore(%run_scoped3A : memref<!tpu.dma_semaphore, #tpu.memory_space<semaphore_mem>>) src(%arg4 : memref<2048xf32, #tpu.memory_space<hbm>>) dst(%arg7 : memref<2048xf32, #tpu.memory_space<vmem>>)
      tpu.yield
    }) : () -> ()
    %scan3A = arith.constant 0 : i32
    %scan3A_3 = arith.constant 0 : i32
    %scan3A_4 = arith.constant 128 : i32
    %scan3A_5 = arith.addi %scan3A_3, %scan3A_4 : i32
    %scan3A_6 = arith.constant 1 : i32
    scf.for %scan3A_549 = %scan3A_3 to %scan3A_5 step %scan3A_6  : i32 {
      %mul3A_550 = arith.constant 16 : i32
      %mul3A_551 = arith.muli %scan3A_549, %mul3A_550 : i32
      %get3A_552 = arith.index_cast %mul3A_551 : i32 to index
      %get3A_553 = tpu.vector_load %arg7[%get3A_552] {strides = array<i32>} : memref<2048xf32, #tpu.memory_space<vmem>>, vector<16xf32>,
      %get3A_554 = vector.shape_cast %get3A_553 : vector<16xf32> to vector<16xf32>
      %mul3A_555 = arith.constant 2.000000e+00 : f32
      %mul3A_556 = vector.broadcast %mul3A_555 : f32 to vector<16xf32>
      %mul3A_557 = arith.mulf %get3A_554, %mul3A_556 : vector<16xf32>
      %mul3A_558 = arith.constant 16 : i32
      %mul3A_559 = arith.muli %scan3A_549, %mul3A_558 : i32
      %swap3A = arith.index_cast %mul3A_559 : i32 to index
      %swap3A_560 = tpu.vector_load %arg8[%swap3A] {strides = array<i32>} : memref<2048xf32, #tpu.memory_space<vmem>>, vector<16xf32>,
      %swap3A_561 = vector.shape_cast %swap3A_560 : vector<16xf32> to vector<16xf32>
      %swap3A_562 = vector.shape_cast %mul3A_557 : vector<16xf32> to vector<16xf32>
      tpu.vector_store %arg8[%swap3A], %swap3A_562 {strides = array<i32>} : memref<2048xf32, #tpu.memory_space<vmem>>, vector<16xf32>,
    }
    %scan3A_7 = arith.constant 128 : i32
    %add3A_8 = arith.constant 0 : i32
    %add3A_9 = arith.addi %mul3A_2, %add3A_8 : i32
    "tpu.region"() ({
      %run_scoped3A = tpu.sem_alloc : memref<!tpu.dma_semaphore, #tpu.memory_space<semaphore_mem>>
      %dma_start3A = arith.constant 0 : i32
      %dma_start3A_549 = tpu.memref_slice %arg2[%add3A_9, %dma_start3A] : memref<2048x2048xf32, #tpu.memory_space<hbm>> -> memref<16x2048xf32, #tpu.memory_space<hbm>>
      %dma_start3A_550 = arith.constant 0 : i32
      %dma_start3A_551 = tpu.memref_slice %arg2[%add3A_9, %dma_start3A_550] : memref<2048x2048xf32, #tpu.memory_space<hbm>> -> memref<16x2048xf32, #tpu.memory_space<hbm>>
      tpu.enqueue_dma source(%dma_start3A_551 : memref<16x2048xf32, #tpu.memory_space<hbm>>) target(%arg9 : memref<16x2048xf32, #tpu.memory_space<vmem>>) target_semaphore(%run_scoped3A : memref<!tpu.dma_semaphore, #tpu.memory_space<semaphore_mem>>)
      %dma_wait3A = arith.constant 0 : i32
      %dma_wait3A_552 = tpu.memref_slice %arg2[%add3A_9, %dma_wait3A] : memref<2048x2048xf32, #tpu.memory_space<hbm>> -> memref<16x2048xf32, #tpu.memory_space<hbm>>
      %dma_wait3A_553 = arith.constant 0 : i32
      %dma_wait3A_554 = tpu.memref_slice %arg2[%add3A_9, %dma_wait3A_553] : memref<2048x2048xf32, #tpu.memory_space<hbm>> -> memref<16x2048xf32, #tpu.memory_space<hbm>>
      tpu.wait_dma2 semaphore(%run_scoped3A : memref<!tpu.dma_semaphore, #tpu.memory_space<semaphore_mem>>) src(%dma_wait3A_554 : memref<16x2048xf32, #tpu.memory_space<hbm>>) dst(%arg9 : memref<16x2048xf32, #tpu.memory_space<vmem>>)
      tpu.yield
    }) : () -> ()
    %get3A = arith.constant 0 : index
    %get3A_10 = tpu.vector_load %arg6[%get3A] {strides = array<i32>} : memref<64xf32, #tpu.memory_space<vmem>>, vector<16xf32>,
    %get3A_11 = vector.shape_cast %get3A_10 : vector<16xf32> to vector<16xf32>
    %mul3A_12 = arith.constant 2.000000e+00 : f32
    %mul3A_13 = vector.broadcast %mul3A_12 : f32 to vector<16xf32>
    %mul3A_14 = arith.mulf %get3A_11, %mul3A_13 : vector<16xf32>
    %slice3A = vector.extract_strided_slice %mul3A_14 {offsets = [0], sizes = [1], strides = [1]} : vector<16xf32> to vector<1xf32>
    %squeeze3A = vector.extract %slice3A[0] : f32 from vector<1xf32>
    %scan3A_15 = arith.constant 0 : i32
    %scan3A_16 = arith.constant 0 : i32
    %scan3A_17 = arith.constant 128 : i32
    %scan3A_18 = arith.addi %scan3A_16, %scan3A_17 : i32
    %scan3A_19 = arith.constant 1 : i32
    scf.for %scan3A_549 = %scan3A_16 to %scan3A_18 step %scan3A_19  : i32 {
      %mul3A_550 = arith.constant 16 : i32
      %mul3A_551 = arith.muli %scan3A_549, %mul3A_550 : i32
      %get3A_552 = arith.index_cast %mul3A_551 : i32 to index
      %get3A_553 = tpu.vector_load %arg8[%get3A_552] {strides = array<i32>} : memref<2048xf32, #tpu.memory_space<vmem>>, vector<16xf32>,
      %get3A_554 = vector.shape_cast %get3A_553 : vector<16xf32> to vector<16xf32>
      %add3A_555 = vector.broadcast %squeeze3A : f32 to vector<16xf32>
      %add3A_556 = arith.addf %get3A_554, %add3A_555 : vector<16xf32>
      %mul3A_557 = arith.constant 16 : i32
      %mul3A_558 = arith.muli %scan3A_549, %mul3A_557 : i32
      %get3A_559 = arith.constant 0 : i32
      %get3A_560 = arith.index_cast %get3A_559 : i32 to index
      %get3A_561 = arith.index_cast %mul3A_558 : i32 to index
      %get3A_562 = tpu.vector_load %arg9[%get3A_560, %get3A_561] {strides = array<i32>} : memref<16x2048xf32, #tpu.memory_space<vmem>>, vector<1x16xf32>,
      %get3A_563 = vector.shape_cast %get3A_562 : vector<1x16xf32> to vector<16xf32>
      %mul3A_564 = arith.mulf %get3A_563, %add3A_556 : vector<16xf32>
      %mul3A_565 = arith.constant 16 : i32
      %mul3A_566 = arith.muli %scan3A_549, %mul3A_565 : i32
      %swap3A = arith.constant 0 : i32
      %swap3A_567 = arith.index_cast %swap3A : i32 to index
      %swap3A_568 = arith.index_cast %mul3A_566 : i32 to index
      %swap3A_569 = tpu.vector_load %arg10[%swap3A_567, %swap3A_568] {strides = array<i32>} : memref<16x2048xf32, #tpu.memory_space<vmem>>, vector<1x16xf32>,
      %swap3A_570 = vector.shape_cast %swap3A_569 : vector<1x16xf32> to vector<16xf32>
      %swap3A_571 = vector.shape_cast %mul3A_564 : vector<16xf32> to vector<1x16xf32>
      tpu.vector_store %arg10[%swap3A_567, %swap3A_568], %swap3A_571 {strides = array<i32>} : memref<16x2048xf32, #tpu.memory_space<vmem>>, vector<1x16xf32>,
    }
    %scan3A_20 = arith.constant 128 : i32
    %slice3A_21 = vector.extract_strided_slice %mul3A_14 {offsets = [1], sizes = [1], strides = [1]} : vector<16xf32> to vector<1xf32>
    %squeeze3A_22 = vector.extract %slice3A_21[0] : f32 from vector<1xf32>
    %scan3A_23 = arith.constant 0 : i32
    %scan3A_24 = arith.constant 0 : i32
    %scan3A_25 = arith.constant 128 : i32
    %scan3A_26 = arith.addi %scan3A_24, %scan3A_25 : i32
    %scan3A_27 = arith.constant 1 : i32
    scf.for %scan3A_549 = %scan3A_24 to %scan3A_26 step %scan3A_27  : i32 {
      %mul3A_550 = arith.constant 16 : i32
      %mul3A_551 = arith.muli %scan3A_549, %mul3A_550 : i32
      %get3A_552 = arith.index_cast %mul3A_551 : i32 to index
      %get3A_553 = tpu.vector_load %arg8[%get3A_552] {strides = array<i32>} : memref<2048xf32, #tpu.memory_space<vmem>>, vector<16xf32>,
      %get3A_554 = vector.shape_cast %get3A_553 : vector<16xf32> to vector<16xf32>
      %add3A_555 = vector.broadcast %squeeze3A_22 : f32 to vector<16xf32>
      %add3A_556 = arith.addf %get3A_554, %add3A_555 : vector<16xf32>
      %mul3A_557 = arith.constant 16 : i32
      %mul3A_558 = arith.muli %scan3A_549, %mul3A_557 : i32
      %get3A_559 = arith.constant 1 : i32
      %get3A_560 = arith.index_cast %get3A_559 : i32 to index
      %get3A_561 = arith.index_cast %mul3A_558 : i32 to index
      %get3A_562 = tpu.vector_load %arg9[%get3A_560, %get3A_561] {strides = array<i32>} : memref<16x2048xf32, #tpu.memory_space<vmem>>, vector<1x16xf32>,
      %get3A_563 = vector.shape_cast %get3A_562 : vector<1x16xf32> to vector<16xf32>
      %mul3A_564 = arith.mulf %get3A_563, %add3A_556 : vector<16xf32>
      %mul3A_565 = arith.constant 16 : i32
      %mul3A_566 = arith.muli %scan3A_549, %mul3A_565 : i32
      %swap3A = arith.constant 1 : i32
      %swap3A_567 = arith.index_cast %swap3A : i32 to index
      %swap3A_568 = arith.index_cast %mul3A_566 : i32 to index
      %swap3A_569 = tpu.vector_load %arg10[%swap3A_567, %swap3A_568] {strides = array<i32>} : memref<16x2048xf32, #tpu.memory_space<vmem>>, vector<1x16xf32>,
      %swap3A_570 = vector.shape_cast %swap3A_569 : vector<1x16xf32> to vector<16xf32>
      %swap3A_571 = vector.shape_cast %mul3A_564 : vector<16xf32> to vector<1x16xf32>
      tpu.vector_store %arg10[%swap3A_567, %swap3A_568], %swap3A_571 {strides = array<i32>} : memref<16x2048xf32, #tpu.memory_space<vmem>>, vector<1x16xf32>,
    }
    %scan3A_28 = arith.constant 128 : i32
    %slice3A_29 = vector.extract_strided_slice %mul3A_14 {offsets = [2], sizes = [1], strides = [1]} : vector<16xf32> to vector<1xf32>
    %squeeze3A_30 = vector.extract %slice3A_29[0] : f32 from vector<1xf32>
    %scan3A_31 = arith.constant 0 : i32
    %scan3A_32 = arith.constant 0 : i32
    %scan3A_33 = arith.constant 128 : i32
    %scan3A_34 = arith.addi %scan3A_32, %scan3A_33 : i32
    %scan3A_35 = arith.constant 1 : i32
    scf.for %scan3A_549 = %scan3A_32 to %scan3A_34 step %scan3A_35  : i32 {
      %mul3A_550 = arith.constant 16 : i32
      %mul3A_551 = arith.muli %scan3A_549, %mul3A_550 : i32
      %get3A_552 = arith.index_cast %mul3A_551 : i32 to index
      %get3A_553 = tpu.vector_load %arg8[%get3A_552] {strides = array<i32>} : memref<2048xf32, #tpu.memory_space<vmem>>, vector<16xf32>,
      %get3A_554 = vector.shape_cast %get3A_553 : vector<16xf32> to vector<16xf32>
      %add3A_555 = vector.broadcast %squeeze3A_30 : f32 to vector<16xf32>
      %add3A_556 = arith.addf %get3A_554, %add3A_555 : vector<16xf32>
      %mul3A_557 = arith.constant 16 : i32
      %mul3A_558 = arith.muli %scan3A_549, %mul3A_557 : i32
      %get3A_559 = arith.constant 2 : i32
      %get3A_560 = arith.index_cast %get3A_559 : i32 to index
      %get3A_561 = arith.index_cast %mul3A_558 : i32 to index
      %get3A_562 = tpu.vector_load %arg9[%get3A_560, %get3A_561] {strides = array<i32>} : memref<16x2048xf32, #tpu.memory_space<vmem>>, vector<1x16xf32>,
      %get3A_563 = vector.shape_cast %get3A_562 : vector<1x16xf32> to vector<16xf32>
      %mul3A_564 = arith.mulf %get3A_563, %add3A_556 : vector<16xf32>
      %mul3A_565 = arith.constant 16 : i32
      %mul3A_566 = arith.muli %scan3A_549, %mul3A_565 : i32
      %swap3A = arith.constant 2 : i32
      %swap3A_567 = arith.index_cast %swap3A : i32 to index
      %swap3A_568 = arith.index_cast %mul3A_566 : i32 to index
      %swap3A_569 = tpu.vector_load %arg10[%swap3A_567, %swap3A_568] {strides = array<i32>} : memref<16x2048xf32, #tpu.memory_space<vmem>>, vector<1x16xf32>,
      %swap3A_570 = vector.shape_cast %swap3A_569 : vector<1x16xf32> to vector<16xf32>
      %swap3A_571 = vector.shape_cast %mul3A_564 : vector<16xf32> to vector<1x16xf32>
      tpu.vector_store %arg10[%swap3A_567, %swap3A_568], %swap3A_571 {strides = array<i32>} : memref<16x2048xf32, #tpu.memory_space<vmem>>, vector<1x16xf32>,
    }
    %scan3A_36 = arith.constant 128 : i32
    %slice3A_37 = vector.extract_strided_slice %mul3A_14 {offsets = [3], sizes = [1], strides = [1]} : vector<16xf32> to vector<1xf32>
    %squeeze3A_38 = vector.extract %slice3A_37[0] : f32 from vector<1xf32>
    %scan3A_39 = arith.constant 0 : i32
    %scan3A_40 = arith.constant 0 : i32
    %scan3A_41 = arith.constant 128 : i32
    %scan3A_42 = arith.addi %scan3A_40, %scan3A_41 : i32
    %scan3A_43 = arith.constant 1 : i32
    scf.for %scan3A_549 = %scan3A_40 to %scan3A_42 step %scan3A_43  : i32 {
      %mul3A_550 = arith.constant 16 : i32
      %mul3A_551 = arith.muli %scan3A_549, %mul3A_550 : i32
      %get3A_552 = arith.index_cast %mul3A_551 : i32 to index
      %get3A_553 = tpu.vector_load %arg8[%get3A_552] {strides = array<i32>} : memref<2048xf32, #tpu.memory_space<vmem>>, vector<16xf32>,
      %get3A_554 = vector.shape_cast %get3A_553 : vector<16xf32> to vector<16xf32>
      %add3A_555 = vector.broadcast %squeeze3A_38 : f32 to vector<16xf32>
      %add3A_556 = arith.addf %get3A_554, %add3A_555 : vector<16xf32>
      %mul3A_557 = arith.constant 16 : i32
      %mul3A_558 = arith.muli %scan3A_549, %mul3A_557 : i32
      %get3A_559 = arith.constant 3 : i32
      %get3A_560 = arith.index_cast %get3A_559 : i32 to index
      %get3A_561 = arith.index_cast %mul3A_558 : i32 to index
      %get3A_562 = tpu.vector_load %arg9[%get3A_560, %get3A_561] {strides = array<i32>} : memref<16x2048xf32, #tpu.memory_space<vmem>>, vector<1x16xf32>,
      %get3A_563 = vector.shape_cast %get3A_562 : vector<1x16xf32> to vector<16xf32>
      %mul3A_564 = arith.mulf %get3A_563, %add3A_556 : vector<16xf32>
      %mul3A_565 = arith.constant 16 : i32
      %mul3A_566 = arith.muli %scan3A_549, %mul3A_565 : i32
      %swap3A = arith.constant 3 : i32
      %swap3A_567 = arith.index_cast %swap3A : i32 to index
      %swap3A_568 = arith.index_cast %mul3A_566 : i32 to index
      %swap3A_569 = tpu.vector_load %arg10[%swap3A_567, %swap3A_568] {strides = array<i32>} : memref<16x2048xf32, #tpu.memory_space<vmem>>, vector<1x16xf32>,
      %swap3A_570 = vector.shape_cast %swap3A_569 : vector<1x16xf32> to vector<16xf32>
      %swap3A_571 = vector.shape_cast %mul3A_564 : vector<16xf32> to vector<1x16xf32>
      tpu.vector_store %arg10[%swap3A_567, %swap3A_568], %swap3A_571 {strides = array<i32>} : memref<16x2048xf32, #tpu.memory_space<vmem>>, vector<1x16xf32>,
    }
    %scan3A_44 = arith.constant 128 : i32
    %slice3A_45 = vector.extract_strided_slice %mul3A_14 {offsets = [4], sizes = [1], strides = [1]} : vector<16xf32> to vector<1xf32>
    %squeeze3A_46 = vector.extract %slice3A_45[0] : f32 from vector<1xf32>
    %scan3A_47 = arith.constant 0 : i32
    %scan3A_48 = arith.constant 0 : i32
    %scan3A_49 = arith.constant 128 : i32
    %scan3A_50 = arith.addi %scan3A_48, %scan3A_49 : i32
    %scan3A_51 = arith.constant 1 : i32
    scf.for %scan3A_549 = %scan3A_48 to %scan3A_50 step %scan3A_51  : i32 {
      %mul3A_550 = arith.constant 16 : i32
      %mul3A_551 = arith.muli %scan3A_549, %mul3A_550 : i32
      %get3A_552 = arith.index_cast %mul3A_551 : i32 to index
      %get3A_553 = tpu.vector_load %arg8[%get3A_552] {strides = array<i32>} : memref<2048xf32, #tpu.memory_space<vmem>>, vector<16xf32>,
      %get3A_554 = vector.shape_cast %get3A_553 : vector<16xf32> to vector<16xf32>
      %add3A_555 = vector.broadcast %squeeze3A_46 : f32 to vector<16xf32>
      %add3A_556 = arith.addf %get3A_554, %add3A_555 : vector<16xf32>
      %mul3A_557 = arith.constant 16 : i32
      %mul3A_558 = arith.muli %scan3A_549, %mul3A_557 : i32
      %get3A_559 = arith.constant 4 : i32
      %get3A_560 = arith.index_cast %get3A_559 : i32 to index
      %get3A_561 = arith.index_cast %mul3A_558 : i32 to index
      %get3A_562 = tpu.vector_load %arg9[%get3A_560, %get3A_561] {strides = array<i32>} : memref<16x2048xf32, #tpu.memory_space<vmem>>, vector<1x16xf32>,
      %get3A_563 = vector.shape_cast %get3A_562 : vector<1x16xf32> to vector<16xf32>
      %mul3A_564 = arith.mulf %get3A_563, %add3A_556 : vector<16xf32>
      %mul3A_565 = arith.constant 16 : i32
      %mul3A_566 = arith.muli %scan3A_549, %mul3A_565 : i32
      %swap3A = arith.constant 4 : i32
      %swap3A_567 = arith.index_cast %swap3A : i32 to index
      %swap3A_568 = arith.index_cast %mul3A_566 : i32 to index
      %swap3A_569 = tpu.vector_load %arg10[%swap3A_567, %swap3A_568] {strides = array<i32>} : memref<16x2048xf32, #tpu.memory_space<vmem>>, vector<1x16xf32>,
      %swap3A_570 = vector.shape_cast %swap3A_569 : vector<1x16xf32> to vector<16xf32>
      %swap3A_571 = vector.shape_cast %mul3A_564 : vector<16xf32> to vector<1x16xf32>
      tpu.vector_store %arg10[%swap3A_567, %swap3A_568], %swap3A_571 {strides = array<i32>} : memref<16x2048xf32, #tpu.memory_space<vmem>>, vector<1x16xf32>,
    }
    %scan3A_52 = arith.constant 128 : i32
    %slice3A_53 = vector.extract_strided_slice %mul3A_14 {offsets = [5], sizes = [1], strides = [1]} : vector<16xf32> to vector<1xf32>
    %squeeze3A_54 = vector.extract %slice3A_53[0] : f32 from vector<1xf32>
    %scan3A_55 = arith.constant 0 : i32
    %scan3A_56 = arith.constant 0 : i32
    %scan3A_57 = arith.constant 128 : i32
    %scan3A_58 = arith.addi %scan3A_56, %scan3A_57 : i32
    %scan3A_59 = arith.constant 1 : i32
    scf.for %scan3A_549 = %scan3A_56 to %scan3A_58 step %scan3A_59  : i32 {
      %mul3A_550 = arith.constant 16 : i32
      %mul3A_551 = arith.muli %scan3A_549, %mul3A_550 : i32
      %get3A_552 = arith.index_cast %mul3A_551 : i32 to index
      %get3A_553 = tpu.vector_load %arg8[%get3A_552] {strides = array<i32>} : memref<2048xf32, #tpu.memory_space<vmem>>, vector<16xf32>,
      %get3A_554 = vector.shape_cast %get3A_553 : vector<16xf32> to vector<16xf32>
      %add3A_555 = vector.broadcast %squeeze3A_54 : f32 to vector<16xf32>
      %add3A_556 = arith.addf %get3A_554, %add3A_555 : vector<16xf32>
      %mul3A_557 = arith.constant 16 : i32
      %mul3A_558 = arith.muli %scan3A_549, %mul3A_557 : i32
      %get3A_559 = arith.constant 5 : i32
      %get3A_560 = arith.index_cast %get3A_559 : i32 to index
      %get3A_561 = arith.index_cast %mul3A_558 : i32 to index
      %get3A_562 = tpu.vector_load %arg9[%get3A_560, %get3A_561] {strides = array<i32>} : memref<16x2048xf32, #tpu.memory_space<vmem>>, vector<1x16xf32>,
      %get3A_563 = vector.shape_cast %get3A_562 : vector<1x16xf32> to vector<16xf32>
      %mul3A_564 = arith.mulf %get3A_563, %add3A_556 : vector<16xf32>
      %mul3A_565 = arith.constant 16 : i32
      %mul3A_566 = arith.muli %scan3A_549, %mul3A_565 : i32
      %swap3A = arith.constant 5 : i32
      %swap3A_567 = arith.index_cast %swap3A : i32 to index
      %swap3A_568 = arith.index_cast %mul3A_566 : i32 to index
      %swap3A_569 = tpu.vector_load %arg10[%swap3A_567, %swap3A_568] {strides = array<i32>} : memref<16x2048xf32, #tpu.memory_space<vmem>>, vector<1x16xf32>,
      %swap3A_570 = vector.shape_cast %swap3A_569 : vector<1x16xf32> to vector<16xf32>
      %swap3A_571 = vector.shape_cast %mul3A_564 : vector<16xf32> to vector<1x16xf32>
      tpu.vector_store %arg10[%swap3A_567, %swap3A_568], %swap3A_571 {strides = array<i32>} : memref<16x2048xf32, #tpu.memory_space<vmem>>, vector<1x16xf32>,
    }
    %scan3A_60 = arith.constant 128 : i32
    %slice3A_61 = vector.extract_strided_slice %mul3A_14 {offsets = [6], sizes = [1], strides = [1]} : vector<16xf32> to vector<1xf32>
    %squeeze3A_62 = vector.extract %slice3A_61[0] : f32 from vector<1xf32>
    %scan3A_63 = arith.constant 0 : i32
    %scan3A_64 = arith.constant 0 : i32
    %scan3A_65 = arith.constant 128 : i32
    %scan3A_66 = arith.addi %scan3A_64, %scan3A_65 : i32
    %scan3A_67 = arith.constant 1 : i32
    scf.for %scan3A_549 = %scan3A_64 to %scan3A_66 step %scan3A_67  : i32 {
      %mul3A_550 = arith.constant 16 : i32
      %mul3A_551 = arith.muli %scan3A_549, %mul3A_550 : i32
      %get3A_552 = arith.index_cast %mul3A_551 : i32 to index
      %get3A_553 = tpu.vector_load %arg8[%get3A_552] {strides = array<i32>} : memref<2048xf32, #tpu.memory_space<vmem>>, vector<16xf32>,
      %get3A_554 = vector.shape_cast %get3A_553 : vector<16xf32> to vector<16xf32>
      %add3A_555 = vector.broadcast %squeeze3A_62 : f32 to vector<16xf32>
      %add3A_556 = arith.addf %get3A_554, %add3A_555 : vector<16xf32>
      %mul3A_557 = arith.constant 16 : i32
      %mul3A_558 = arith.muli %scan3A_549, %mul3A_557 : i32
      %get3A_559 = arith.constant 6 : i32
      %get3A_560 = arith.index_cast %get3A_559 : i32 to index
      %get3A_561 = arith.index_cast %mul3A_558 : i32 to index
      %get3A_562 = tpu.vector_load %arg9[%get3A_560, %get3A_561] {strides = array<i32>} : memref<16x2048xf32, #tpu.memory_space<vmem>>, vector<1x16xf32>,
      %get3A_563 = vector.shape_cast %get3A_562 : vector<1x16xf32> to vector<16xf32>
      %mul3A_564 = arith.mulf %get3A_563, %add3A_556 : vector<16xf32>
      %mul3A_565 = arith.constant 16 : i32
      %mul3A_566 = arith.muli %scan3A_549, %mul3A_565 : i32
      %swap3A = arith.constant 6 : i32
      %swap3A_567 = arith.index_cast %swap3A : i32 to index
      %swap3A_568 = arith.index_cast %mul3A_566 : i32 to index
      %swap3A_569 = tpu.vector_load %arg10[%swap3A_567, %swap3A_568] {strides = array<i32>} : memref<16x2048xf32, #tpu.memory_space<vmem>>, vector<1x16xf32>,
      %swap3A_570 = vector.shape_cast %swap3A_569 : vector<1x16xf32> to vector<16xf32>
      %swap3A_571 = vector.shape_cast %mul3A_564 : vector<16xf32> to vector<1x16xf32>
      tpu.vector_store %arg10[%swap3A_567, %swap3A_568], %swap3A_571 {strides = array<i32>} : memref<16x2048xf32, #tpu.memory_space<vmem>>, vector<1x16xf32>,
    }
    %scan3A_68 = arith.constant 128 : i32
    %slice3A_69 = vector.extract_strided_slice %mul3A_14 {offsets = [7], sizes = [1], strides = [1]} : vector<16xf32> to vector<1xf32>
    %squeeze3A_70 = vector.extract %slice3A_69[0] : f32 from vector<1xf32>
    %scan3A_71 = arith.constant 0 : i32
    %scan3A_72 = arith.constant 0 : i32
    %scan3A_73 = arith.constant 128 : i32
    %scan3A_74 = arith.addi %scan3A_72, %scan3A_73 : i32
    %scan3A_75 = arith.constant 1 : i32
    scf.for %scan3A_549 = %scan3A_72 to %scan3A_74 step %scan3A_75  : i32 {
      %mul3A_550 = arith.constant 16 : i32
      %mul3A_551 = arith.muli %scan3A_549, %mul3A_550 : i32
      %get3A_552 = arith.index_cast %mul3A_551 : i32 to index
      %get3A_553 = tpu.vector_load %arg8[%get3A_552] {strides = array<i32>} : memref<2048xf32, #tpu.memory_space<vmem>>, vector<16xf32>,
      %get3A_554 = vector.shape_cast %get3A_553 : vector<16xf32> to vector<16xf32>
      %add3A_555 = vector.broadcast %squeeze3A_70 : f32 to vector<16xf32>
      %add3A_556 = arith.addf %get3A_554, %add3A_555 : vector<16xf32>
      %mul3A_557 = arith.constant 16 : i32
      %mul3A_558 = arith.muli %scan3A_549, %mul3A_557 : i32
      %get3A_559 = arith.constant 7 : i32
      %get3A_560 = arith.index_cast %get3A_559 : i32 to index
      %get3A_561 = arith.index_cast %mul3A_558 : i32 to index
      %get3A_562 = tpu.vector_load %arg9[%get3A_560, %get3A_561] {strides = array<i32>} : memref<16x2048xf32, #tpu.memory_space<vmem>>, vector<1x16xf32>,
      %get3A_563 = vector.shape_cast %get3A_562 : vector<1x16xf32> to vector<16xf32>
      %mul3A_564 = arith.mulf %get3A_563, %add3A_556 : vector<16xf32>
      %mul3A_565 = arith.constant 16 : i32
      %mul3A_566 = arith.muli %scan3A_549, %mul3A_565 : i32
      %swap3A = arith.constant 7 : i32
      %swap3A_567 = arith.index_cast %swap3A : i32 to index
      %swap3A_568 = arith.index_cast %mul3A_566 : i32 to index
      %swap3A_569 = tpu.vector_load %arg10[%swap3A_567, %swap3A_568] {strides = array<i32>} : memref<16x2048xf32, #tpu.memory_space<vmem>>, vector<1x16xf32>,
      %swap3A_570 = vector.shape_cast %swap3A_569 : vector<1x16xf32> to vector<16xf32>
      %swap3A_571 = vector.shape_cast %mul3A_564 : vector<16xf32> to vector<1x16xf32>
      tpu.vector_store %arg10[%swap3A_567, %swap3A_568], %swap3A_571 {strides = array<i32>} : memref<16x2048xf32, #tpu.memory_space<vmem>>, vector<1x16xf32>,
    }
    %scan3A_76 = arith.constant 128 : i32
    %slice3A_77 = vector.extract_strided_slice %mul3A_14 {offsets = [8], sizes = [1], strides = [1]} : vector<16xf32> to vector<1xf32>
    %squeeze3A_78 = vector.extract %slice3A_77[0] : f32 from vector<1xf32>
    %scan3A_79 = arith.constant 0 : i32
    %scan3A_80 = arith.constant 0 : i32
    %scan3A_81 = arith.constant 128 : i32
    %scan3A_82 = arith.addi %scan3A_80, %scan3A_81 : i32
    %scan3A_83 = arith.constant 1 : i32
    scf.for %scan3A_549 = %scan3A_80 to %scan3A_82 step %scan3A_83  : i32 {
      %mul3A_550 = arith.constant 16 : i32
      %mul3A_551 = arith.muli %scan3A_549, %mul3A_550 : i32
      %get3A_552 = arith.index_cast %mul3A_551 : i32 to index
      %get3A_553 = tpu.vector_load %arg8[%get3A_552] {strides = array<i32>} : memref<2048xf32, #tpu.memory_space<vmem>>, vector<16xf32>,
      %get3A_554 = vector.shape_cast %get3A_553 : vector<16xf32> to vector<16xf32>
      %add3A_555 = vector.broadcast %squeeze3A_78 : f32 to vector<16xf32>
      %add3A_556 = arith.addf %get3A_554, %add3A_555 : vector<16xf32>
      %mul3A_557 = arith.constant 16 : i32
      %mul3A_558 = arith.muli %scan3A_549, %mul3A_557 : i32
      %get3A_559 = arith.constant 8 : i32
      %get3A_560 = arith.index_cast %get3A_559 : i32 to index
      %get3A_561 = arith.index_cast %mul3A_558 : i32 to index
      %get3A_562 = tpu.vector_load %arg9[%get3A_560, %get3A_561] {strides = array<i32>} : memref<16x2048xf32, #tpu.memory_space<vmem>>, vector<1x16xf32>,
      %get3A_563 = vector.shape_cast %get3A_562 : vector<1x16xf32> to vector<16xf32>
      %mul3A_564 = arith.mulf %get3A_563, %add3A_556 : vector<16xf32>
      %mul3A_565 = arith.constant 16 : i32
      %mul3A_566 = arith.muli %scan3A_549, %mul3A_565 : i32
      %swap3A = arith.constant 8 : i32
      %swap3A_567 = arith.index_cast %swap3A : i32 to index
      %swap3A_568 = arith.index_cast %mul3A_566 : i32 to index
      %swap3A_569 = tpu.vector_load %arg10[%swap3A_567, %swap3A_568] {strides = array<i32>} : memref<16x2048xf32, #tpu.memory_space<vmem>>, vector<1x16xf32>,
      %swap3A_570 = vector.shape_cast %swap3A_569 : vector<1x16xf32> to vector<16xf32>
      %swap3A_571 = vector.shape_cast %mul3A_564 : vector<16xf32> to vector<1x16xf32>
      tpu.vector_store %arg10[%swap3A_567, %swap3A_568], %swap3A_571 {strides = array<i32>} : memref<16x2048xf32, #tpu.memory_space<vmem>>, vector<1x16xf32>,
    }
    %scan3A_84 = arith.constant 128 : i32
    %slice3A_85 = vector.extract_strided_slice %mul3A_14 {offsets = [9], sizes = [1], strides = [1]} : vector<16xf32> to vector<1xf32>
    %squeeze3A_86 = vector.extract %slice3A_85[0] : f32 from vector<1xf32>
    %scan3A_87 = arith.constant 0 : i32
    %scan3A_88 = arith.constant 0 : i32
    %scan3A_89 = arith.constant 128 : i32
    %scan3A_90 = arith.addi %scan3A_88, %scan3A_89 : i32
    %scan3A_91 = arith.constant 1 : i32
    scf.for %scan3A_549 = %scan3A_88 to %scan3A_90 step %scan3A_91  : i32 {
      %mul3A_550 = arith.constant 16 : i32
      %mul3A_551 = arith.muli %scan3A_549, %mul3A_550 : i32
      %get3A_552 = arith.index_cast %mul3A_551 : i32 to index
      %get3A_553 = tpu.vector_load %arg8[%get3A_552] {strides = array<i32>} : memref<2048xf32, #tpu.memory_space<vmem>>, vector<16xf32>,
      %get3A_554 = vector.shape_cast %get3A_553 : vector<16xf32> to vector<16xf32>
      %add3A_555 = vector.broadcast %squeeze3A_86 : f32 to vector<16xf32>
      %add3A_556 = arith.addf %get3A_554, %add3A_555 : vector<16xf32>
      %mul3A_557 = arith.constant 16 : i32
      %mul3A_558 = arith.muli %scan3A_549, %mul3A_557 : i32
      %get3A_559 = arith.constant 9 : i32
      %get3A_560 = arith.index_cast %get3A_559 : i32 to index
      %get3A_561 = arith.index_cast %mul3A_558 : i32 to index
      %get3A_562 = tpu.vector_load %arg9[%get3A_560, %get3A_561] {strides = array<i32>} : memref<16x2048xf32, #tpu.memory_space<vmem>>, vector<1x16xf32>,
      %get3A_563 = vector.shape_cast %get3A_562 : vector<1x16xf32> to vector<16xf32>
      %mul3A_564 = arith.mulf %get3A_563, %add3A_556 : vector<16xf32>
      %mul3A_565 = arith.constant 16 : i32
      %mul3A_566 = arith.muli %scan3A_549, %mul3A_565 : i32
      %swap3A = arith.constant 9 : i32
      %swap3A_567 = arith.index_cast %swap3A : i32 to index
      %swap3A_568 = arith.index_cast %mul3A_566 : i32 to index
      %swap3A_569 = tpu.vector_load %arg10[%swap3A_567, %swap3A_568] {strides = array<i32>} : memref<16x2048xf32, #tpu.memory_space<vmem>>, vector<1x16xf32>,
      %swap3A_570 = vector.shape_cast %swap3A_569 : vector<1x16xf32> to vector<16xf32>
      %swap3A_571 = vector.shape_cast %mul3A_564 : vector<16xf32> to vector<1x16xf32>
      tpu.vector_store %arg10[%swap3A_567, %swap3A_568], %swap3A_571 {strides = array<i32>} : memref<16x2048xf32, #tpu.memory_space<vmem>>, vector<1x16xf32>,
    }
    %scan3A_92 = arith.constant 128 : i32
    %slice3A_93 = vector.extract_strided_slice %mul3A_14 {offsets = [10], sizes = [1], strides = [1]} : vector<16xf32> to vector<1xf32>
    %squeeze3A_94 = vector.extract %slice3A_93[0] : f32 from vector<1xf32>
    %scan3A_95 = arith.constant 0 : i32
    %scan3A_96 = arith.constant 0 : i32
    %scan3A_97 = arith.constant 128 : i32
    %scan3A_98 = arith.addi %scan3A_96, %scan3A_97 : i32
    %scan3A_99 = arith.constant 1 : i32
    scf.for %scan3A_549 = %scan3A_96 to %scan3A_98 step %scan3A_99  : i32 {
      %mul3A_550 = arith.constant 16 : i32
      %mul3A_551 = arith.muli %scan3A_549, %mul3A_550 : i32
      %get3A_552 = arith.index_cast %mul3A_551 : i32 to index
      %get3A_553 = tpu.vector_load %arg8[%get3A_552] {strides = array<i32>} : memref<2048xf32, #tpu.memory_space<vmem>>, vector<16xf32>,
      %get3A_554 = vector.shape_cast %get3A_553 : vector<16xf32> to vector<16xf32>
      %add3A_555 = vector.broadcast %squeeze3A_94 : f32 to vector<16xf32>
      %add3A_556 = arith.addf %get3A_554, %add3A_555 : vector<16xf32>
      %mul3A_557 = arith.constant 16 : i32
      %mul3A_558 = arith.muli %scan3A_549, %mul3A_557 : i32
      %get3A_559 = arith.constant 10 : i32
      %get3A_560 = arith.index_cast %get3A_559 : i32 to index
      %get3A_561 = arith.index_cast %mul3A_558 : i32 to index
      %get3A_562 = tpu.vector_load %arg9[%get3A_560, %get3A_561] {strides = array<i32>} : memref<16x2048xf32, #tpu.memory_space<vmem>>, vector<1x16xf32>,
      %get3A_563 = vector.shape_cast %get3A_562 : vector<1x16xf32> to vector<16xf32>
      %mul3A_564 = arith.mulf %get3A_563, %add3A_556 : vector<16xf32>
      %mul3A_565 = arith.constant 16 : i32
      %mul3A_566 = arith.muli %scan3A_549, %mul3A_565 : i32
      %swap3A = arith.constant 10 : i32
      %swap3A_567 = arith.index_cast %swap3A : i32 to index
      %swap3A_568 = arith.index_cast %mul3A_566 : i32 to index
      %swap3A_569 = tpu.vector_load %arg10[%swap3A_567, %swap3A_568] {strides = array<i32>} : memref<16x2048xf32, #tpu.memory_space<vmem>>, vector<1x16xf32>,
      %swap3A_570 = vector.shape_cast %swap3A_569 : vector<1x16xf32> to vector<16xf32>
      %swap3A_571 = vector.shape_cast %mul3A_564 : vector<16xf32> to vector<1x16xf32>
      tpu.vector_store %arg10[%swap3A_567, %swap3A_568], %swap3A_571 {strides = array<i32>} : memref<16x2048xf32, #tpu.memory_space<vmem>>, vector<1x16xf32>,
    }
    %scan3A_100 = arith.constant 128 : i32
    %slice3A_101 = vector.extract_strided_slice %mul3A_14 {offsets = [11], sizes = [1], strides = [1]} : vector<16xf32> to vector<1xf32>
    %squeeze3A_102 = vector.extract %slice3A_101[0] : f32 from vector<1xf32>
    %scan3A_103 = arith.constant 0 : i32
    %scan3A_104 = arith.constant 0 : i32
    %scan3A_105 = arith.constant 128 : i32
    %scan3A_106 = arith.addi %scan3A_104, %scan3A_105 : i32
    %scan3A_107 = arith.constant 1 : i32
    scf.for %scan3A_549 = %scan3A_104 to %scan3A_106 step %scan3A_107  : i32 {
      %mul3A_550 = arith.constant 16 : i32
      %mul3A_551 = arith.muli %scan3A_549, %mul3A_550 : i32
      %get3A_552 = arith.index_cast %mul3A_551 : i32 to index
      %get3A_553 = tpu.vector_load %arg8[%get3A_552] {strides = array<i32>} : memref<2048xf32, #tpu.memory_space<vmem>>, vector<16xf32>,
      %get3A_554 = vector.shape_cast %get3A_553 : vector<16xf32> to vector<16xf32>
      %add3A_555 = vector.broadcast %squeeze3A_102 : f32 to vector<16xf32>
      %add3A_556 = arith.addf %get3A_554, %add3A_555 : vector<16xf32>
      %mul3A_557 = arith.constant 16 : i32
      %mul3A_558 = arith.muli %scan3A_549, %mul3A_557 : i32
      %get3A_559 = arith.constant 11 : i32
      %get3A_560 = arith.index_cast %get3A_559 : i32 to index
      %get3A_561 = arith.index_cast %mul3A_558 : i32 to index
      %get3A_562 = tpu.vector_load %arg9[%get3A_560, %get3A_561] {strides = array<i32>} : memref<16x2048xf32, #tpu.memory_space<vmem>>, vector<1x16xf32>,
      %get3A_563 = vector.shape_cast %get3A_562 : vector<1x16xf32> to vector<16xf32>
      %mul3A_564 = arith.mulf %get3A_563, %add3A_556 : vector<16xf32>
      %mul3A_565 = arith.constant 16 : i32
      %mul3A_566 = arith.muli %scan3A_549, %mul3A_565 : i32
      %swap3A = arith.constant 11 : i32
      %swap3A_567 = arith.index_cast %swap3A : i32 to index
      %swap3A_568 = arith.index_cast %mul3A_566 : i32 to index
      %swap3A_569 = tpu.vector_load %arg10[%swap3A_567, %swap3A_568] {strides = array<i32>} : memref<16x2048xf32, #tpu.memory_space<vmem>>, vector<1x16xf32>,
      %swap3A_570 = vector.shape_cast %swap3A_569 : vector<1x16xf32> to vector<16xf32>
      %swap3A_571 = vector.shape_cast %mul3A_564 : vector<16xf32> to vector<1x16xf32>
      tpu.vector_store %arg10[%swap3A_567, %swap3A_568], %swap3A_571 {strides = array<i32>} : memref<16x2048xf32, #tpu.memory_space<vmem>>, vector<1x16xf32>,
    }
    %scan3A_108 = arith.constant 128 : i32
    %slice3A_109 = vector.extract_strided_slice %mul3A_14 {offsets = [12], sizes = [1], strides = [1]} : vector<16xf32> to vector<1xf32>
    %squeeze3A_110 = vector.extract %slice3A_109[0] : f32 from vector<1xf32>
    %scan3A_111 = arith.constant 0 : i32
    %scan3A_112 = arith.constant 0 : i32
    %scan3A_113 = arith.constant 128 : i32
    %scan3A_114 = arith.addi %scan3A_112, %scan3A_113 : i32
    %scan3A_115 = arith.constant 1 : i32
    scf.for %scan3A_549 = %scan3A_112 to %scan3A_114 step %scan3A_115  : i32 {
      %mul3A_550 = arith.constant 16 : i32
      %mul3A_551 = arith.muli %scan3A_549, %mul3A_550 : i32
      %get3A_552 = arith.index_cast %mul3A_551 : i32 to index
      %get3A_553 = tpu.vector_load %arg8[%get3A_552] {strides = array<i32>} : memref<2048xf32, #tpu.memory_space<vmem>>, vector<16xf32>,
      %get3A_554 = vector.shape_cast %get3A_553 : vector<16xf32> to vector<16xf32>
      %add3A_555 = vector.broadcast %squeeze3A_110 : f32 to vector<16xf32>
      %add3A_556 = arith.addf %get3A_554, %add3A_555 : vector<16xf32>
      %mul3A_557 = arith.constant 16 : i32
      %mul3A_558 = arith.muli %scan3A_549, %mul3A_557 : i32
      %get3A_559 = arith.constant 12 : i32
      %get3A_560 = arith.index_cast %get3A_559 : i32 to index
      %get3A_561 = arith.index_cast %mul3A_558 : i32 to index
      %get3A_562 = tpu.vector_load %arg9[%get3A_560, %get3A_561] {strides = array<i32>} : memref<16x2048xf32, #tpu.memory_space<vmem>>, vector<1x16xf32>,
      %get3A_563 = vector.shape_cast %get3A_562 : vector<1x16xf32> to vector<16xf32>
      %mul3A_564 = arith.mulf %get3A_563, %add3A_556 : vector<16xf32>
      %mul3A_565 = arith.constant 16 : i32
      %mul3A_566 = arith.muli %scan3A_549, %mul3A_565 : i32
      %swap3A = arith.constant 12 : i32
      %swap3A_567 = arith.index_cast %swap3A : i32 to index
      %swap3A_568 = arith.index_cast %mul3A_566 : i32 to index
      %swap3A_569 = tpu.vector_load %arg10[%swap3A_567, %swap3A_568] {strides = array<i32>} : memref<16x2048xf32, #tpu.memory_space<vmem>>, vector<1x16xf32>,
      %swap3A_570 = vector.shape_cast %swap3A_569 : vector<1x16xf32> to vector<16xf32>
      %swap3A_571 = vector.shape_cast %mul3A_564 : vector<16xf32> to vector<1x16xf32>
      tpu.vector_store %arg10[%swap3A_567, %swap3A_568], %swap3A_571 {strides = array<i32>} : memref<16x2048xf32, #tpu.memory_space<vmem>>, vector<1x16xf32>,
    }
    %scan3A_116 = arith.constant 128 : i32
    %slice3A_117 = vector.extract_strided_slice %mul3A_14 {offsets = [13], sizes = [1], strides = [1]} : vector<16xf32> to vector<1xf32>
    %squeeze3A_118 = vector.extract %slice3A_117[0] : f32 from vector<1xf32>
    %scan3A_119 = arith.constant 0 : i32
    %scan3A_120 = arith.constant 0 : i32
    %scan3A_121 = arith.constant 128 : i32
    %scan3A_122 = arith.addi %scan3A_120, %scan3A_121 : i32
    %scan3A_123 = arith.constant 1 : i32
    scf.for %scan3A_549 = %scan3A_120 to %scan3A_122 step %scan3A_123  : i32 {
      %mul3A_550 = arith.constant 16 : i32
      %mul3A_551 = arith.muli %scan3A_549, %mul3A_550 : i32
      %get3A_552 = arith.index_cast %mul3A_551 : i32 to index
      %get3A_553 = tpu.vector_load %arg8[%get3A_552] {strides = array<i32>} : memref<2048xf32, #tpu.memory_space<vmem>>, vector<16xf32>,
      %get3A_554 = vector.shape_cast %get3A_553 : vector<16xf32> to vector<16xf32>
      %add3A_555 = vector.broadcast %squeeze3A_118 : f32 to vector<16xf32>
      %add3A_556 = arith.addf %get3A_554, %add3A_555 : vector<16xf32>
      %mul3A_557 = arith.constant 16 : i32
      %mul3A_558 = arith.muli %scan3A_549, %mul3A_557 : i32
      %get3A_559 = arith.constant 13 : i32
      %get3A_560 = arith.index_cast %get3A_559 : i32 to index
      %get3A_561 = arith.index_cast %mul3A_558 : i32 to index
      %get3A_562 = tpu.vector_load %arg9[%get3A_560, %get3A_561] {strides = array<i32>} : memref<16x2048xf32, #tpu.memory_space<vmem>>, vector<1x16xf32>,
      %get3A_563 = vector.shape_cast %get3A_562 : vector<1x16xf32> to vector<16xf32>
      %mul3A_564 = arith.mulf %get3A_563, %add3A_556 : vector<16xf32>
      %mul3A_565 = arith.constant 16 : i32
      %mul3A_566 = arith.muli %scan3A_549, %mul3A_565 : i32
      %swap3A = arith.constant 13 : i32
      %swap3A_567 = arith.index_cast %swap3A : i32 to index
      %swap3A_568 = arith.index_cast %mul3A_566 : i32 to index
      %swap3A_569 = tpu.vector_load %arg10[%swap3A_567, %swap3A_568] {strides = array<i32>} : memref<16x2048xf32, #tpu.memory_space<vmem>>, vector<1x16xf32>,
      %swap3A_570 = vector.shape_cast %swap3A_569 : vector<1x16xf32> to vector<16xf32>
      %swap3A_571 = vector.shape_cast %mul3A_564 : vector<16xf32> to vector<1x16xf32>
      tpu.vector_store %arg10[%swap3A_567, %swap3A_568], %swap3A_571 {strides = array<i32>} : memref<16x2048xf32, #tpu.memory_space<vmem>>, vector<1x16xf32>,
    }
    %scan3A_124 = arith.constant 128 : i32
    %slice3A_125 = vector.extract_strided_slice %mul3A_14 {offsets = [14], sizes = [1], strides = [1]} : vector<16xf32> to vector<1xf32>
    %squeeze3A_126 = vector.extract %slice3A_125[0] : f32 from vector<1xf32>
    %scan3A_127 = arith.constant 0 : i32
    %scan3A_128 = arith.constant 0 : i32
    %scan3A_129 = arith.constant 128 : i32
    %scan3A_130 = arith.addi %scan3A_128, %scan3A_129 : i32
    %scan3A_131 = arith.constant 1 : i32
    scf.for %scan3A_549 = %scan3A_128 to %scan3A_130 step %scan3A_131  : i32 {
      %mul3A_550 = arith.constant 16 : i32
      %mul3A_551 = arith.muli %scan3A_549, %mul3A_550 : i32
      %get3A_552 = arith.index_cast %mul3A_551 : i32 to index
      %get3A_553 = tpu.vector_load %arg8[%get3A_552] {strides = array<i32>} : memref<2048xf32, #tpu.memory_space<vmem>>, vector<16xf32>,
      %get3A_554 = vector.shape_cast %get3A_553 : vector<16xf32> to vector<16xf32>
      %add3A_555 = vector.broadcast %squeeze3A_126 : f32 to vector<16xf32>
      %add3A_556 = arith.addf %get3A_554, %add3A_555 : vector<16xf32>
      %mul3A_557 = arith.constant 16 : i32
      %mul3A_558 = arith.muli %scan3A_549, %mul3A_557 : i32
      %get3A_559 = arith.constant 14 : i32
      %get3A_560 = arith.index_cast %get3A_559 : i32 to index
      %get3A_561 = arith.index_cast %mul3A_558 : i32 to index
      %get3A_562 = tpu.vector_load %arg9[%get3A_560, %get3A_561] {strides = array<i32>} : memref<16x2048xf32, #tpu.memory_space<vmem>>, vector<1x16xf32>,
      %get3A_563 = vector.shape_cast %get3A_562 : vector<1x16xf32> to vector<16xf32>
      %mul3A_564 = arith.mulf %get3A_563, %add3A_556 : vector<16xf32>
      %mul3A_565 = arith.constant 16 : i32
      %mul3A_566 = arith.muli %scan3A_549, %mul3A_565 : i32
      %swap3A = arith.constant 14 : i32
      %swap3A_567 = arith.index_cast %swap3A : i32 to index
      %swap3A_568 = arith.index_cast %mul3A_566 : i32 to index
      %swap3A_569 = tpu.vector_load %arg10[%swap3A_567, %swap3A_568] {strides = array<i32>} : memref<16x2048xf32, #tpu.memory_space<vmem>>, vector<1x16xf32>,
      %swap3A_570 = vector.shape_cast %swap3A_569 : vector<1x16xf32> to vector<16xf32>
      %swap3A_571 = vector.shape_cast %mul3A_564 : vector<16xf32> to vector<1x16xf32>
      tpu.vector_store %arg10[%swap3A_567, %swap3A_568], %swap3A_571 {strides = array<i32>} : memref<16x2048xf32, #tpu.memory_space<vmem>>, vector<1x16xf32>,
    }
    %scan3A_132 = arith.constant 128 : i32
    %slice3A_133 = vector.extract_strided_slice %mul3A_14 {offsets = [15], sizes = [1], strides = [1]} : vector<16xf32> to vector<1xf32>
    %squeeze3A_134 = vector.extract %slice3A_133[0] : f32 from vector<1xf32>
    %scan3A_135 = arith.constant 0 : i32
    %scan3A_136 = arith.constant 0 : i32
    %scan3A_137 = arith.constant 128 : i32
    %scan3A_138 = arith.addi %scan3A_136, %scan3A_137 : i32
    %scan3A_139 = arith.constant 1 : i32
    scf.for %scan3A_549 = %scan3A_136 to %scan3A_138 step %scan3A_139  : i32 {
      %mul3A_550 = arith.constant 16 : i32
      %mul3A_551 = arith.muli %scan3A_549, %mul3A_550 : i32
      %get3A_552 = arith.index_cast %mul3A_551 : i32 to index
      %get3A_553 = tpu.vector_load %arg8[%get3A_552] {strides = array<i32>} : memref<2048xf32, #tpu.memory_space<vmem>>, vector<16xf32>,
      %get3A_554 = vector.shape_cast %get3A_553 : vector<16xf32> to vector<16xf32>
      %add3A_555 = vector.broadcast %squeeze3A_134 : f32 to vector<16xf32>
      %add3A_556 = arith.addf %get3A_554, %add3A_555 : vector<16xf32>
      %mul3A_557 = arith.constant 16 : i32
      %mul3A_558 = arith.muli %scan3A_549, %mul3A_557 : i32
      %get3A_559 = arith.constant 15 : i32
      %get3A_560 = arith.index_cast %get3A_559 : i32 to index
      %get3A_561 = arith.index_cast %mul3A_558 : i32 to index
      %get3A_562 = tpu.vector_load %arg9[%get3A_560, %get3A_561] {strides = array<i32>} : memref<16x2048xf32, #tpu.memory_space<vmem>>, vector<1x16xf32>,
      %get3A_563 = vector.shape_cast %get3A_562 : vector<1x16xf32> to vector<16xf32>
      %mul3A_564 = arith.mulf %get3A_563, %add3A_556 : vector<16xf32>
      %mul3A_565 = arith.constant 16 : i32
      %mul3A_566 = arith.muli %scan3A_549, %mul3A_565 : i32
      %swap3A = arith.constant 15 : i32
      %swap3A_567 = arith.index_cast %swap3A : i32 to index
      %swap3A_568 = arith.index_cast %mul3A_566 : i32 to index
      %swap3A_569 = tpu.vector_load %arg10[%swap3A_567, %swap3A_568] {strides = array<i32>} : memref<16x2048xf32, #tpu.memory_space<vmem>>, vector<1x16xf32>,
      %swap3A_570 = vector.shape_cast %swap3A_569 : vector<1x16xf32> to vector<16xf32>
      %swap3A_571 = vector.shape_cast %mul3A_564 : vector<16xf32> to vector<1x16xf32>
      tpu.vector_store %arg10[%swap3A_567, %swap3A_568], %swap3A_571 {strides = array<i32>} : memref<16x2048xf32, #tpu.memory_space<vmem>>, vector<1x16xf32>,
    }
    %scan3A_140 = arith.constant 128 : i32
    "tpu.region"() ({
      %run_scoped3A = tpu.sem_alloc : memref<!tpu.dma_semaphore, #tpu.memory_space<semaphore_mem>>
      %dma_start3A = arith.constant 0 : i32
      %dma_start3A_549 = tpu.memref_slice %arg5[%add3A_9, %dma_start3A] : memref<2048x2048xf32, #tpu.memory_space<hbm>> -> memref<16x2048xf32, #tpu.memory_space<hbm>>
      %dma_start3A_550 = arith.constant 0 : i32
      %dma_start3A_551 = tpu.memref_slice %arg5[%add3A_9, %dma_start3A_550] : memref<2048x2048xf32, #tpu.memory_space<hbm>> -> memref<16x2048xf32, #tpu.memory_space<hbm>>
      tpu.enqueue_dma source(%arg10 : memref<16x2048xf32, #tpu.memory_space<vmem>>) target(%dma_start3A_551 : memref<16x2048xf32, #tpu.memory_space<hbm>>) target_semaphore(%run_scoped3A : memref<!tpu.dma_semaphore, #tpu.memory_space<semaphore_mem>>)
      %dma_wait3A = arith.constant 0 : i32
      %dma_wait3A_552 = tpu.memref_slice %arg5[%add3A_9, %dma_wait3A] : memref<2048x2048xf32, #tpu.memory_space<hbm>> -> memref<16x2048xf32, #tpu.memory_space<hbm>>
      %dma_wait3A_553 = arith.constant 0 : i32
      %dma_wait3A_554 = tpu.memref_slice %arg5[%add3A_9, %dma_wait3A_553] : memref<2048x2048xf32, #tpu.memory_space<hbm>> -> memref<16x2048xf32, #tpu.memory_space<hbm>>
      tpu.wait_dma2 semaphore(%run_scoped3A : memref<!tpu.dma_semaphore, #tpu.memory_space<semaphore_mem>>) src(%arg10 : memref<16x2048xf32, #tpu.memory_space<vmem>>) dst(%dma_wait3A_554 : memref<16x2048xf32, #tpu.memory_space<hbm>>)
      tpu.yield
    }) : () -> ()
    %add3A_141 = arith.constant 16 : i32
    %add3A_142 = arith.addi %mul3A_2, %add3A_141 : i32
    "tpu.region"() ({
      %run_scoped3A = tpu.sem_alloc : memref<!tpu.dma_semaphore, #tpu.memory_space<semaphore_mem>>
      %dma_start3A = arith.constant 0 : i32
      %dma_start3A_549 = tpu.memref_slice %arg2[%add3A_142, %dma_start3A] : memref<2048x2048xf32, #tpu.memory_space<hbm>> -> memref<16x2048xf32, #tpu.memory_space<hbm>>
      %dma_start3A_550 = arith.constant 0 : i32
      %dma_start3A_551 = tpu.memref_slice %arg2[%add3A_142, %dma_start3A_550] : memref<2048x2048xf32, #tpu.memory_space<hbm>> -> memref<16x2048xf32, #tpu.memory_space<hbm>>
      tpu.enqueue_dma source(%dma_start3A_551 : memref<16x2048xf32, #tpu.memory_space<hbm>>) target(%arg9 : memref<16x2048xf32, #tpu.memory_space<vmem>>) target_semaphore(%run_scoped3A : memref<!tpu.dma_semaphore, #tpu.memory_space<semaphore_mem>>)
      %dma_wait3A = arith.constant 0 : i32
      %dma_wait3A_552 = tpu.memref_slice %arg2[%add3A_142, %dma_wait3A] : memref<2048x2048xf32, #tpu.memory_space<hbm>> -> memref<16x2048xf32, #tpu.memory_space<hbm>>
      %dma_wait3A_553 = arith.constant 0 : i32
      %dma_wait3A_554 = tpu.memref_slice %arg2[%add3A_142, %dma_wait3A_553] : memref<2048x2048xf32, #tpu.memory_space<hbm>> -> memref<16x2048xf32, #tpu.memory_space<hbm>>
      tpu.wait_dma2 semaphore(%run_scoped3A : memref<!tpu.dma_semaphore, #tpu.memory_space<semaphore_mem>>) src(%dma_wait3A_554 : memref<16x2048xf32, #tpu.memory_space<hbm>>) dst(%arg9 : memref<16x2048xf32, #tpu.memory_space<vmem>>)
      tpu.yield
    }) : () -> ()
    %get3A_143 = arith.constant 16 : index
    %get3A_144 = tpu.vector_load %arg6[%get3A_143] {strides = array<i32>} : memref<64xf32, #tpu.memory_space<vmem>>, vector<16xf32>,
    %get3A_145 = vector.shape_cast %get3A_144 : vector<16xf32> to vector<16xf32>
    %mul3A_146 = arith.constant 2.000000e+00 : f32
    %mul3A_147 = vector.broadcast %mul3A_146 : f32 to vector<16xf32>
    %mul3A_148 = arith.mulf %get3A_145, %mul3A_147 : vector<16xf32>
    %slice3A_149 = vector.extract_strided_slice %mul3A_148 {offsets = [0], sizes = [1], strides = [1]} : vector<16xf32> to vector<1xf32>
    %squeeze3A_150 = vector.extract %slice3A_149[0] : f32 from vector<1xf32>
    %scan3A_151 = arith.constant 0 : i32
    %scan3A_152 = arith.constant 0 : i32
    %scan3A_153 = arith.constant 128 : i32
    %scan3A_154 = arith.addi %scan3A_152, %scan3A_153 : i32
    %scan3A_155 = arith.constant 1 : i32
    scf.for %scan3A_549 = %scan3A_152 to %scan3A_154 step %scan3A_155  : i32 {
      %mul3A_550 = arith.constant 16 : i32
      %mul3A_551 = arith.muli %scan3A_549, %mul3A_550 : i32
      %get3A_552 = arith.index_cast %mul3A_551 : i32 to index
      %get3A_553 = tpu.vector_load %arg8[%get3A_552] {strides = array<i32>} : memref<2048xf32, #tpu.memory_space<vmem>>, vector<16xf32>,
      %get3A_554 = vector.shape_cast %get3A_553 : vector<16xf32> to vector<16xf32>
      %add3A_555 = vector.broadcast %squeeze3A_150 : f32 to vector<16xf32>
      %add3A_556 = arith.addf %get3A_554, %add3A_555 : vector<16xf32>
      %mul3A_557 = arith.constant 16 : i32
      %mul3A_558 = arith.muli %scan3A_549, %mul3A_557 : i32
      %get3A_559 = arith.constant 0 : i32
      %get3A_560 = arith.index_cast %get3A_559 : i32 to index
      %get3A_561 = arith.index_cast %mul3A_558 : i32 to index
      %get3A_562 = tpu.vector_load %arg9[%get3A_560, %get3A_561] {strides = array<i32>} : memref<16x2048xf32, #tpu.memory_space<vmem>>, vector<1x16xf32>,
      %get3A_563 = vector.shape_cast %get3A_562 : vector<1x16xf32> to vector<16xf32>
      %mul3A_564 = arith.mulf %get3A_563, %add3A_556 : vector<16xf32>
      %mul3A_565 = arith.constant 16 : i32
      %mul3A_566 = arith.muli %scan3A_549, %mul3A_565 : i32
      %swap3A = arith.constant 0 : i32
      %swap3A_567 = arith.index_cast %swap3A : i32 to index
      %swap3A_568 = arith.index_cast %mul3A_566 : i32 to index
      %swap3A_569 = tpu.vector_load %arg10[%swap3A_567, %swap3A_568] {strides = array<i32>} : memref<16x2048xf32, #tpu.memory_space<vmem>>, vector<1x16xf32>,
      %swap3A_570 = vector.shape_cast %swap3A_569 : vector<1x16xf32> to vector<16xf32>
      %swap3A_571 = vector.shape_cast %mul3A_564 : vector<16xf32> to vector<1x16xf32>
      tpu.vector_store %arg10[%swap3A_567, %swap3A_568], %swap3A_571 {strides = array<i32>} : memref<16x2048xf32, #tpu.memory_space<vmem>>, vector<1x16xf32>,
    }
    %scan3A_156 = arith.constant 128 : i32
    %slice3A_157 = vector.extract_strided_slice %mul3A_148 {offsets = [1], sizes = [1], strides = [1]} : vector<16xf32> to vector<1xf32>
    %squeeze3A_158 = vector.extract %slice3A_157[0] : f32 from vector<1xf32>
    %scan3A_159 = arith.constant 0 : i32
    %scan3A_160 = arith.constant 0 : i32
    %scan3A_161 = arith.constant 128 : i32
    %scan3A_162 = arith.addi %scan3A_160, %scan3A_161 : i32
    %scan3A_163 = arith.constant 1 : i32
    scf.for %scan3A_549 = %scan3A_160 to %scan3A_162 step %scan3A_163  : i32 {
      %mul3A_550 = arith.constant 16 : i32
      %mul3A_551 = arith.muli %scan3A_549, %mul3A_550 : i32
      %get3A_552 = arith.index_cast %mul3A_551 : i32 to index
      %get3A_553 = tpu.vector_load %arg8[%get3A_552] {strides = array<i32>} : memref<2048xf32, #tpu.memory_space<vmem>>, vector<16xf32>,
      %get3A_554 = vector.shape_cast %get3A_553 : vector<16xf32> to vector<16xf32>
      %add3A_555 = vector.broadcast %squeeze3A_158 : f32 to vector<16xf32>
      %add3A_556 = arith.addf %get3A_554, %add3A_555 : vector<16xf32>
      %mul3A_557 = arith.constant 16 : i32
      %mul3A_558 = arith.muli %scan3A_549, %mul3A_557 : i32
      %get3A_559 = arith.constant 1 : i32
      %get3A_560 = arith.index_cast %get3A_559 : i32 to index
      %get3A_561 = arith.index_cast %mul3A_558 : i32 to index
      %get3A_562 = tpu.vector_load %arg9[%get3A_560, %get3A_561] {strides = array<i32>} : memref<16x2048xf32, #tpu.memory_space<vmem>>, vector<1x16xf32>,
      %get3A_563 = vector.shape_cast %get3A_562 : vector<1x16xf32> to vector<16xf32>
      %mul3A_564 = arith.mulf %get3A_563, %add3A_556 : vector<16xf32>
      %mul3A_565 = arith.constant 16 : i32
      %mul3A_566 = arith.muli %scan3A_549, %mul3A_565 : i32
      %swap3A = arith.constant 1 : i32
      %swap3A_567 = arith.index_cast %swap3A : i32 to index
      %swap3A_568 = arith.index_cast %mul3A_566 : i32 to index
      %swap3A_569 = tpu.vector_load %arg10[%swap3A_567, %swap3A_568] {strides = array<i32>} : memref<16x2048xf32, #tpu.memory_space<vmem>>, vector<1x16xf32>,
      %swap3A_570 = vector.shape_cast %swap3A_569 : vector<1x16xf32> to vector<16xf32>
      %swap3A_571 = vector.shape_cast %mul3A_564 : vector<16xf32> to vector<1x16xf32>
      tpu.vector_store %arg10[%swap3A_567, %swap3A_568], %swap3A_571 {strides = array<i32>} : memref<16x2048xf32, #tpu.memory_space<vmem>>, vector<1x16xf32>,
    }
    %scan3A_164 = arith.constant 128 : i32
    %slice3A_165 = vector.extract_strided_slice %mul3A_148 {offsets = [2], sizes = [1], strides = [1]} : vector<16xf32> to vector<1xf32>
    %squeeze3A_166 = vector.extract %slice3A_165[0] : f32 from vector<1xf32>
    %scan3A_167 = arith.constant 0 : i32
    %scan3A_168 = arith.constant 0 : i32
    %scan3A_169 = arith.constant 128 : i32
    %scan3A_170 = arith.addi %scan3A_168, %scan3A_169 : i32
    %scan3A_171 = arith.constant 1 : i32
    scf.for %scan3A_549 = %scan3A_168 to %scan3A_170 step %scan3A_171  : i32 {
      %mul3A_550 = arith.constant 16 : i32
      %mul3A_551 = arith.muli %scan3A_549, %mul3A_550 : i32
      %get3A_552 = arith.index_cast %mul3A_551 : i32 to index
      %get3A_553 = tpu.vector_load %arg8[%get3A_552] {strides = array<i32>} : memref<2048xf32, #tpu.memory_space<vmem>>, vector<16xf32>,
      %get3A_554 = vector.shape_cast %get3A_553 : vector<16xf32> to vector<16xf32>
      %add3A_555 = vector.broadcast %squeeze3A_166 : f32 to vector<16xf32>
      %add3A_556 = arith.addf %get3A_554, %add3A_555 : vector<16xf32>
      %mul3A_557 = arith.constant 16 : i32
      %mul3A_558 = arith.muli %scan3A_549, %mul3A_557 : i32
      %get3A_559 = arith.constant 2 : i32
      %get3A_560 = arith.index_cast %get3A_559 : i32 to index
      %get3A_561 = arith.index_cast %mul3A_558 : i32 to index
      %get3A_562 = tpu.vector_load %arg9[%get3A_560, %get3A_561] {strides = array<i32>} : memref<16x2048xf32, #tpu.memory_space<vmem>>, vector<1x16xf32>,
      %get3A_563 = vector.shape_cast %get3A_562 : vector<1x16xf32> to vector<16xf32>
      %mul3A_564 = arith.mulf %get3A_563, %add3A_556 : vector<16xf32>
      %mul3A_565 = arith.constant 16 : i32
      %mul3A_566 = arith.muli %scan3A_549, %mul3A_565 : i32
      %swap3A = arith.constant 2 : i32
      %swap3A_567 = arith.index_cast %swap3A : i32 to index
      %swap3A_568 = arith.index_cast %mul3A_566 : i32 to index
      %swap3A_569 = tpu.vector_load %arg10[%swap3A_567, %swap3A_568] {strides = array<i32>} : memref<16x2048xf32, #tpu.memory_space<vmem>>, vector<1x16xf32>,
      %swap3A_570 = vector.shape_cast %swap3A_569 : vector<1x16xf32> to vector<16xf32>
      %swap3A_571 = vector.shape_cast %mul3A_564 : vector<16xf32> to vector<1x16xf32>
      tpu.vector_store %arg10[%swap3A_567, %swap3A_568], %swap3A_571 {strides = array<i32>} : memref<16x2048xf32, #tpu.memory_space<vmem>>, vector<1x16xf32>,
    }
    %scan3A_172 = arith.constant 128 : i32
    %slice3A_173 = vector.extract_strided_slice %mul3A_148 {offsets = [3], sizes = [1], strides = [1]} : vector<16xf32> to vector<1xf32>
    %squeeze3A_174 = vector.extract %slice3A_173[0] : f32 from vector<1xf32>
    %scan3A_175 = arith.constant 0 : i32
    %scan3A_176 = arith.constant 0 : i32
    %scan3A_177 = arith.constant 128 : i32
    %scan3A_178 = arith.addi %scan3A_176, %scan3A_177 : i32
    %scan3A_179 = arith.constant 1 : i32
    scf.for %scan3A_549 = %scan3A_176 to %scan3A_178 step %scan3A_179  : i32 {
      %mul3A_550 = arith.constant 16 : i32
      %mul3A_551 = arith.muli %scan3A_549, %mul3A_550 : i32
      %get3A_552 = arith.index_cast %mul3A_551 : i32 to index
      %get3A_553 = tpu.vector_load %arg8[%get3A_552] {strides = array<i32>} : memref<2048xf32, #tpu.memory_space<vmem>>, vector<16xf32>,
      %get3A_554 = vector.shape_cast %get3A_553 : vector<16xf32> to vector<16xf32>
      %add3A_555 = vector.broadcast %squeeze3A_174 : f32 to vector<16xf32>
      %add3A_556 = arith.addf %get3A_554, %add3A_555 : vector<16xf32>
      %mul3A_557 = arith.constant 16 : i32
      %mul3A_558 = arith.muli %scan3A_549, %mul3A_557 : i32
      %get3A_559 = arith.constant 3 : i32
      %get3A_560 = arith.index_cast %get3A_559 : i32 to index
      %get3A_561 = arith.index_cast %mul3A_558 : i32 to index
      %get3A_562 = tpu.vector_load %arg9[%get3A_560, %get3A_561] {strides = array<i32>} : memref<16x2048xf32, #tpu.memory_space<vmem>>, vector<1x16xf32>,
      %get3A_563 = vector.shape_cast %get3A_562 : vector<1x16xf32> to vector<16xf32>
      %mul3A_564 = arith.mulf %get3A_563, %add3A_556 : vector<16xf32>
      %mul3A_565 = arith.constant 16 : i32
      %mul3A_566 = arith.muli %scan3A_549, %mul3A_565 : i32
      %swap3A = arith.constant 3 : i32
      %swap3A_567 = arith.index_cast %swap3A : i32 to index
      %swap3A_568 = arith.index_cast %mul3A_566 : i32 to index
      %swap3A_569 = tpu.vector_load %arg10[%swap3A_567, %swap3A_568] {strides = array<i32>} : memref<16x2048xf32, #tpu.memory_space<vmem>>, vector<1x16xf32>,
      %swap3A_570 = vector.shape_cast %swap3A_569 : vector<1x16xf32> to vector<16xf32>
      %swap3A_571 = vector.shape_cast %mul3A_564 : vector<16xf32> to vector<1x16xf32>
      tpu.vector_store %arg10[%swap3A_567, %swap3A_568], %swap3A_571 {strides = array<i32>} : memref<16x2048xf32, #tpu.memory_space<vmem>>, vector<1x16xf32>,
    }
    %scan3A_180 = arith.constant 128 : i32
    %slice3A_181 = vector.extract_strided_slice %mul3A_148 {offsets = [4], sizes = [1], strides = [1]} : vector<16xf32> to vector<1xf32>
    %squeeze3A_182 = vector.extract %slice3A_181[0] : f32 from vector<1xf32>
    %scan3A_183 = arith.constant 0 : i32
    %scan3A_184 = arith.constant 0 : i32
    %scan3A_185 = arith.constant 128 : i32
    %scan3A_186 = arith.addi %scan3A_184, %scan3A_185 : i32
    %scan3A_187 = arith.constant 1 : i32
    scf.for %scan3A_549 = %scan3A_184 to %scan3A_186 step %scan3A_187  : i32 {
      %mul3A_550 = arith.constant 16 : i32
      %mul3A_551 = arith.muli %scan3A_549, %mul3A_550 : i32
      %get3A_552 = arith.index_cast %mul3A_551 : i32 to index
      %get3A_553 = tpu.vector_load %arg8[%get3A_552] {strides = array<i32>} : memref<2048xf32, #tpu.memory_space<vmem>>, vector<16xf32>,
      %get3A_554 = vector.shape_cast %get3A_553 : vector<16xf32> to vector<16xf32>
      %add3A_555 = vector.broadcast %squeeze3A_182 : f32 to vector<16xf32>
      %add3A_556 = arith.addf %get3A_554, %add3A_555 : vector<16xf32>
      %mul3A_557 = arith.constant 16 : i32
      %mul3A_558 = arith.muli %scan3A_549, %mul3A_557 : i32
      %get3A_559 = arith.constant 4 : i32
      %get3A_560 = arith.index_cast %get3A_559 : i32 to index
      %get3A_561 = arith.index_cast %mul3A_558 : i32 to index
      %get3A_562 = tpu.vector_load %arg9[%get3A_560, %get3A_561] {strides = array<i32>} : memref<16x2048xf32, #tpu.memory_space<vmem>>, vector<1x16xf32>,
      %get3A_563 = vector.shape_cast %get3A_562 : vector<1x16xf32> to vector<16xf32>
      %mul3A_564 = arith.mulf %get3A_563, %add3A_556 : vector<16xf32>
      %mul3A_565 = arith.constant 16 : i32
      %mul3A_566 = arith.muli %scan3A_549, %mul3A_565 : i32
      %swap3A = arith.constant 4 : i32
      %swap3A_567 = arith.index_cast %swap3A : i32 to index
      %swap3A_568 = arith.index_cast %mul3A_566 : i32 to index
      %swap3A_569 = tpu.vector_load %arg10[%swap3A_567, %swap3A_568] {strides = array<i32>} : memref<16x2048xf32, #tpu.memory_space<vmem>>, vector<1x16xf32>,
      %swap3A_570 = vector.shape_cast %swap3A_569 : vector<1x16xf32> to vector<16xf32>
      %swap3A_571 = vector.shape_cast %mul3A_564 : vector<16xf32> to vector<1x16xf32>
      tpu.vector_store %arg10[%swap3A_567, %swap3A_568], %swap3A_571 {strides = array<i32>} : memref<16x2048xf32, #tpu.memory_space<vmem>>, vector<1x16xf32>,
    }
    %scan3A_188 = arith.constant 128 : i32
    %slice3A_189 = vector.extract_strided_slice %mul3A_148 {offsets = [5], sizes = [1], strides = [1]} : vector<16xf32> to vector<1xf32>
    %squeeze3A_190 = vector.extract %slice3A_189[0] : f32 from vector<1xf32>
    %scan3A_191 = arith.constant 0 : i32
    %scan3A_192 = arith.constant 0 : i32
    %scan3A_193 = arith.constant 128 : i32
    %scan3A_194 = arith.addi %scan3A_192, %scan3A_193 : i32
    %scan3A_195 = arith.constant 1 : i32
    scf.for %scan3A_549 = %scan3A_192 to %scan3A_194 step %scan3A_195  : i32 {
      %mul3A_550 = arith.constant 16 : i32
      %mul3A_551 = arith.muli %scan3A_549, %mul3A_550 : i32
      %get3A_552 = arith.index_cast %mul3A_551 : i32 to index
      %get3A_553 = tpu.vector_load %arg8[%get3A_552] {strides = array<i32>} : memref<2048xf32, #tpu.memory_space<vmem>>, vector<16xf32>,
      %get3A_554 = vector.shape_cast %get3A_553 : vector<16xf32> to vector<16xf32>
      %add3A_555 = vector.broadcast %squeeze3A_190 : f32 to vector<16xf32>
      %add3A_556 = arith.addf %get3A_554, %add3A_555 : vector<16xf32>
      %mul3A_557 = arith.constant 16 : i32
      %mul3A_558 = arith.muli %scan3A_549, %mul3A_557 : i32
      %get3A_559 = arith.constant 5 : i32
      %get3A_560 = arith.index_cast %get3A_559 : i32 to index
      %get3A_561 = arith.index_cast %mul3A_558 : i32 to index
      %get3A_562 = tpu.vector_load %arg9[%get3A_560, %get3A_561] {strides = array<i32>} : memref<16x2048xf32, #tpu.memory_space<vmem>>, vector<1x16xf32>,
      %get3A_563 = vector.shape_cast %get3A_562 : vector<1x16xf32> to vector<16xf32>
      %mul3A_564 = arith.mulf %get3A_563, %add3A_556 : vector<16xf32>
      %mul3A_565 = arith.constant 16 : i32
      %mul3A_566 = arith.muli %scan3A_549, %mul3A_565 : i32
      %swap3A = arith.constant 5 : i32
      %swap3A_567 = arith.index_cast %swap3A : i32 to index
      %swap3A_568 = arith.index_cast %mul3A_566 : i32 to index
      %swap3A_569 = tpu.vector_load %arg10[%swap3A_567, %swap3A_568] {strides = array<i32>} : memref<16x2048xf32, #tpu.memory_space<vmem>>, vector<1x16xf32>,
      %swap3A_570 = vector.shape_cast %swap3A_569 : vector<1x16xf32> to vector<16xf32>
      %swap3A_571 = vector.shape_cast %mul3A_564 : vector<16xf32> to vector<1x16xf32>
      tpu.vector_store %arg10[%swap3A_567, %swap3A_568], %swap3A_571 {strides = array<i32>} : memref<16x2048xf32, #tpu.memory_space<vmem>>, vector<1x16xf32>,
    }
    %scan3A_196 = arith.constant 128 : i32
    %slice3A_197 = vector.extract_strided_slice %mul3A_148 {offsets = [6], sizes = [1], strides = [1]} : vector<16xf32> to vector<1xf32>
    %squeeze3A_198 = vector.extract %slice3A_197[0] : f32 from vector<1xf32>
    %scan3A_199 = arith.constant 0 : i32
    %scan3A_200 = arith.constant 0 : i32
    %scan3A_201 = arith.constant 128 : i32
    %scan3A_202 = arith.addi %scan3A_200, %scan3A_201 : i32
    %scan3A_203 = arith.constant 1 : i32
    scf.for %scan3A_549 = %scan3A_200 to %scan3A_202 step %scan3A_203  : i32 {
      %mul3A_550 = arith.constant 16 : i32
      %mul3A_551 = arith.muli %scan3A_549, %mul3A_550 : i32
      %get3A_552 = arith.index_cast %mul3A_551 : i32 to index
      %get3A_553 = tpu.vector_load %arg8[%get3A_552] {strides = array<i32>} : memref<2048xf32, #tpu.memory_space<vmem>>, vector<16xf32>,
      %get3A_554 = vector.shape_cast %get3A_553 : vector<16xf32> to vector<16xf32>
      %add3A_555 = vector.broadcast %squeeze3A_198 : f32 to vector<16xf32>
      %add3A_556 = arith.addf %get3A_554, %add3A_555 : vector<16xf32>
      %mul3A_557 = arith.constant 16 : i32
      %mul3A_558 = arith.muli %scan3A_549, %mul3A_557 : i32
      %get3A_559 = arith.constant 6 : i32
      %get3A_560 = arith.index_cast %get3A_559 : i32 to index
      %get3A_561 = arith.index_cast %mul3A_558 : i32 to index
      %get3A_562 = tpu.vector_load %arg9[%get3A_560, %get3A_561] {strides = array<i32>} : memref<16x2048xf32, #tpu.memory_space<vmem>>, vector<1x16xf32>,
      %get3A_563 = vector.shape_cast %get3A_562 : vector<1x16xf32> to vector<16xf32>
      %mul3A_564 = arith.mulf %get3A_563, %add3A_556 : vector<16xf32>
      %mul3A_565 = arith.constant 16 : i32
      %mul3A_566 = arith.muli %scan3A_549, %mul3A_565 : i32
      %swap3A = arith.constant 6 : i32
      %swap3A_567 = arith.index_cast %swap3A : i32 to index
      %swap3A_568 = arith.index_cast %mul3A_566 : i32 to index
      %swap3A_569 = tpu.vector_load %arg10[%swap3A_567, %swap3A_568] {strides = array<i32>} : memref<16x2048xf32, #tpu.memory_space<vmem>>, vector<1x16xf32>,
      %swap3A_570 = vector.shape_cast %swap3A_569 : vector<1x16xf32> to vector<16xf32>
      %swap3A_571 = vector.shape_cast %mul3A_564 : vector<16xf32> to vector<1x16xf32>
      tpu.vector_store %arg10[%swap3A_567, %swap3A_568], %swap3A_571 {strides = array<i32>} : memref<16x2048xf32, #tpu.memory_space<vmem>>, vector<1x16xf32>,
    }
    %scan3A_204 = arith.constant 128 : i32
    %slice3A_205 = vector.extract_strided_slice %mul3A_148 {offsets = [7], sizes = [1], strides = [1]} : vector<16xf32> to vector<1xf32>
    %squeeze3A_206 = vector.extract %slice3A_205[0] : f32 from vector<1xf32>
    %scan3A_207 = arith.constant 0 : i32
    %scan3A_208 = arith.constant 0 : i32
    %scan3A_209 = arith.constant 128 : i32
    %scan3A_210 = arith.addi %scan3A_208, %scan3A_209 : i32
    %scan3A_211 = arith.constant 1 : i32
    scf.for %scan3A_549 = %scan3A_208 to %scan3A_210 step %scan3A_211  : i32 {
      %mul3A_550 = arith.constant 16 : i32
      %mul3A_551 = arith.muli %scan3A_549, %mul3A_550 : i32
      %get3A_552 = arith.index_cast %mul3A_551 : i32 to index
      %get3A_553 = tpu.vector_load %arg8[%get3A_552] {strides = array<i32>} : memref<2048xf32, #tpu.memory_space<vmem>>, vector<16xf32>,
      %get3A_554 = vector.shape_cast %get3A_553 : vector<16xf32> to vector<16xf32>
      %add3A_555 = vector.broadcast %squeeze3A_206 : f32 to vector<16xf32>
      %add3A_556 = arith.addf %get3A_554, %add3A_555 : vector<16xf32>
      %mul3A_557 = arith.constant 16 : i32
      %mul3A_558 = arith.muli %scan3A_549, %mul3A_557 : i32
      %get3A_559 = arith.constant 7 : i32
      %get3A_560 = arith.index_cast %get3A_559 : i32 to index
      %get3A_561 = arith.index_cast %mul3A_558 : i32 to index
      %get3A_562 = tpu.vector_load %arg9[%get3A_560, %get3A_561] {strides = array<i32>} : memref<16x2048xf32, #tpu.memory_space<vmem>>, vector<1x16xf32>,
      %get3A_563 = vector.shape_cast %get3A_562 : vector<1x16xf32> to vector<16xf32>
      %mul3A_564 = arith.mulf %get3A_563, %add3A_556 : vector<16xf32>
      %mul3A_565 = arith.constant 16 : i32
      %mul3A_566 = arith.muli %scan3A_549, %mul3A_565 : i32
      %swap3A = arith.constant 7 : i32
      %swap3A_567 = arith.index_cast %swap3A : i32 to index
      %swap3A_568 = arith.index_cast %mul3A_566 : i32 to index
      %swap3A_569 = tpu.vector_load %arg10[%swap3A_567, %swap3A_568] {strides = array<i32>} : memref<16x2048xf32, #tpu.memory_space<vmem>>, vector<1x16xf32>,
      %swap3A_570 = vector.shape_cast %swap3A_569 : vector<1x16xf32> to vector<16xf32>
      %swap3A_571 = vector.shape_cast %mul3A_564 : vector<16xf32> to vector<1x16xf32>
      tpu.vector_store %arg10[%swap3A_567, %swap3A_568], %swap3A_571 {strides = array<i32>} : memref<16x2048xf32, #tpu.memory_space<vmem>>, vector<1x16xf32>,
    }
    %scan3A_212 = arith.constant 128 : i32
    %slice3A_213 = vector.extract_strided_slice %mul3A_148 {offsets = [8], sizes = [1], strides = [1]} : vector<16xf32> to vector<1xf32>
    %squeeze3A_214 = vector.extract %slice3A_213[0] : f32 from vector<1xf32>
    %scan3A_215 = arith.constant 0 : i32
    %scan3A_216 = arith.constant 0 : i32
    %scan3A_217 = arith.constant 128 : i32
    %scan3A_218 = arith.addi %scan3A_216, %scan3A_217 : i32
    %scan3A_219 = arith.constant 1 : i32
    scf.for %scan3A_549 = %scan3A_216 to %scan3A_218 step %scan3A_219  : i32 {
      %mul3A_550 = arith.constant 16 : i32
      %mul3A_551 = arith.muli %scan3A_549, %mul3A_550 : i32
      %get3A_552 = arith.index_cast %mul3A_551 : i32 to index
      %get3A_553 = tpu.vector_load %arg8[%get3A_552] {strides = array<i32>} : memref<2048xf32, #tpu.memory_space<vmem>>, vector<16xf32>,
      %get3A_554 = vector.shape_cast %get3A_553 : vector<16xf32> to vector<16xf32>
      %add3A_555 = vector.broadcast %squeeze3A_214 : f32 to vector<16xf32>
      %add3A_556 = arith.addf %get3A_554, %add3A_555 : vector<16xf32>
      %mul3A_557 = arith.constant 16 : i32
      %mul3A_558 = arith.muli %scan3A_549, %mul3A_557 : i32
      %get3A_559 = arith.constant 8 : i32
      %get3A_560 = arith.index_cast %get3A_559 : i32 to index
      %get3A_561 = arith.index_cast %mul3A_558 : i32 to index
      %get3A_562 = tpu.vector_load %arg9[%get3A_560, %get3A_561] {strides = array<i32>} : memref<16x2048xf32, #tpu.memory_space<vmem>>, vector<1x16xf32>,
      %get3A_563 = vector.shape_cast %get3A_562 : vector<1x16xf32> to vector<16xf32>
      %mul3A_564 = arith.mulf %get3A_563, %add3A_556 : vector<16xf32>
      %mul3A_565 = arith.constant 16 : i32
      %mul3A_566 = arith.muli %scan3A_549, %mul3A_565 : i32
      %swap3A = arith.constant 8 : i32
      %swap3A_567 = arith.index_cast %swap3A : i32 to index
      %swap3A_568 = arith.index_cast %mul3A_566 : i32 to index
      %swap3A_569 = tpu.vector_load %arg10[%swap3A_567, %swap3A_568] {strides = array<i32>} : memref<16x2048xf32, #tpu.memory_space<vmem>>, vector<1x16xf32>,
      %swap3A_570 = vector.shape_cast %swap3A_569 : vector<1x16xf32> to vector<16xf32>
      %swap3A_571 = vector.shape_cast %mul3A_564 : vector<16xf32> to vector<1x16xf32>
      tpu.vector_store %arg10[%swap3A_567, %swap3A_568], %swap3A_571 {strides = array<i32>} : memref<16x2048xf32, #tpu.memory_space<vmem>>, vector<1x16xf32>,
    }
    %scan3A_220 = arith.constant 128 : i32
    %slice3A_221 = vector.extract_strided_slice %mul3A_148 {offsets = [9], sizes = [1], strides = [1]} : vector<16xf32> to vector<1xf32>
    %squeeze3A_222 = vector.extract %slice3A_221[0] : f32 from vector<1xf32>
    %scan3A_223 = arith.constant 0 : i32
    %scan3A_224 = arith.constant 0 : i32
    %scan3A_225 = arith.constant 128 : i32
    %scan3A_226 = arith.addi %scan3A_224, %scan3A_225 : i32
    %scan3A_227 = arith.constant 1 : i32
    scf.for %scan3A_549 = %scan3A_224 to %scan3A_226 step %scan3A_227  : i32 {
      %mul3A_550 = arith.constant 16 : i32
      %mul3A_551 = arith.muli %scan3A_549, %mul3A_550 : i32
      %get3A_552 = arith.index_cast %mul3A_551 : i32 to index
      %get3A_553 = tpu.vector_load %arg8[%get3A_552] {strides = array<i32>} : memref<2048xf32, #tpu.memory_space<vmem>>, vector<16xf32>,
      %get3A_554 = vector.shape_cast %get3A_553 : vector<16xf32> to vector<16xf32>
      %add3A_555 = vector.broadcast %squeeze3A_222 : f32 to vector<16xf32>
      %add3A_556 = arith.addf %get3A_554, %add3A_555 : vector<16xf32>
      %mul3A_557 = arith.constant 16 : i32
      %mul3A_558 = arith.muli %scan3A_549, %mul3A_557 : i32
      %get3A_559 = arith.constant 9 : i32
      %get3A_560 = arith.index_cast %get3A_559 : i32 to index
      %get3A_561 = arith.index_cast %mul3A_558 : i32 to index
      %get3A_562 = tpu.vector_load %arg9[%get3A_560, %get3A_561] {strides = array<i32>} : memref<16x2048xf32, #tpu.memory_space<vmem>>, vector<1x16xf32>,
      %get3A_563 = vector.shape_cast %get3A_562 : vector<1x16xf32> to vector<16xf32>
      %mul3A_564 = arith.mulf %get3A_563, %add3A_556 : vector<16xf32>
      %mul3A_565 = arith.constant 16 : i32
      %mul3A_566 = arith.muli %scan3A_549, %mul3A_565 : i32
      %swap3A = arith.constant 9 : i32
      %swap3A_567 = arith.index_cast %swap3A : i32 to index
      %swap3A_568 = arith.index_cast %mul3A_566 : i32 to index
      %swap3A_569 = tpu.vector_load %arg10[%swap3A_567, %swap3A_568] {strides = array<i32>} : memref<16x2048xf32, #tpu.memory_space<vmem>>, vector<1x16xf32>,
      %swap3A_570 = vector.shape_cast %swap3A_569 : vector<1x16xf32> to vector<16xf32>
      %swap3A_571 = vector.shape_cast %mul3A_564 : vector<16xf32> to vector<1x16xf32>
      tpu.vector_store %arg10[%swap3A_567, %swap3A_568], %swap3A_571 {strides = array<i32>} : memref<16x2048xf32, #tpu.memory_space<vmem>>, vector<1x16xf32>,
    }
    %scan3A_228 = arith.constant 128 : i32
    %slice3A_229 = vector.extract_strided_slice %mul3A_148 {offsets = [10], sizes = [1], strides = [1]} : vector<16xf32> to vector<1xf32>
    %squeeze3A_230 = vector.extract %slice3A_229[0] : f32 from vector<1xf32>
    %scan3A_231 = arith.constant 0 : i32
    %scan3A_232 = arith.constant 0 : i32
    %scan3A_233 = arith.constant 128 : i32
    %scan3A_234 = arith.addi %scan3A_232, %scan3A_233 : i32
    %scan3A_235 = arith.constant 1 : i32
    scf.for %scan3A_549 = %scan3A_232 to %scan3A_234 step %scan3A_235  : i32 {
      %mul3A_550 = arith.constant 16 : i32
      %mul3A_551 = arith.muli %scan3A_549, %mul3A_550 : i32
      %get3A_552 = arith.index_cast %mul3A_551 : i32 to index
      %get3A_553 = tpu.vector_load %arg8[%get3A_552] {strides = array<i32>} : memref<2048xf32, #tpu.memory_space<vmem>>, vector<16xf32>,
      %get3A_554 = vector.shape_cast %get3A_553 : vector<16xf32> to vector<16xf32>
      %add3A_555 = vector.broadcast %squeeze3A_230 : f32 to vector<16xf32>
      %add3A_556 = arith.addf %get3A_554, %add3A_555 : vector<16xf32>
      %mul3A_557 = arith.constant 16 : i32
      %mul3A_558 = arith.muli %scan3A_549, %mul3A_557 : i32
      %get3A_559 = arith.constant 10 : i32
      %get3A_560 = arith.index_cast %get3A_559 : i32 to index
      %get3A_561 = arith.index_cast %mul3A_558 : i32 to index
      %get3A_562 = tpu.vector_load %arg9[%get3A_560, %get3A_561] {strides = array<i32>} : memref<16x2048xf32, #tpu.memory_space<vmem>>, vector<1x16xf32>,
      %get3A_563 = vector.shape_cast %get3A_562 : vector<1x16xf32> to vector<16xf32>
      %mul3A_564 = arith.mulf %get3A_563, %add3A_556 : vector<16xf32>
      %mul3A_565 = arith.constant 16 : i32
      %mul3A_566 = arith.muli %scan3A_549, %mul3A_565 : i32
      %swap3A = arith.constant 10 : i32
      %swap3A_567 = arith.index_cast %swap3A : i32 to index
      %swap3A_568 = arith.index_cast %mul3A_566 : i32 to index
      %swap3A_569 = tpu.vector_load %arg10[%swap3A_567, %swap3A_568] {strides = array<i32>} : memref<16x2048xf32, #tpu.memory_space<vmem>>, vector<1x16xf32>,
      %swap3A_570 = vector.shape_cast %swap3A_569 : vector<1x16xf32> to vector<16xf32>
      %swap3A_571 = vector.shape_cast %mul3A_564 : vector<16xf32> to vector<1x16xf32>
      tpu.vector_store %arg10[%swap3A_567, %swap3A_568], %swap3A_571 {strides = array<i32>} : memref<16x2048xf32, #tpu.memory_space<vmem>>, vector<1x16xf32>,
    }
    %scan3A_236 = arith.constant 128 : i32
    %slice3A_237 = vector.extract_strided_slice %mul3A_148 {offsets = [11], sizes = [1], strides = [1]} : vector<16xf32> to vector<1xf32>
    %squeeze3A_238 = vector.extract %slice3A_237[0] : f32 from vector<1xf32>
    %scan3A_239 = arith.constant 0 : i32
    %scan3A_240 = arith.constant 0 : i32
    %scan3A_241 = arith.constant 128 : i32
    %scan3A_242 = arith.addi %scan3A_240, %scan3A_241 : i32
    %scan3A_243 = arith.constant 1 : i32
    scf.for %scan3A_549 = %scan3A_240 to %scan3A_242 step %scan3A_243  : i32 {
      %mul3A_550 = arith.constant 16 : i32
      %mul3A_551 = arith.muli %scan3A_549, %mul3A_550 : i32
      %get3A_552 = arith.index_cast %mul3A_551 : i32 to index
      %get3A_553 = tpu.vector_load %arg8[%get3A_552] {strides = array<i32>} : memref<2048xf32, #tpu.memory_space<vmem>>, vector<16xf32>,
      %get3A_554 = vector.shape_cast %get3A_553 : vector<16xf32> to vector<16xf32>
      %add3A_555 = vector.broadcast %squeeze3A_238 : f32 to vector<16xf32>
      %add3A_556 = arith.addf %get3A_554, %add3A_555 : vector<16xf32>
      %mul3A_557 = arith.constant 16 : i32
      %mul3A_558 = arith.muli %scan3A_549, %mul3A_557 : i32
      %get3A_559 = arith.constant 11 : i32
      %get3A_560 = arith.index_cast %get3A_559 : i32 to index
      %get3A_561 = arith.index_cast %mul3A_558 : i32 to index
      %get3A_562 = tpu.vector_load %arg9[%get3A_560, %get3A_561] {strides = array<i32>} : memref<16x2048xf32, #tpu.memory_space<vmem>>, vector<1x16xf32>,
      %get3A_563 = vector.shape_cast %get3A_562 : vector<1x16xf32> to vector<16xf32>
      %mul3A_564 = arith.mulf %get3A_563, %add3A_556 : vector<16xf32>
      %mul3A_565 = arith.constant 16 : i32
      %mul3A_566 = arith.muli %scan3A_549, %mul3A_565 : i32
      %swap3A = arith.constant 11 : i32
      %swap3A_567 = arith.index_cast %swap3A : i32 to index
      %swap3A_568 = arith.index_cast %mul3A_566 : i32 to index
      %swap3A_569 = tpu.vector_load %arg10[%swap3A_567, %swap3A_568] {strides = array<i32>} : memref<16x2048xf32, #tpu.memory_space<vmem>>, vector<1x16xf32>,
      %swap3A_570 = vector.shape_cast %swap3A_569 : vector<1x16xf32> to vector<16xf32>
      %swap3A_571 = vector.shape_cast %mul3A_564 : vector<16xf32> to vector<1x16xf32>
      tpu.vector_store %arg10[%swap3A_567, %swap3A_568], %swap3A_571 {strides = array<i32>} : memref<16x2048xf32, #tpu.memory_space<vmem>>, vector<1x16xf32>,
    }
    %scan3A_244 = arith.constant 128 : i32
    %slice3A_245 = vector.extract_strided_slice %mul3A_148 {offsets = [12], sizes = [1], strides = [1]} : vector<16xf32> to vector<1xf32>
    %squeeze3A_246 = vector.extract %slice3A_245[0] : f32 from vector<1xf32>
    %scan3A_247 = arith.constant 0 : i32
    %scan3A_248 = arith.constant 0 : i32
    %scan3A_249 = arith.constant 128 : i32
    %scan3A_250 = arith.addi %scan3A_248, %scan3A_249 : i32
    %scan3A_251 = arith.constant 1 : i32
    scf.for %scan3A_549 = %scan3A_248 to %scan3A_250 step %scan3A_251  : i32 {
      %mul3A_550 = arith.constant 16 : i32
      %mul3A_551 = arith.muli %scan3A_549, %mul3A_550 : i32
      %get3A_552 = arith.index_cast %mul3A_551 : i32 to index
      %get3A_553 = tpu.vector_load %arg8[%get3A_552] {strides = array<i32>} : memref<2048xf32, #tpu.memory_space<vmem>>, vector<16xf32>,
      %get3A_554 = vector.shape_cast %get3A_553 : vector<16xf32> to vector<16xf32>
      %add3A_555 = vector.broadcast %squeeze3A_246 : f32 to vector<16xf32>
      %add3A_556 = arith.addf %get3A_554, %add3A_555 : vector<16xf32>
      %mul3A_557 = arith.constant 16 : i32
      %mul3A_558 = arith.muli %scan3A_549, %mul3A_557 : i32
      %get3A_559 = arith.constant 12 : i32
      %get3A_560 = arith.index_cast %get3A_559 : i32 to index
      %get3A_561 = arith.index_cast %mul3A_558 : i32 to index
      %get3A_562 = tpu.vector_load %arg9[%get3A_560, %get3A_561] {strides = array<i32>} : memref<16x2048xf32, #tpu.memory_space<vmem>>, vector<1x16xf32>,
      %get3A_563 = vector.shape_cast %get3A_562 : vector<1x16xf32> to vector<16xf32>
      %mul3A_564 = arith.mulf %get3A_563, %add3A_556 : vector<16xf32>
      %mul3A_565 = arith.constant 16 : i32
      %mul3A_566 = arith.muli %scan3A_549, %mul3A_565 : i32
      %swap3A = arith.constant 12 : i32
      %swap3A_567 = arith.index_cast %swap3A : i32 to index
      %swap3A_568 = arith.index_cast %mul3A_566 : i32 to index
      %swap3A_569 = tpu.vector_load %arg10[%swap3A_567, %swap3A_568] {strides = array<i32>} : memref<16x2048xf32, #tpu.memory_space<vmem>>, vector<1x16xf32>,
      %swap3A_570 = vector.shape_cast %swap3A_569 : vector<1x16xf32> to vector<16xf32>
      %swap3A_571 = vector.shape_cast %mul3A_564 : vector<16xf32> to vector<1x16xf32>
      tpu.vector_store %arg10[%swap3A_567, %swap3A_568], %swap3A_571 {strides = array<i32>} : memref<16x2048xf32, #tpu.memory_space<vmem>>, vector<1x16xf32>,
    }
    %scan3A_252 = arith.constant 128 : i32
    %slice3A_253 = vector.extract_strided_slice %mul3A_148 {offsets = [13], sizes = [1], strides = [1]} : vector<16xf32> to vector<1xf32>
    %squeeze3A_254 = vector.extract %slice3A_253[0] : f32 from vector<1xf32>
    %scan3A_255 = arith.constant 0 : i32
    %scan3A_256 = arith.constant 0 : i32
    %scan3A_257 = arith.constant 128 : i32
    %scan3A_258 = arith.addi %scan3A_256, %scan3A_257 : i32
    %scan3A_259 = arith.constant 1 : i32
    scf.for %scan3A_549 = %scan3A_256 to %scan3A_258 step %scan3A_259  : i32 {
      %mul3A_550 = arith.constant 16 : i32
      %mul3A_551 = arith.muli %scan3A_549, %mul3A_550 : i32
      %get3A_552 = arith.index_cast %mul3A_551 : i32 to index
      %get3A_553 = tpu.vector_load %arg8[%get3A_552] {strides = array<i32>} : memref<2048xf32, #tpu.memory_space<vmem>>, vector<16xf32>,
      %get3A_554 = vector.shape_cast %get3A_553 : vector<16xf32> to vector<16xf32>
      %add3A_555 = vector.broadcast %squeeze3A_254 : f32 to vector<16xf32>
      %add3A_556 = arith.addf %get3A_554, %add3A_555 : vector<16xf32>
      %mul3A_557 = arith.constant 16 : i32
      %mul3A_558 = arith.muli %scan3A_549, %mul3A_557 : i32
      %get3A_559 = arith.constant 13 : i32
      %get3A_560 = arith.index_cast %get3A_559 : i32 to index
      %get3A_561 = arith.index_cast %mul3A_558 : i32 to index
      %get3A_562 = tpu.vector_load %arg9[%get3A_560, %get3A_561] {strides = array<i32>} : memref<16x2048xf32, #tpu.memory_space<vmem>>, vector<1x16xf32>,
      %get3A_563 = vector.shape_cast %get3A_562 : vector<1x16xf32> to vector<16xf32>
      %mul3A_564 = arith.mulf %get3A_563, %add3A_556 : vector<16xf32>
      %mul3A_565 = arith.constant 16 : i32
      %mul3A_566 = arith.muli %scan3A_549, %mul3A_565 : i32
      %swap3A = arith.constant 13 : i32
      %swap3A_567 = arith.index_cast %swap3A : i32 to index
      %swap3A_568 = arith.index_cast %mul3A_566 : i32 to index
      %swap3A_569 = tpu.vector_load %arg10[%swap3A_567, %swap3A_568] {strides = array<i32>} : memref<16x2048xf32, #tpu.memory_space<vmem>>, vector<1x16xf32>,
      %swap3A_570 = vector.shape_cast %swap3A_569 : vector<1x16xf32> to vector<16xf32>
      %swap3A_571 = vector.shape_cast %mul3A_564 : vector<16xf32> to vector<1x16xf32>
      tpu.vector_store %arg10[%swap3A_567, %swap3A_568], %swap3A_571 {strides = array<i32>} : memref<16x2048xf32, #tpu.memory_space<vmem>>, vector<1x16xf32>,
    }
    %scan3A_260 = arith.constant 128 : i32
    %slice3A_261 = vector.extract_strided_slice %mul3A_148 {offsets = [14], sizes = [1], strides = [1]} : vector<16xf32> to vector<1xf32>
    %squeeze3A_262 = vector.extract %slice3A_261[0] : f32 from vector<1xf32>
    %scan3A_263 = arith.constant 0 : i32
    %scan3A_264 = arith.constant 0 : i32
    %scan3A_265 = arith.constant 128 : i32
    %scan3A_266 = arith.addi %scan3A_264, %scan3A_265 : i32
    %scan3A_267 = arith.constant 1 : i32
    scf.for %scan3A_549 = %scan3A_264 to %scan3A_266 step %scan3A_267  : i32 {
      %mul3A_550 = arith.constant 16 : i32
      %mul3A_551 = arith.muli %scan3A_549, %mul3A_550 : i32
      %get3A_552 = arith.index_cast %mul3A_551 : i32 to index
      %get3A_553 = tpu.vector_load %arg8[%get3A_552] {strides = array<i32>} : memref<2048xf32, #tpu.memory_space<vmem>>, vector<16xf32>,
      %get3A_554 = vector.shape_cast %get3A_553 : vector<16xf32> to vector<16xf32>
      %add3A_555 = vector.broadcast %squeeze3A_262 : f32 to vector<16xf32>
      %add3A_556 = arith.addf %get3A_554, %add3A_555 : vector<16xf32>
      %mul3A_557 = arith.constant 16 : i32
      %mul3A_558 = arith.muli %scan3A_549, %mul3A_557 : i32
      %get3A_559 = arith.constant 14 : i32
      %get3A_560 = arith.index_cast %get3A_559 : i32 to index
      %get3A_561 = arith.index_cast %mul3A_558 : i32 to index
      %get3A_562 = tpu.vector_load %arg9[%get3A_560, %get3A_561] {strides = array<i32>} : memref<16x2048xf32, #tpu.memory_space<vmem>>, vector<1x16xf32>,
      %get3A_563 = vector.shape_cast %get3A_562 : vector<1x16xf32> to vector<16xf32>
      %mul3A_564 = arith.mulf %get3A_563, %add3A_556 : vector<16xf32>
      %mul3A_565 = arith.constant 16 : i32
      %mul3A_566 = arith.muli %scan3A_549, %mul3A_565 : i32
      %swap3A = arith.constant 14 : i32
      %swap3A_567 = arith.index_cast %swap3A : i32 to index
      %swap3A_568 = arith.index_cast %mul3A_566 : i32 to index
      %swap3A_569 = tpu.vector_load %arg10[%swap3A_567, %swap3A_568] {strides = array<i32>} : memref<16x2048xf32, #tpu.memory_space<vmem>>, vector<1x16xf32>,
      %swap3A_570 = vector.shape_cast %swap3A_569 : vector<1x16xf32> to vector<16xf32>
      %swap3A_571 = vector.shape_cast %mul3A_564 : vector<16xf32> to vector<1x16xf32>
      tpu.vector_store %arg10[%swap3A_567, %swap3A_568], %swap3A_571 {strides = array<i32>} : memref<16x2048xf32, #tpu.memory_space<vmem>>, vector<1x16xf32>,
    }
    %scan3A_268 = arith.constant 128 : i32
    %slice3A_269 = vector.extract_strided_slice %mul3A_148 {offsets = [15], sizes = [1], strides = [1]} : vector<16xf32> to vector<1xf32>
    %squeeze3A_270 = vector.extract %slice3A_269[0] : f32 from vector<1xf32>
    %scan3A_271 = arith.constant 0 : i32
    %scan3A_272 = arith.constant 0 : i32
    %scan3A_273 = arith.constant 128 : i32
    %scan3A_274 = arith.addi %scan3A_272, %scan3A_273 : i32
    %scan3A_275 = arith.constant 1 : i32
    scf.for %scan3A_549 = %scan3A_272 to %scan3A_274 step %scan3A_275  : i32 {
      %mul3A_550 = arith.constant 16 : i32
      %mul3A_551 = arith.muli %scan3A_549, %mul3A_550 : i32
      %get3A_552 = arith.index_cast %mul3A_551 : i32 to index
      %get3A_553 = tpu.vector_load %arg8[%get3A_552] {strides = array<i32>} : memref<2048xf32, #tpu.memory_space<vmem>>, vector<16xf32>,
      %get3A_554 = vector.shape_cast %get3A_553 : vector<16xf32> to vector<16xf32>
      %add3A_555 = vector.broadcast %squeeze3A_270 : f32 to vector<16xf32>
      %add3A_556 = arith.addf %get3A_554, %add3A_555 : vector<16xf32>
      %mul3A_557 = arith.constant 16 : i32
      %mul3A_558 = arith.muli %scan3A_549, %mul3A_557 : i32
      %get3A_559 = arith.constant 15 : i32
      %get3A_560 = arith.index_cast %get3A_559 : i32 to index
      %get3A_561 = arith.index_cast %mul3A_558 : i32 to index
      %get3A_562 = tpu.vector_load %arg9[%get3A_560, %get3A_561] {strides = array<i32>} : memref<16x2048xf32, #tpu.memory_space<vmem>>, vector<1x16xf32>,
      %get3A_563 = vector.shape_cast %get3A_562 : vector<1x16xf32> to vector<16xf32>
      %mul3A_564 = arith.mulf %get3A_563, %add3A_556 : vector<16xf32>
      %mul3A_565 = arith.constant 16 : i32
      %mul3A_566 = arith.muli %scan3A_549, %mul3A_565 : i32
      %swap3A = arith.constant 15 : i32
      %swap3A_567 = arith.index_cast %swap3A : i32 to index
      %swap3A_568 = arith.index_cast %mul3A_566 : i32 to index
      %swap3A_569 = tpu.vector_load %arg10[%swap3A_567, %swap3A_568] {strides = array<i32>} : memref<16x2048xf32, #tpu.memory_space<vmem>>, vector<1x16xf32>,
      %swap3A_570 = vector.shape_cast %swap3A_569 : vector<1x16xf32> to vector<16xf32>
      %swap3A_571 = vector.shape_cast %mul3A_564 : vector<16xf32> to vector<1x16xf32>
      tpu.vector_store %arg10[%swap3A_567, %swap3A_568], %swap3A_571 {strides = array<i32>} : memref<16x2048xf32, #tpu.memory_space<vmem>>, vector<1x16xf32>,
    }
    %scan3A_276 = arith.constant 128 : i32
    "tpu.region"() ({
      %run_scoped3A = tpu.sem_alloc : memref<!tpu.dma_semaphore, #tpu.memory_space<semaphore_mem>>
      %dma_start3A = arith.constant 0 : i32
      %dma_start3A_549 = tpu.memref_slice %arg5[%add3A_142, %dma_start3A] : memref<2048x2048xf32, #tpu.memory_space<hbm>> -> memref<16x2048xf32, #tpu.memory_space<hbm>>
      %dma_start3A_550 = arith.constant 0 : i32
      %dma_start3A_551 = tpu.memref_slice %arg5[%add3A_142, %dma_start3A_550] : memref<2048x2048xf32, #tpu.memory_space<hbm>> -> memref<16x2048xf32, #tpu.memory_space<hbm>>
      tpu.enqueue_dma source(%arg10 : memref<16x2048xf32, #tpu.memory_space<vmem>>) target(%dma_start3A_551 : memref<16x2048xf32, #tpu.memory_space<hbm>>) target_semaphore(%run_scoped3A : memref<!tpu.dma_semaphore, #tpu.memory_space<semaphore_mem>>)
      %dma_wait3A = arith.constant 0 : i32
      %dma_wait3A_552 = tpu.memref_slice %arg5[%add3A_142, %dma_wait3A] : memref<2048x2048xf32, #tpu.memory_space<hbm>> -> memref<16x2048xf32, #tpu.memory_space<hbm>>
      %dma_wait3A_553 = arith.constant 0 : i32
      %dma_wait3A_554 = tpu.memref_slice %arg5[%add3A_142, %dma_wait3A_553] : memref<2048x2048xf32, #tpu.memory_space<hbm>> -> memref<16x2048xf32, #tpu.memory_space<hbm>>
      tpu.wait_dma2 semaphore(%run_scoped3A : memref<!tpu.dma_semaphore, #tpu.memory_space<semaphore_mem>>) src(%arg10 : memref<16x2048xf32, #tpu.memory_space<vmem>>) dst(%dma_wait3A_554 : memref<16x2048xf32, #tpu.memory_space<hbm>>)
      tpu.yield
    }) : () -> ()
    %add3A_277 = arith.constant 32 : i32
    %add3A_278 = arith.addi %mul3A_2, %add3A_277 : i32
    "tpu.region"() ({
      %run_scoped3A = tpu.sem_alloc : memref<!tpu.dma_semaphore, #tpu.memory_space<semaphore_mem>>
      %dma_start3A = arith.constant 0 : i32
      %dma_start3A_549 = tpu.memref_slice %arg2[%add3A_278, %dma_start3A] : memref<2048x2048xf32, #tpu.memory_space<hbm>> -> memref<16x2048xf32, #tpu.memory_space<hbm>>
      %dma_start3A_550 = arith.constant 0 : i32
      %dma_start3A_551 = tpu.memref_slice %arg2[%add3A_278, %dma_start3A_550] : memref<2048x2048xf32, #tpu.memory_space<hbm>> -> memref<16x2048xf32, #tpu.memory_space<hbm>>
      tpu.enqueue_dma source(%dma_start3A_551 : memref<16x2048xf32, #tpu.memory_space<hbm>>) target(%arg9 : memref<16x2048xf32, #tpu.memory_space<vmem>>) target_semaphore(%run_scoped3A : memref<!tpu.dma_semaphore, #tpu.memory_space<semaphore_mem>>)
      %dma_wait3A = arith.constant 0 : i32
      %dma_wait3A_552 = tpu.memref_slice %arg2[%add3A_278, %dma_wait3A] : memref<2048x2048xf32, #tpu.memory_space<hbm>> -> memref<16x2048xf32, #tpu.memory_space<hbm>>
      %dma_wait3A_553 = arith.constant 0 : i32
      %dma_wait3A_554 = tpu.memref_slice %arg2[%add3A_278, %dma_wait3A_553] : memref<2048x2048xf32, #tpu.memory_space<hbm>> -> memref<16x2048xf32, #tpu.memory_space<hbm>>
      tpu.wait_dma2 semaphore(%run_scoped3A : memref<!tpu.dma_semaphore, #tpu.memory_space<semaphore_mem>>) src(%dma_wait3A_554 : memref<16x2048xf32, #tpu.memory_space<hbm>>) dst(%arg9 : memref<16x2048xf32, #tpu.memory_space<vmem>>)
      tpu.yield
    }) : () -> ()
    %get3A_279 = arith.constant 32 : index
    %get3A_280 = tpu.vector_load %arg6[%get3A_279] {strides = array<i32>} : memref<64xf32, #tpu.memory_space<vmem>>, vector<16xf32>,
    %get3A_281 = vector.shape_cast %get3A_280 : vector<16xf32> to vector<16xf32>
    %mul3A_282 = arith.constant 2.000000e+00 : f32
    %mul3A_283 = vector.broadcast %mul3A_282 : f32 to vector<16xf32>
    %mul3A_284 = arith.mulf %get3A_281, %mul3A_283 : vector<16xf32>
    %slice3A_285 = vector.extract_strided_slice %mul3A_284 {offsets = [0], sizes = [1], strides = [1]} : vector<16xf32> to vector<1xf32>
    %squeeze3A_286 = vector.extract %slice3A_285[0] : f32 from vector<1xf32>
    %scan3A_287 = arith.constant 0 : i32
    %scan3A_288 = arith.constant 0 : i32
    %scan3A_289 = arith.constant 128 : i32
    %scan3A_290 = arith.addi %scan3A_288, %scan3A_289 : i32
    %scan3A_291 = arith.constant 1 : i32
    scf.for %scan3A_549 = %scan3A_288 to %scan3A_290 step %scan3A_291  : i32 {
      %mul3A_550 = arith.constant 16 : i32
      %mul3A_551 = arith.muli %scan3A_549, %mul3A_550 : i32
      %get3A_552 = arith.index_cast %mul3A_551 : i32 to index
      %get3A_553 = tpu.vector_load %arg8[%get3A_552] {strides = array<i32>} : memref<2048xf32, #tpu.memory_space<vmem>>, vector<16xf32>,
      %get3A_554 = vector.shape_cast %get3A_553 : vector<16xf32> to vector<16xf32>
      %add3A_555 = vector.broadcast %squeeze3A_286 : f32 to vector<16xf32>
      %add3A_556 = arith.addf %get3A_554, %add3A_555 : vector<16xf32>
      %mul3A_557 = arith.constant 16 : i32
      %mul3A_558 = arith.muli %scan3A_549, %mul3A_557 : i32
      %get3A_559 = arith.constant 0 : i32
      %get3A_560 = arith.index_cast %get3A_559 : i32 to index
      %get3A_561 = arith.index_cast %mul3A_558 : i32 to index
      %get3A_562 = tpu.vector_load %arg9[%get3A_560, %get3A_561] {strides = array<i32>} : memref<16x2048xf32, #tpu.memory_space<vmem>>, vector<1x16xf32>,
      %get3A_563 = vector.shape_cast %get3A_562 : vector<1x16xf32> to vector<16xf32>
      %mul3A_564 = arith.mulf %get3A_563, %add3A_556 : vector<16xf32>
      %mul3A_565 = arith.constant 16 : i32
      %mul3A_566 = arith.muli %scan3A_549, %mul3A_565 : i32
      %swap3A = arith.constant 0 : i32
      %swap3A_567 = arith.index_cast %swap3A : i32 to index
      %swap3A_568 = arith.index_cast %mul3A_566 : i32 to index
      %swap3A_569 = tpu.vector_load %arg10[%swap3A_567, %swap3A_568] {strides = array<i32>} : memref<16x2048xf32, #tpu.memory_space<vmem>>, vector<1x16xf32>,
      %swap3A_570 = vector.shape_cast %swap3A_569 : vector<1x16xf32> to vector<16xf32>
      %swap3A_571 = vector.shape_cast %mul3A_564 : vector<16xf32> to vector<1x16xf32>
      tpu.vector_store %arg10[%swap3A_567, %swap3A_568], %swap3A_571 {strides = array<i32>} : memref<16x2048xf32, #tpu.memory_space<vmem>>, vector<1x16xf32>,
    }
    %scan3A_292 = arith.constant 128 : i32
    %slice3A_293 = vector.extract_strided_slice %mul3A_284 {offsets = [1], sizes = [1], strides = [1]} : vector<16xf32> to vector<1xf32>
    %squeeze3A_294 = vector.extract %slice3A_293[0] : f32 from vector<1xf32>
    %scan3A_295 = arith.constant 0 : i32
    %scan3A_296 = arith.constant 0 : i32
    %scan3A_297 = arith.constant 128 : i32
    %scan3A_298 = arith.addi %scan3A_296, %scan3A_297 : i32
    %scan3A_299 = arith.constant 1 : i32
    scf.for %scan3A_549 = %scan3A_296 to %scan3A_298 step %scan3A_299  : i32 {
      %mul3A_550 = arith.constant 16 : i32
      %mul3A_551 = arith.muli %scan3A_549, %mul3A_550 : i32
      %get3A_552 = arith.index_cast %mul3A_551 : i32 to index
      %get3A_553 = tpu.vector_load %arg8[%get3A_552] {strides = array<i32>} : memref<2048xf32, #tpu.memory_space<vmem>>, vector<16xf32>,
      %get3A_554 = vector.shape_cast %get3A_553 : vector<16xf32> to vector<16xf32>
      %add3A_555 = vector.broadcast %squeeze3A_294 : f32 to vector<16xf32>
      %add3A_556 = arith.addf %get3A_554, %add3A_555 : vector<16xf32>
      %mul3A_557 = arith.constant 16 : i32
      %mul3A_558 = arith.muli %scan3A_549, %mul3A_557 : i32
      %get3A_559 = arith.constant 1 : i32
      %get3A_560 = arith.index_cast %get3A_559 : i32 to index
      %get3A_561 = arith.index_cast %mul3A_558 : i32 to index
      %get3A_562 = tpu.vector_load %arg9[%get3A_560, %get3A_561] {strides = array<i32>} : memref<16x2048xf32, #tpu.memory_space<vmem>>, vector<1x16xf32>,
      %get3A_563 = vector.shape_cast %get3A_562 : vector<1x16xf32> to vector<16xf32>
      %mul3A_564 = arith.mulf %get3A_563, %add3A_556 : vector<16xf32>
      %mul3A_565 = arith.constant 16 : i32
      %mul3A_566 = arith.muli %scan3A_549, %mul3A_565 : i32
      %swap3A = arith.constant 1 : i32
      %swap3A_567 = arith.index_cast %swap3A : i32 to index
      %swap3A_568 = arith.index_cast %mul3A_566 : i32 to index
      %swap3A_569 = tpu.vector_load %arg10[%swap3A_567, %swap3A_568] {strides = array<i32>} : memref<16x2048xf32, #tpu.memory_space<vmem>>, vector<1x16xf32>,
      %swap3A_570 = vector.shape_cast %swap3A_569 : vector<1x16xf32> to vector<16xf32>
      %swap3A_571 = vector.shape_cast %mul3A_564 : vector<16xf32> to vector<1x16xf32>
      tpu.vector_store %arg10[%swap3A_567, %swap3A_568], %swap3A_571 {strides = array<i32>} : memref<16x2048xf32, #tpu.memory_space<vmem>>, vector<1x16xf32>,
    }
    %scan3A_300 = arith.constant 128 : i32
    %slice3A_301 = vector.extract_strided_slice %mul3A_284 {offsets = [2], sizes = [1], strides = [1]} : vector<16xf32> to vector<1xf32>
    %squeeze3A_302 = vector.extract %slice3A_301[0] : f32 from vector<1xf32>
    %scan3A_303 = arith.constant 0 : i32
    %scan3A_304 = arith.constant 0 : i32
    %scan3A_305 = arith.constant 128 : i32
    %scan3A_306 = arith.addi %scan3A_304, %scan3A_305 : i32
    %scan3A_307 = arith.constant 1 : i32
    scf.for %scan3A_549 = %scan3A_304 to %scan3A_306 step %scan3A_307  : i32 {
      %mul3A_550 = arith.constant 16 : i32
      %mul3A_551 = arith.muli %scan3A_549, %mul3A_550 : i32
      %get3A_552 = arith.index_cast %mul3A_551 : i32 to index
      %get3A_553 = tpu.vector_load %arg8[%get3A_552] {strides = array<i32>} : memref<2048xf32, #tpu.memory_space<vmem>>, vector<16xf32>,
      %get3A_554 = vector.shape_cast %get3A_553 : vector<16xf32> to vector<16xf32>
      %add3A_555 = vector.broadcast %squeeze3A_302 : f32 to vector<16xf32>
      %add3A_556 = arith.addf %get3A_554, %add3A_555 : vector<16xf32>
      %mul3A_557 = arith.constant 16 : i32
      %mul3A_558 = arith.muli %scan3A_549, %mul3A_557 : i32
      %get3A_559 = arith.constant 2 : i32
      %get3A_560 = arith.index_cast %get3A_559 : i32 to index
      %get3A_561 = arith.index_cast %mul3A_558 : i32 to index
      %get3A_562 = tpu.vector_load %arg9[%get3A_560, %get3A_561] {strides = array<i32>} : memref<16x2048xf32, #tpu.memory_space<vmem>>, vector<1x16xf32>,
      %get3A_563 = vector.shape_cast %get3A_562 : vector<1x16xf32> to vector<16xf32>
      %mul3A_564 = arith.mulf %get3A_563, %add3A_556 : vector<16xf32>
      %mul3A_565 = arith.constant 16 : i32
      %mul3A_566 = arith.muli %scan3A_549, %mul3A_565 : i32
      %swap3A = arith.constant 2 : i32
      %swap3A_567 = arith.index_cast %swap3A : i32 to index
      %swap3A_568 = arith.index_cast %mul3A_566 : i32 to index
      %swap3A_569 = tpu.vector_load %arg10[%swap3A_567, %swap3A_568] {strides = array<i32>} : memref<16x2048xf32, #tpu.memory_space<vmem>>, vector<1x16xf32>,
      %swap3A_570 = vector.shape_cast %swap3A_569 : vector<1x16xf32> to vector<16xf32>
      %swap3A_571 = vector.shape_cast %mul3A_564 : vector<16xf32> to vector<1x16xf32>
      tpu.vector_store %arg10[%swap3A_567, %swap3A_568], %swap3A_571 {strides = array<i32>} : memref<16x2048xf32, #tpu.memory_space<vmem>>, vector<1x16xf32>,
    }
    %scan3A_308 = arith.constant 128 : i32
    %slice3A_309 = vector.extract_strided_slice %mul3A_284 {offsets = [3], sizes = [1], strides = [1]} : vector<16xf32> to vector<1xf32>
    %squeeze3A_310 = vector.extract %slice3A_309[0] : f32 from vector<1xf32>
    %scan3A_311 = arith.constant 0 : i32
    %scan3A_312 = arith.constant 0 : i32
    %scan3A_313 = arith.constant 128 : i32
    %scan3A_314 = arith.addi %scan3A_312, %scan3A_313 : i32
    %scan3A_315 = arith.constant 1 : i32
    scf.for %scan3A_549 = %scan3A_312 to %scan3A_314 step %scan3A_315  : i32 {
      %mul3A_550 = arith.constant 16 : i32
      %mul3A_551 = arith.muli %scan3A_549, %mul3A_550 : i32
      %get3A_552 = arith.index_cast %mul3A_551 : i32 to index
      %get3A_553 = tpu.vector_load %arg8[%get3A_552] {strides = array<i32>} : memref<2048xf32, #tpu.memory_space<vmem>>, vector<16xf32>,
      %get3A_554 = vector.shape_cast %get3A_553 : vector<16xf32> to vector<16xf32>
      %add3A_555 = vector.broadcast %squeeze3A_310 : f32 to vector<16xf32>
      %add3A_556 = arith.addf %get3A_554, %add3A_555 : vector<16xf32>
      %mul3A_557 = arith.constant 16 : i32
      %mul3A_558 = arith.muli %scan3A_549, %mul3A_557 : i32
      %get3A_559 = arith.constant 3 : i32
      %get3A_560 = arith.index_cast %get3A_559 : i32 to index
      %get3A_561 = arith.index_cast %mul3A_558 : i32 to index
      %get3A_562 = tpu.vector_load %arg9[%get3A_560, %get3A_561] {strides = array<i32>} : memref<16x2048xf32, #tpu.memory_space<vmem>>, vector<1x16xf32>,
      %get3A_563 = vector.shape_cast %get3A_562 : vector<1x16xf32> to vector<16xf32>
      %mul3A_564 = arith.mulf %get3A_563, %add3A_556 : vector<16xf32>
      %mul3A_565 = arith.constant 16 : i32
      %mul3A_566 = arith.muli %scan3A_549, %mul3A_565 : i32
      %swap3A = arith.constant 3 : i32
      %swap3A_567 = arith.index_cast %swap3A : i32 to index
      %swap3A_568 = arith.index_cast %mul3A_566 : i32 to index
      %swap3A_569 = tpu.vector_load %arg10[%swap3A_567, %swap3A_568] {strides = array<i32>} : memref<16x2048xf32, #tpu.memory_space<vmem>>, vector<1x16xf32>,
      %swap3A_570 = vector.shape_cast %swap3A_569 : vector<1x16xf32> to vector<16xf32>
      %swap3A_571 = vector.shape_cast %mul3A_564 : vector<16xf32> to vector<1x16xf32>
      tpu.vector_store %arg10[%swap3A_567, %swap3A_568], %swap3A_571 {strides = array<i32>} : memref<16x2048xf32, #tpu.memory_space<vmem>>, vector<1x16xf32>,
    }
    %scan3A_316 = arith.constant 128 : i32
    %slice3A_317 = vector.extract_strided_slice %mul3A_284 {offsets = [4], sizes = [1], strides = [1]} : vector<16xf32> to vector<1xf32>
    %squeeze3A_318 = vector.extract %slice3A_317[0] : f32 from vector<1xf32>
    %scan3A_319 = arith.constant 0 : i32
    %scan3A_320 = arith.constant 0 : i32
    %scan3A_321 = arith.constant 128 : i32
    %scan3A_322 = arith.addi %scan3A_320, %scan3A_321 : i32
    %scan3A_323 = arith.constant 1 : i32
    scf.for %scan3A_549 = %scan3A_320 to %scan3A_322 step %scan3A_323  : i32 {
      %mul3A_550 = arith.constant 16 : i32
      %mul3A_551 = arith.muli %scan3A_549, %mul3A_550 : i32
      %get3A_552 = arith.index_cast %mul3A_551 : i32 to index
      %get3A_553 = tpu.vector_load %arg8[%get3A_552] {strides = array<i32>} : memref<2048xf32, #tpu.memory_space<vmem>>, vector<16xf32>,
      %get3A_554 = vector.shape_cast %get3A_553 : vector<16xf32> to vector<16xf32>
      %add3A_555 = vector.broadcast %squeeze3A_318 : f32 to vector<16xf32>
      %add3A_556 = arith.addf %get3A_554, %add3A_555 : vector<16xf32>
      %mul3A_557 = arith.constant 16 : i32
      %mul3A_558 = arith.muli %scan3A_549, %mul3A_557 : i32
      %get3A_559 = arith.constant 4 : i32
      %get3A_560 = arith.index_cast %get3A_559 : i32 to index
      %get3A_561 = arith.index_cast %mul3A_558 : i32 to index
      %get3A_562 = tpu.vector_load %arg9[%get3A_560, %get3A_561] {strides = array<i32>} : memref<16x2048xf32, #tpu.memory_space<vmem>>, vector<1x16xf32>,
      %get3A_563 = vector.shape_cast %get3A_562 : vector<1x16xf32> to vector<16xf32>
      %mul3A_564 = arith.mulf %get3A_563, %add3A_556 : vector<16xf32>
      %mul3A_565 = arith.constant 16 : i32
      %mul3A_566 = arith.muli %scan3A_549, %mul3A_565 : i32
      %swap3A = arith.constant 4 : i32
      %swap3A_567 = arith.index_cast %swap3A : i32 to index
      %swap3A_568 = arith.index_cast %mul3A_566 : i32 to index
      %swap3A_569 = tpu.vector_load %arg10[%swap3A_567, %swap3A_568] {strides = array<i32>} : memref<16x2048xf32, #tpu.memory_space<vmem>>, vector<1x16xf32>,
      %swap3A_570 = vector.shape_cast %swap3A_569 : vector<1x16xf32> to vector<16xf32>
      %swap3A_571 = vector.shape_cast %mul3A_564 : vector<16xf32> to vector<1x16xf32>
      tpu.vector_store %arg10[%swap3A_567, %swap3A_568], %swap3A_571 {strides = array<i32>} : memref<16x2048xf32, #tpu.memory_space<vmem>>, vector<1x16xf32>,
    }
    %scan3A_324 = arith.constant 128 : i32
    %slice3A_325 = vector.extract_strided_slice %mul3A_284 {offsets = [5], sizes = [1], strides = [1]} : vector<16xf32> to vector<1xf32>
    %squeeze3A_326 = vector.extract %slice3A_325[0] : f32 from vector<1xf32>
    %scan3A_327 = arith.constant 0 : i32
    %scan3A_328 = arith.constant 0 : i32
    %scan3A_329 = arith.constant 128 : i32
    %scan3A_330 = arith.addi %scan3A_328, %scan3A_329 : i32
    %scan3A_331 = arith.constant 1 : i32
    scf.for %scan3A_549 = %scan3A_328 to %scan3A_330 step %scan3A_331  : i32 {
      %mul3A_550 = arith.constant 16 : i32
      %mul3A_551 = arith.muli %scan3A_549, %mul3A_550 : i32
      %get3A_552 = arith.index_cast %mul3A_551 : i32 to index
      %get3A_553 = tpu.vector_load %arg8[%get3A_552] {strides = array<i32>} : memref<2048xf32, #tpu.memory_space<vmem>>, vector<16xf32>,
      %get3A_554 = vector.shape_cast %get3A_553 : vector<16xf32> to vector<16xf32>
      %add3A_555 = vector.broadcast %squeeze3A_326 : f32 to vector<16xf32>
      %add3A_556 = arith.addf %get3A_554, %add3A_555 : vector<16xf32>
      %mul3A_557 = arith.constant 16 : i32
      %mul3A_558 = arith.muli %scan3A_549, %mul3A_557 : i32
      %get3A_559 = arith.constant 5 : i32
      %get3A_560 = arith.index_cast %get3A_559 : i32 to index
      %get3A_561 = arith.index_cast %mul3A_558 : i32 to index
      %get3A_562 = tpu.vector_load %arg9[%get3A_560, %get3A_561] {strides = array<i32>} : memref<16x2048xf32, #tpu.memory_space<vmem>>, vector<1x16xf32>,
      %get3A_563 = vector.shape_cast %get3A_562 : vector<1x16xf32> to vector<16xf32>
      %mul3A_564 = arith.mulf %get3A_563, %add3A_556 : vector<16xf32>
      %mul3A_565 = arith.constant 16 : i32
      %mul3A_566 = arith.muli %scan3A_549, %mul3A_565 : i32
      %swap3A = arith.constant 5 : i32
      %swap3A_567 = arith.index_cast %swap3A : i32 to index
      %swap3A_568 = arith.index_cast %mul3A_566 : i32 to index
      %swap3A_569 = tpu.vector_load %arg10[%swap3A_567, %swap3A_568] {strides = array<i32>} : memref<16x2048xf32, #tpu.memory_space<vmem>>, vector<1x16xf32>,
      %swap3A_570 = vector.shape_cast %swap3A_569 : vector<1x16xf32> to vector<16xf32>
      %swap3A_571 = vector.shape_cast %mul3A_564 : vector<16xf32> to vector<1x16xf32>
      tpu.vector_store %arg10[%swap3A_567, %swap3A_568], %swap3A_571 {strides = array<i32>} : memref<16x2048xf32, #tpu.memory_space<vmem>>, vector<1x16xf32>,
    }
    %scan3A_332 = arith.constant 128 : i32
    %slice3A_333 = vector.extract_strided_slice %mul3A_284 {offsets = [6], sizes = [1], strides = [1]} : vector<16xf32> to vector<1xf32>
    %squeeze3A_334 = vector.extract %slice3A_333[0] : f32 from vector<1xf32>
    %scan3A_335 = arith.constant 0 : i32
    %scan3A_336 = arith.constant 0 : i32
    %scan3A_337 = arith.constant 128 : i32
    %scan3A_338 = arith.addi %scan3A_336, %scan3A_337 : i32
    %scan3A_339 = arith.constant 1 : i32
    scf.for %scan3A_549 = %scan3A_336 to %scan3A_338 step %scan3A_339  : i32 {
      %mul3A_550 = arith.constant 16 : i32
      %mul3A_551 = arith.muli %scan3A_549, %mul3A_550 : i32
      %get3A_552 = arith.index_cast %mul3A_551 : i32 to index
      %get3A_553 = tpu.vector_load %arg8[%get3A_552] {strides = array<i32>} : memref<2048xf32, #tpu.memory_space<vmem>>, vector<16xf32>,
      %get3A_554 = vector.shape_cast %get3A_553 : vector<16xf32> to vector<16xf32>
      %add3A_555 = vector.broadcast %squeeze3A_334 : f32 to vector<16xf32>
      %add3A_556 = arith.addf %get3A_554, %add3A_555 : vector<16xf32>
      %mul3A_557 = arith.constant 16 : i32
      %mul3A_558 = arith.muli %scan3A_549, %mul3A_557 : i32
      %get3A_559 = arith.constant 6 : i32
      %get3A_560 = arith.index_cast %get3A_559 : i32 to index
      %get3A_561 = arith.index_cast %mul3A_558 : i32 to index
      %get3A_562 = tpu.vector_load %arg9[%get3A_560, %get3A_561] {strides = array<i32>} : memref<16x2048xf32, #tpu.memory_space<vmem>>, vector<1x16xf32>,
      %get3A_563 = vector.shape_cast %get3A_562 : vector<1x16xf32> to vector<16xf32>
      %mul3A_564 = arith.mulf %get3A_563, %add3A_556 : vector<16xf32>
      %mul3A_565 = arith.constant 16 : i32
      %mul3A_566 = arith.muli %scan3A_549, %mul3A_565 : i32
      %swap3A = arith.constant 6 : i32
      %swap3A_567 = arith.index_cast %swap3A : i32 to index
      %swap3A_568 = arith.index_cast %mul3A_566 : i32 to index
      %swap3A_569 = tpu.vector_load %arg10[%swap3A_567, %swap3A_568] {strides = array<i32>} : memref<16x2048xf32, #tpu.memory_space<vmem>>, vector<1x16xf32>,
      %swap3A_570 = vector.shape_cast %swap3A_569 : vector<1x16xf32> to vector<16xf32>
      %swap3A_571 = vector.shape_cast %mul3A_564 : vector<16xf32> to vector<1x16xf32>
      tpu.vector_store %arg10[%swap3A_567, %swap3A_568], %swap3A_571 {strides = array<i32>} : memref<16x2048xf32, #tpu.memory_space<vmem>>, vector<1x16xf32>,
    }
    %scan3A_340 = arith.constant 128 : i32
    %slice3A_341 = vector.extract_strided_slice %mul3A_284 {offsets = [7], sizes = [1], strides = [1]} : vector<16xf32> to vector<1xf32>
    %squeeze3A_342 = vector.extract %slice3A_341[0] : f32 from vector<1xf32>
    %scan3A_343 = arith.constant 0 : i32
    %scan3A_344 = arith.constant 0 : i32
    %scan3A_345 = arith.constant 128 : i32
    %scan3A_346 = arith.addi %scan3A_344, %scan3A_345 : i32
    %scan3A_347 = arith.constant 1 : i32
    scf.for %scan3A_549 = %scan3A_344 to %scan3A_346 step %scan3A_347  : i32 {
      %mul3A_550 = arith.constant 16 : i32
      %mul3A_551 = arith.muli %scan3A_549, %mul3A_550 : i32
      %get3A_552 = arith.index_cast %mul3A_551 : i32 to index
      %get3A_553 = tpu.vector_load %arg8[%get3A_552] {strides = array<i32>} : memref<2048xf32, #tpu.memory_space<vmem>>, vector<16xf32>,
      %get3A_554 = vector.shape_cast %get3A_553 : vector<16xf32> to vector<16xf32>
      %add3A_555 = vector.broadcast %squeeze3A_342 : f32 to vector<16xf32>
      %add3A_556 = arith.addf %get3A_554, %add3A_555 : vector<16xf32>
      %mul3A_557 = arith.constant 16 : i32
      %mul3A_558 = arith.muli %scan3A_549, %mul3A_557 : i32
      %get3A_559 = arith.constant 7 : i32
      %get3A_560 = arith.index_cast %get3A_559 : i32 to index
      %get3A_561 = arith.index_cast %mul3A_558 : i32 to index
      %get3A_562 = tpu.vector_load %arg9[%get3A_560, %get3A_561] {strides = array<i32>} : memref<16x2048xf32, #tpu.memory_space<vmem>>, vector<1x16xf32>,
      %get3A_563 = vector.shape_cast %get3A_562 : vector<1x16xf32> to vector<16xf32>
      %mul3A_564 = arith.mulf %get3A_563, %add3A_556 : vector<16xf32>
      %mul3A_565 = arith.constant 16 : i32
      %mul3A_566 = arith.muli %scan3A_549, %mul3A_565 : i32
      %swap3A = arith.constant 7 : i32
      %swap3A_567 = arith.index_cast %swap3A : i32 to index
      %swap3A_568 = arith.index_cast %mul3A_566 : i32 to index
      %swap3A_569 = tpu.vector_load %arg10[%swap3A_567, %swap3A_568] {strides = array<i32>} : memref<16x2048xf32, #tpu.memory_space<vmem>>, vector<1x16xf32>,
      %swap3A_570 = vector.shape_cast %swap3A_569 : vector<1x16xf32> to vector<16xf32>
      %swap3A_571 = vector.shape_cast %mul3A_564 : vector<16xf32> to vector<1x16xf32>
      tpu.vector_store %arg10[%swap3A_567, %swap3A_568], %swap3A_571 {strides = array<i32>} : memref<16x2048xf32, #tpu.memory_space<vmem>>, vector<1x16xf32>,
    }
    %scan3A_348 = arith.constant 128 : i32
    %slice3A_349 = vector.extract_strided_slice %mul3A_284 {offsets = [8], sizes = [1], strides = [1]} : vector<16xf32> to vector<1xf32>
    %squeeze3A_350 = vector.extract %slice3A_349[0] : f32 from vector<1xf32>
    %scan3A_351 = arith.constant 0 : i32
    %scan3A_352 = arith.constant 0 : i32
    %scan3A_353 = arith.constant 128 : i32
    %scan3A_354 = arith.addi %scan3A_352, %scan3A_353 : i32
    %scan3A_355 = arith.constant 1 : i32
    scf.for %scan3A_549 = %scan3A_352 to %scan3A_354 step %scan3A_355  : i32 {
      %mul3A_550 = arith.constant 16 : i32
      %mul3A_551 = arith.muli %scan3A_549, %mul3A_550 : i32
      %get3A_552 = arith.index_cast %mul3A_551 : i32 to index
      %get3A_553 = tpu.vector_load %arg8[%get3A_552] {strides = array<i32>} : memref<2048xf32, #tpu.memory_space<vmem>>, vector<16xf32>,
      %get3A_554 = vector.shape_cast %get3A_553 : vector<16xf32> to vector<16xf32>
      %add3A_555 = vector.broadcast %squeeze3A_350 : f32 to vector<16xf32>
      %add3A_556 = arith.addf %get3A_554, %add3A_555 : vector<16xf32>
      %mul3A_557 = arith.constant 16 : i32
      %mul3A_558 = arith.muli %scan3A_549, %mul3A_557 : i32
      %get3A_559 = arith.constant 8 : i32
      %get3A_560 = arith.index_cast %get3A_559 : i32 to index
      %get3A_561 = arith.index_cast %mul3A_558 : i32 to index
      %get3A_562 = tpu.vector_load %arg9[%get3A_560, %get3A_561] {strides = array<i32>} : memref<16x2048xf32, #tpu.memory_space<vmem>>, vector<1x16xf32>,
      %get3A_563 = vector.shape_cast %get3A_562 : vector<1x16xf32> to vector<16xf32>
      %mul3A_564 = arith.mulf %get3A_563, %add3A_556 : vector<16xf32>
      %mul3A_565 = arith.constant 16 : i32
      %mul3A_566 = arith.muli %scan3A_549, %mul3A_565 : i32
      %swap3A = arith.constant 8 : i32
      %swap3A_567 = arith.index_cast %swap3A : i32 to index
      %swap3A_568 = arith.index_cast %mul3A_566 : i32 to index
      %swap3A_569 = tpu.vector_load %arg10[%swap3A_567, %swap3A_568] {strides = array<i32>} : memref<16x2048xf32, #tpu.memory_space<vmem>>, vector<1x16xf32>,
      %swap3A_570 = vector.shape_cast %swap3A_569 : vector<1x16xf32> to vector<16xf32>
      %swap3A_571 = vector.shape_cast %mul3A_564 : vector<16xf32> to vector<1x16xf32>
      tpu.vector_store %arg10[%swap3A_567, %swap3A_568], %swap3A_571 {strides = array<i32>} : memref<16x2048xf32, #tpu.memory_space<vmem>>, vector<1x16xf32>,
    }
    %scan3A_356 = arith.constant 128 : i32
    %slice3A_357 = vector.extract_strided_slice %mul3A_284 {offsets = [9], sizes = [1], strides = [1]} : vector<16xf32> to vector<1xf32>
    %squeeze3A_358 = vector.extract %slice3A_357[0] : f32 from vector<1xf32>
    %scan3A_359 = arith.constant 0 : i32
    %scan3A_360 = arith.constant 0 : i32
    %scan3A_361 = arith.constant 128 : i32
    %scan3A_362 = arith.addi %scan3A_360, %scan3A_361 : i32
    %scan3A_363 = arith.constant 1 : i32
    scf.for %scan3A_549 = %scan3A_360 to %scan3A_362 step %scan3A_363  : i32 {
      %mul3A_550 = arith.constant 16 : i32
      %mul3A_551 = arith.muli %scan3A_549, %mul3A_550 : i32
      %get3A_552 = arith.index_cast %mul3A_551 : i32 to index
      %get3A_553 = tpu.vector_load %arg8[%get3A_552] {strides = array<i32>} : memref<2048xf32, #tpu.memory_space<vmem>>, vector<16xf32>,
      %get3A_554 = vector.shape_cast %get3A_553 : vector<16xf32> to vector<16xf32>
      %add3A_555 = vector.broadcast %squeeze3A_358 : f32 to vector<16xf32>
      %add3A_556 = arith.addf %get3A_554, %add3A_555 : vector<16xf32>
      %mul3A_557 = arith.constant 16 : i32
      %mul3A_558 = arith.muli %scan3A_549, %mul3A_557 : i32
      %get3A_559 = arith.constant 9 : i32
      %get3A_560 = arith.index_cast %get3A_559 : i32 to index
      %get3A_561 = arith.index_cast %mul3A_558 : i32 to index
      %get3A_562 = tpu.vector_load %arg9[%get3A_560, %get3A_561] {strides = array<i32>} : memref<16x2048xf32, #tpu.memory_space<vmem>>, vector<1x16xf32>,
      %get3A_563 = vector.shape_cast %get3A_562 : vector<1x16xf32> to vector<16xf32>
      %mul3A_564 = arith.mulf %get3A_563, %add3A_556 : vector<16xf32>
      %mul3A_565 = arith.constant 16 : i32
      %mul3A_566 = arith.muli %scan3A_549, %mul3A_565 : i32
      %swap3A = arith.constant 9 : i32
      %swap3A_567 = arith.index_cast %swap3A : i32 to index
      %swap3A_568 = arith.index_cast %mul3A_566 : i32 to index
      %swap3A_569 = tpu.vector_load %arg10[%swap3A_567, %swap3A_568] {strides = array<i32>} : memref<16x2048xf32, #tpu.memory_space<vmem>>, vector<1x16xf32>,
      %swap3A_570 = vector.shape_cast %swap3A_569 : vector<1x16xf32> to vector<16xf32>
      %swap3A_571 = vector.shape_cast %mul3A_564 : vector<16xf32> to vector<1x16xf32>
      tpu.vector_store %arg10[%swap3A_567, %swap3A_568], %swap3A_571 {strides = array<i32>} : memref<16x2048xf32, #tpu.memory_space<vmem>>, vector<1x16xf32>,
    }
    %scan3A_364 = arith.constant 128 : i32
    %slice3A_365 = vector.extract_strided_slice %mul3A_284 {offsets = [10], sizes = [1], strides = [1]} : vector<16xf32> to vector<1xf32>
    %squeeze3A_366 = vector.extract %slice3A_365[0] : f32 from vector<1xf32>
    %scan3A_367 = arith.constant 0 : i32
    %scan3A_368 = arith.constant 0 : i32
    %scan3A_369 = arith.constant 128 : i32
    %scan3A_370 = arith.addi %scan3A_368, %scan3A_369 : i32
    %scan3A_371 = arith.constant 1 : i32
    scf.for %scan3A_549 = %scan3A_368 to %scan3A_370 step %scan3A_371  : i32 {
      %mul3A_550 = arith.constant 16 : i32
      %mul3A_551 = arith.muli %scan3A_549, %mul3A_550 : i32
      %get3A_552 = arith.index_cast %mul3A_551 : i32 to index
      %get3A_553 = tpu.vector_load %arg8[%get3A_552] {strides = array<i32>} : memref<2048xf32, #tpu.memory_space<vmem>>, vector<16xf32>,
      %get3A_554 = vector.shape_cast %get3A_553 : vector<16xf32> to vector<16xf32>
      %add3A_555 = vector.broadcast %squeeze3A_366 : f32 to vector<16xf32>
      %add3A_556 = arith.addf %get3A_554, %add3A_555 : vector<16xf32>
      %mul3A_557 = arith.constant 16 : i32
      %mul3A_558 = arith.muli %scan3A_549, %mul3A_557 : i32
      %get3A_559 = arith.constant 10 : i32
      %get3A_560 = arith.index_cast %get3A_559 : i32 to index
      %get3A_561 = arith.index_cast %mul3A_558 : i32 to index
      %get3A_562 = tpu.vector_load %arg9[%get3A_560, %get3A_561] {strides = array<i32>} : memref<16x2048xf32, #tpu.memory_space<vmem>>, vector<1x16xf32>,
      %get3A_563 = vector.shape_cast %get3A_562 : vector<1x16xf32> to vector<16xf32>
      %mul3A_564 = arith.mulf %get3A_563, %add3A_556 : vector<16xf32>
      %mul3A_565 = arith.constant 16 : i32
      %mul3A_566 = arith.muli %scan3A_549, %mul3A_565 : i32
      %swap3A = arith.constant 10 : i32
      %swap3A_567 = arith.index_cast %swap3A : i32 to index
      %swap3A_568 = arith.index_cast %mul3A_566 : i32 to index
      %swap3A_569 = tpu.vector_load %arg10[%swap3A_567, %swap3A_568] {strides = array<i32>} : memref<16x2048xf32, #tpu.memory_space<vmem>>, vector<1x16xf32>,
      %swap3A_570 = vector.shape_cast %swap3A_569 : vector<1x16xf32> to vector<16xf32>
      %swap3A_571 = vector.shape_cast %mul3A_564 : vector<16xf32> to vector<1x16xf32>
      tpu.vector_store %arg10[%swap3A_567, %swap3A_568], %swap3A_571 {strides = array<i32>} : memref<16x2048xf32, #tpu.memory_space<vmem>>, vector<1x16xf32>,
    }
    %scan3A_372 = arith.constant 128 : i32
    %slice3A_373 = vector.extract_strided_slice %mul3A_284 {offsets = [11], sizes = [1], strides = [1]} : vector<16xf32> to vector<1xf32>
    %squeeze3A_374 = vector.extract %slice3A_373[0] : f32 from vector<1xf32>
    %scan3A_375 = arith.constant 0 : i32
    %scan3A_376 = arith.constant 0 : i32
    %scan3A_377 = arith.constant 128 : i32
    %scan3A_378 = arith.addi %scan3A_376, %scan3A_377 : i32
    %scan3A_379 = arith.constant 1 : i32
    scf.for %scan3A_549 = %scan3A_376 to %scan3A_378 step %scan3A_379  : i32 {
      %mul3A_550 = arith.constant 16 : i32
      %mul3A_551 = arith.muli %scan3A_549, %mul3A_550 : i32
      %get3A_552 = arith.index_cast %mul3A_551 : i32 to index
      %get3A_553 = tpu.vector_load %arg8[%get3A_552] {strides = array<i32>} : memref<2048xf32, #tpu.memory_space<vmem>>, vector<16xf32>,
      %get3A_554 = vector.shape_cast %get3A_553 : vector<16xf32> to vector<16xf32>
      %add3A_555 = vector.broadcast %squeeze3A_374 : f32 to vector<16xf32>
      %add3A_556 = arith.addf %get3A_554, %add3A_555 : vector<16xf32>
      %mul3A_557 = arith.constant 16 : i32
      %mul3A_558 = arith.muli %scan3A_549, %mul3A_557 : i32
      %get3A_559 = arith.constant 11 : i32
      %get3A_560 = arith.index_cast %get3A_559 : i32 to index
      %get3A_561 = arith.index_cast %mul3A_558 : i32 to index
      %get3A_562 = tpu.vector_load %arg9[%get3A_560, %get3A_561] {strides = array<i32>} : memref<16x2048xf32, #tpu.memory_space<vmem>>, vector<1x16xf32>,
      %get3A_563 = vector.shape_cast %get3A_562 : vector<1x16xf32> to vector<16xf32>
      %mul3A_564 = arith.mulf %get3A_563, %add3A_556 : vector<16xf32>
      %mul3A_565 = arith.constant 16 : i32
      %mul3A_566 = arith.muli %scan3A_549, %mul3A_565 : i32
      %swap3A = arith.constant 11 : i32
      %swap3A_567 = arith.index_cast %swap3A : i32 to index
      %swap3A_568 = arith.index_cast %mul3A_566 : i32 to index
      %swap3A_569 = tpu.vector_load %arg10[%swap3A_567, %swap3A_568] {strides = array<i32>} : memref<16x2048xf32, #tpu.memory_space<vmem>>, vector<1x16xf32>,
      %swap3A_570 = vector.shape_cast %swap3A_569 : vector<1x16xf32> to vector<16xf32>
      %swap3A_571 = vector.shape_cast %mul3A_564 : vector<16xf32> to vector<1x16xf32>
      tpu.vector_store %arg10[%swap3A_567, %swap3A_568], %swap3A_571 {strides = array<i32>} : memref<16x2048xf32, #tpu.memory_space<vmem>>, vector<1x16xf32>,
    }
    %scan3A_380 = arith.constant 128 : i32
    %slice3A_381 = vector.extract_strided_slice %mul3A_284 {offsets = [12], sizes = [1], strides = [1]} : vector<16xf32> to vector<1xf32>
    %squeeze3A_382 = vector.extract %slice3A_381[0] : f32 from vector<1xf32>
    %scan3A_383 = arith.constant 0 : i32
    %scan3A_384 = arith.constant 0 : i32
    %scan3A_385 = arith.constant 128 : i32
    %scan3A_386 = arith.addi %scan3A_384, %scan3A_385 : i32
    %scan3A_387 = arith.constant 1 : i32
    scf.for %scan3A_549 = %scan3A_384 to %scan3A_386 step %scan3A_387  : i32 {
      %mul3A_550 = arith.constant 16 : i32
      %mul3A_551 = arith.muli %scan3A_549, %mul3A_550 : i32
      %get3A_552 = arith.index_cast %mul3A_551 : i32 to index
      %get3A_553 = tpu.vector_load %arg8[%get3A_552] {strides = array<i32>} : memref<2048xf32, #tpu.memory_space<vmem>>, vector<16xf32>,
      %get3A_554 = vector.shape_cast %get3A_553 : vector<16xf32> to vector<16xf32>
      %add3A_555 = vector.broadcast %squeeze3A_382 : f32 to vector<16xf32>
      %add3A_556 = arith.addf %get3A_554, %add3A_555 : vector<16xf32>
      %mul3A_557 = arith.constant 16 : i32
      %mul3A_558 = arith.muli %scan3A_549, %mul3A_557 : i32
      %get3A_559 = arith.constant 12 : i32
      %get3A_560 = arith.index_cast %get3A_559 : i32 to index
      %get3A_561 = arith.index_cast %mul3A_558 : i32 to index
      %get3A_562 = tpu.vector_load %arg9[%get3A_560, %get3A_561] {strides = array<i32>} : memref<16x2048xf32, #tpu.memory_space<vmem>>, vector<1x16xf32>,
      %get3A_563 = vector.shape_cast %get3A_562 : vector<1x16xf32> to vector<16xf32>
      %mul3A_564 = arith.mulf %get3A_563, %add3A_556 : vector<16xf32>
      %mul3A_565 = arith.constant 16 : i32
      %mul3A_566 = arith.muli %scan3A_549, %mul3A_565 : i32
      %swap3A = arith.constant 12 : i32
      %swap3A_567 = arith.index_cast %swap3A : i32 to index
      %swap3A_568 = arith.index_cast %mul3A_566 : i32 to index
      %swap3A_569 = tpu.vector_load %arg10[%swap3A_567, %swap3A_568] {strides = array<i32>} : memref<16x2048xf32, #tpu.memory_space<vmem>>, vector<1x16xf32>,
      %swap3A_570 = vector.shape_cast %swap3A_569 : vector<1x16xf32> to vector<16xf32>
      %swap3A_571 = vector.shape_cast %mul3A_564 : vector<16xf32> to vector<1x16xf32>
      tpu.vector_store %arg10[%swap3A_567, %swap3A_568], %swap3A_571 {strides = array<i32>} : memref<16x2048xf32, #tpu.memory_space<vmem>>, vector<1x16xf32>,
    }
    %scan3A_388 = arith.constant 128 : i32
    %slice3A_389 = vector.extract_strided_slice %mul3A_284 {offsets = [13], sizes = [1], strides = [1]} : vector<16xf32> to vector<1xf32>
    %squeeze3A_390 = vector.extract %slice3A_389[0] : f32 from vector<1xf32>
    %scan3A_391 = arith.constant 0 : i32
    %scan3A_392 = arith.constant 0 : i32
    %scan3A_393 = arith.constant 128 : i32
    %scan3A_394 = arith.addi %scan3A_392, %scan3A_393 : i32
    %scan3A_395 = arith.constant 1 : i32
    scf.for %scan3A_549 = %scan3A_392 to %scan3A_394 step %scan3A_395  : i32 {
      %mul3A_550 = arith.constant 16 : i32
      %mul3A_551 = arith.muli %scan3A_549, %mul3A_550 : i32
      %get3A_552 = arith.index_cast %mul3A_551 : i32 to index
      %get3A_553 = tpu.vector_load %arg8[%get3A_552] {strides = array<i32>} : memref<2048xf32, #tpu.memory_space<vmem>>, vector<16xf32>,
      %get3A_554 = vector.shape_cast %get3A_553 : vector<16xf32> to vector<16xf32>
      %add3A_555 = vector.broadcast %squeeze3A_390 : f32 to vector<16xf32>
      %add3A_556 = arith.addf %get3A_554, %add3A_555 : vector<16xf32>
      %mul3A_557 = arith.constant 16 : i32
      %mul3A_558 = arith.muli %scan3A_549, %mul3A_557 : i32
      %get3A_559 = arith.constant 13 : i32
      %get3A_560 = arith.index_cast %get3A_559 : i32 to index
      %get3A_561 = arith.index_cast %mul3A_558 : i32 to index
      %get3A_562 = tpu.vector_load %arg9[%get3A_560, %get3A_561] {strides = array<i32>} : memref<16x2048xf32, #tpu.memory_space<vmem>>, vector<1x16xf32>,
      %get3A_563 = vector.shape_cast %get3A_562 : vector<1x16xf32> to vector<16xf32>
      %mul3A_564 = arith.mulf %get3A_563, %add3A_556 : vector<16xf32>
      %mul3A_565 = arith.constant 16 : i32
      %mul3A_566 = arith.muli %scan3A_549, %mul3A_565 : i32
      %swap3A = arith.constant 13 : i32
      %swap3A_567 = arith.index_cast %swap3A : i32 to index
      %swap3A_568 = arith.index_cast %mul3A_566 : i32 to index
      %swap3A_569 = tpu.vector_load %arg10[%swap3A_567, %swap3A_568] {strides = array<i32>} : memref<16x2048xf32, #tpu.memory_space<vmem>>, vector<1x16xf32>,
      %swap3A_570 = vector.shape_cast %swap3A_569 : vector<1x16xf32> to vector<16xf32>
      %swap3A_571 = vector.shape_cast %mul3A_564 : vector<16xf32> to vector<1x16xf32>
      tpu.vector_store %arg10[%swap3A_567, %swap3A_568], %swap3A_571 {strides = array<i32>} : memref<16x2048xf32, #tpu.memory_space<vmem>>, vector<1x16xf32>,
    }
    %scan3A_396 = arith.constant 128 : i32
    %slice3A_397 = vector.extract_strided_slice %mul3A_284 {offsets = [14], sizes = [1], strides = [1]} : vector<16xf32> to vector<1xf32>
    %squeeze3A_398 = vector.extract %slice3A_397[0] : f32 from vector<1xf32>
    %scan3A_399 = arith.constant 0 : i32
    %scan3A_400 = arith.constant 0 : i32
    %scan3A_401 = arith.constant 128 : i32
    %scan3A_402 = arith.addi %scan3A_400, %scan3A_401 : i32
    %scan3A_403 = arith.constant 1 : i32
    scf.for %scan3A_549 = %scan3A_400 to %scan3A_402 step %scan3A_403  : i32 {
      %mul3A_550 = arith.constant 16 : i32
      %mul3A_551 = arith.muli %scan3A_549, %mul3A_550 : i32
      %get3A_552 = arith.index_cast %mul3A_551 : i32 to index
      %get3A_553 = tpu.vector_load %arg8[%get3A_552] {strides = array<i32>} : memref<2048xf32, #tpu.memory_space<vmem>>, vector<16xf32>,
      %get3A_554 = vector.shape_cast %get3A_553 : vector<16xf32> to vector<16xf32>
      %add3A_555 = vector.broadcast %squeeze3A_398 : f32 to vector<16xf32>
      %add3A_556 = arith.addf %get3A_554, %add3A_555 : vector<16xf32>
      %mul3A_557 = arith.constant 16 : i32
      %mul3A_558 = arith.muli %scan3A_549, %mul3A_557 : i32
      %get3A_559 = arith.constant 14 : i32
      %get3A_560 = arith.index_cast %get3A_559 : i32 to index
      %get3A_561 = arith.index_cast %mul3A_558 : i32 to index
      %get3A_562 = tpu.vector_load %arg9[%get3A_560, %get3A_561] {strides = array<i32>} : memref<16x2048xf32, #tpu.memory_space<vmem>>, vector<1x16xf32>,
      %get3A_563 = vector.shape_cast %get3A_562 : vector<1x16xf32> to vector<16xf32>
      %mul3A_564 = arith.mulf %get3A_563, %add3A_556 : vector<16xf32>
      %mul3A_565 = arith.constant 16 : i32
      %mul3A_566 = arith.muli %scan3A_549, %mul3A_565 : i32
      %swap3A = arith.constant 14 : i32
      %swap3A_567 = arith.index_cast %swap3A : i32 to index
      %swap3A_568 = arith.index_cast %mul3A_566 : i32 to index
      %swap3A_569 = tpu.vector_load %arg10[%swap3A_567, %swap3A_568] {strides = array<i32>} : memref<16x2048xf32, #tpu.memory_space<vmem>>, vector<1x16xf32>,
      %swap3A_570 = vector.shape_cast %swap3A_569 : vector<1x16xf32> to vector<16xf32>
      %swap3A_571 = vector.shape_cast %mul3A_564 : vector<16xf32> to vector<1x16xf32>
      tpu.vector_store %arg10[%swap3A_567, %swap3A_568], %swap3A_571 {strides = array<i32>} : memref<16x2048xf32, #tpu.memory_space<vmem>>, vector<1x16xf32>,
    }
    %scan3A_404 = arith.constant 128 : i32
    %slice3A_405 = vector.extract_strided_slice %mul3A_284 {offsets = [15], sizes = [1], strides = [1]} : vector<16xf32> to vector<1xf32>
    %squeeze3A_406 = vector.extract %slice3A_405[0] : f32 from vector<1xf32>
    %scan3A_407 = arith.constant 0 : i32
    %scan3A_408 = arith.constant 0 : i32
    %scan3A_409 = arith.constant 128 : i32
    %scan3A_410 = arith.addi %scan3A_408, %scan3A_409 : i32
    %scan3A_411 = arith.constant 1 : i32
    scf.for %scan3A_549 = %scan3A_408 to %scan3A_410 step %scan3A_411  : i32 {
      %mul3A_550 = arith.constant 16 : i32
      %mul3A_551 = arith.muli %scan3A_549, %mul3A_550 : i32
      %get3A_552 = arith.index_cast %mul3A_551 : i32 to index
      %get3A_553 = tpu.vector_load %arg8[%get3A_552] {strides = array<i32>} : memref<2048xf32, #tpu.memory_space<vmem>>, vector<16xf32>,
      %get3A_554 = vector.shape_cast %get3A_553 : vector<16xf32> to vector<16xf32>
      %add3A_555 = vector.broadcast %squeeze3A_406 : f32 to vector<16xf32>
      %add3A_556 = arith.addf %get3A_554, %add3A_555 : vector<16xf32>
      %mul3A_557 = arith.constant 16 : i32
      %mul3A_558 = arith.muli %scan3A_549, %mul3A_557 : i32
      %get3A_559 = arith.constant 15 : i32
      %get3A_560 = arith.index_cast %get3A_559 : i32 to index
      %get3A_561 = arith.index_cast %mul3A_558 : i32 to index
      %get3A_562 = tpu.vector_load %arg9[%get3A_560, %get3A_561] {strides = array<i32>} : memref<16x2048xf32, #tpu.memory_space<vmem>>, vector<1x16xf32>,
      %get3A_563 = vector.shape_cast %get3A_562 : vector<1x16xf32> to vector<16xf32>
      %mul3A_564 = arith.mulf %get3A_563, %add3A_556 : vector<16xf32>
      %mul3A_565 = arith.constant 16 : i32
      %mul3A_566 = arith.muli %scan3A_549, %mul3A_565 : i32
      %swap3A = arith.constant 15 : i32
      %swap3A_567 = arith.index_cast %swap3A : i32 to index
      %swap3A_568 = arith.index_cast %mul3A_566 : i32 to index
      %swap3A_569 = tpu.vector_load %arg10[%swap3A_567, %swap3A_568] {strides = array<i32>} : memref<16x2048xf32, #tpu.memory_space<vmem>>, vector<1x16xf32>,
      %swap3A_570 = vector.shape_cast %swap3A_569 : vector<1x16xf32> to vector<16xf32>
      %swap3A_571 = vector.shape_cast %mul3A_564 : vector<16xf32> to vector<1x16xf32>
      tpu.vector_store %arg10[%swap3A_567, %swap3A_568], %swap3A_571 {strides = array<i32>} : memref<16x2048xf32, #tpu.memory_space<vmem>>, vector<1x16xf32>,
    }
    %scan3A_412 = arith.constant 128 : i32
    "tpu.region"() ({
      %run_scoped3A = tpu.sem_alloc : memref<!tpu.dma_semaphore, #tpu.memory_space<semaphore_mem>>
      %dma_start3A = arith.constant 0 : i32
      %dma_start3A_549 = tpu.memref_slice %arg5[%add3A_278, %dma_start3A] : memref<2048x2048xf32, #tpu.memory_space<hbm>> -> memref<16x2048xf32, #tpu.memory_space<hbm>>
      %dma_start3A_550 = arith.constant 0 : i32
      %dma_start3A_551 = tpu.memref_slice %arg5[%add3A_278, %dma_start3A_550] : memref<2048x2048xf32, #tpu.memory_space<hbm>> -> memref<16x2048xf32, #tpu.memory_space<hbm>>
      tpu.enqueue_dma source(%arg10 : memref<16x2048xf32, #tpu.memory_space<vmem>>) target(%dma_start3A_551 : memref<16x2048xf32, #tpu.memory_space<hbm>>) target_semaphore(%run_scoped3A : memref<!tpu.dma_semaphore, #tpu.memory_space<semaphore_mem>>)
      %dma_wait3A = arith.constant 0 : i32
      %dma_wait3A_552 = tpu.memref_slice %arg5[%add3A_278, %dma_wait3A] : memref<2048x2048xf32, #tpu.memory_space<hbm>> -> memref<16x2048xf32, #tpu.memory_space<hbm>>
      %dma_wait3A_553 = arith.constant 0 : i32
      %dma_wait3A_554 = tpu.memref_slice %arg5[%add3A_278, %dma_wait3A_553] : memref<2048x2048xf32, #tpu.memory_space<hbm>> -> memref<16x2048xf32, #tpu.memory_space<hbm>>
      tpu.wait_dma2 semaphore(%run_scoped3A : memref<!tpu.dma_semaphore, #tpu.memory_space<semaphore_mem>>) src(%arg10 : memref<16x2048xf32, #tpu.memory_space<vmem>>) dst(%dma_wait3A_554 : memref<16x2048xf32, #tpu.memory_space<hbm>>)
      tpu.yield
    }) : () -> ()
    %add3A_413 = arith.constant 48 : i32
    %add3A_414 = arith.addi %mul3A_2, %add3A_413 : i32
    "tpu.region"() ({
      %run_scoped3A = tpu.sem_alloc : memref<!tpu.dma_semaphore, #tpu.memory_space<semaphore_mem>>
      %dma_start3A = arith.constant 0 : i32
      %dma_start3A_549 = tpu.memref_slice %arg2[%add3A_414, %dma_start3A] : memref<2048x2048xf32, #tpu.memory_space<hbm>> -> memref<16x2048xf32, #tpu.memory_space<hbm>>
      %dma_start3A_550 = arith.constant 0 : i32
      %dma_start3A_551 = tpu.memref_slice %arg2[%add3A_414, %dma_start3A_550] : memref<2048x2048xf32, #tpu.memory_space<hbm>> -> memref<16x2048xf32, #tpu.memory_space<hbm>>
      tpu.enqueue_dma source(%dma_start3A_551 : memref<16x2048xf32, #tpu.memory_space<hbm>>) target(%arg9 : memref<16x2048xf32, #tpu.memory_space<vmem>>) target_semaphore(%run_scoped3A : memref<!tpu.dma_semaphore, #tpu.memory_space<semaphore_mem>>)
      %dma_wait3A = arith.constant 0 : i32
      %dma_wait3A_552 = tpu.memref_slice %arg2[%add3A_414, %dma_wait3A] : memref<2048x2048xf32, #tpu.memory_space<hbm>> -> memref<16x2048xf32, #tpu.memory_space<hbm>>
      %dma_wait3A_553 = arith.constant 0 : i32
      %dma_wait3A_554 = tpu.memref_slice %arg2[%add3A_414, %dma_wait3A_553] : memref<2048x2048xf32, #tpu.memory_space<hbm>> -> memref<16x2048xf32, #tpu.memory_space<hbm>>
      tpu.wait_dma2 semaphore(%run_scoped3A : memref<!tpu.dma_semaphore, #tpu.memory_space<semaphore_mem>>) src(%dma_wait3A_554 : memref<16x2048xf32, #tpu.memory_space<hbm>>) dst(%arg9 : memref<16x2048xf32, #tpu.memory_space<vmem>>)
      tpu.yield
    }) : () -> ()
    %get3A_415 = arith.constant 48 : index
    %get3A_416 = tpu.vector_load %arg6[%get3A_415] {strides = array<i32>} : memref<64xf32, #tpu.memory_space<vmem>>, vector<16xf32>,
    %get3A_417 = vector.shape_cast %get3A_416 : vector<16xf32> to vector<16xf32>
    %mul3A_418 = arith.constant 2.000000e+00 : f32
    %mul3A_419 = vector.broadcast %mul3A_418 : f32 to vector<16xf32>
    %mul3A_420 = arith.mulf %get3A_417, %mul3A_419 : vector<16xf32>
    %slice3A_421 = vector.extract_strided_slice %mul3A_420 {offsets = [0], sizes = [1], strides = [1]} : vector<16xf32> to vector<1xf32>
    %squeeze3A_422 = vector.extract %slice3A_421[0] : f32 from vector<1xf32>
    %scan3A_423 = arith.constant 0 : i32
    %scan3A_424 = arith.constant 0 : i32
    %scan3A_425 = arith.constant 128 : i32
    %scan3A_426 = arith.addi %scan3A_424, %scan3A_425 : i32
    %scan3A_427 = arith.constant 1 : i32
    scf.for %scan3A_549 = %scan3A_424 to %scan3A_426 step %scan3A_427  : i32 {
      %mul3A_550 = arith.constant 16 : i32
      %mul3A_551 = arith.muli %scan3A_549, %mul3A_550 : i32
      %get3A_552 = arith.index_cast %mul3A_551 : i32 to index
      %get3A_553 = tpu.vector_load %arg8[%get3A_552] {strides = array<i32>} : memref<2048xf32, #tpu.memory_space<vmem>>, vector<16xf32>,
      %get3A_554 = vector.shape_cast %get3A_553 : vector<16xf32> to vector<16xf32>
      %add3A_555 = vector.broadcast %squeeze3A_422 : f32 to vector<16xf32>
      %add3A_556 = arith.addf %get3A_554, %add3A_555 : vector<16xf32>
      %mul3A_557 = arith.constant 16 : i32
      %mul3A_558 = arith.muli %scan3A_549, %mul3A_557 : i32
      %get3A_559 = arith.constant 0 : i32
      %get3A_560 = arith.index_cast %get3A_559 : i32 to index
      %get3A_561 = arith.index_cast %mul3A_558 : i32 to index
      %get3A_562 = tpu.vector_load %arg9[%get3A_560, %get3A_561] {strides = array<i32>} : memref<16x2048xf32, #tpu.memory_space<vmem>>, vector<1x16xf32>,
      %get3A_563 = vector.shape_cast %get3A_562 : vector<1x16xf32> to vector<16xf32>
      %mul3A_564 = arith.mulf %get3A_563, %add3A_556 : vector<16xf32>
      %mul3A_565 = arith.constant 16 : i32
      %mul3A_566 = arith.muli %scan3A_549, %mul3A_565 : i32
      %swap3A = arith.constant 0 : i32
      %swap3A_567 = arith.index_cast %swap3A : i32 to index
      %swap3A_568 = arith.index_cast %mul3A_566 : i32 to index
      %swap3A_569 = tpu.vector_load %arg10[%swap3A_567, %swap3A_568] {strides = array<i32>} : memref<16x2048xf32, #tpu.memory_space<vmem>>, vector<1x16xf32>,
      %swap3A_570 = vector.shape_cast %swap3A_569 : vector<1x16xf32> to vector<16xf32>
      %swap3A_571 = vector.shape_cast %mul3A_564 : vector<16xf32> to vector<1x16xf32>
      tpu.vector_store %arg10[%swap3A_567, %swap3A_568], %swap3A_571 {strides = array<i32>} : memref<16x2048xf32, #tpu.memory_space<vmem>>, vector<1x16xf32>,
    }
    %scan3A_428 = arith.constant 128 : i32
    %slice3A_429 = vector.extract_strided_slice %mul3A_420 {offsets = [1], sizes = [1], strides = [1]} : vector<16xf32> to vector<1xf32>
    %squeeze3A_430 = vector.extract %slice3A_429[0] : f32 from vector<1xf32>
    %scan3A_431 = arith.constant 0 : i32
    %scan3A_432 = arith.constant 0 : i32
    %scan3A_433 = arith.constant 128 : i32
    %scan3A_434 = arith.addi %scan3A_432, %scan3A_433 : i32
    %scan3A_435 = arith.constant 1 : i32
    scf.for %scan3A_549 = %scan3A_432 to %scan3A_434 step %scan3A_435  : i32 {
      %mul3A_550 = arith.constant 16 : i32
      %mul3A_551 = arith.muli %scan3A_549, %mul3A_550 : i32
      %get3A_552 = arith.index_cast %mul3A_551 : i32 to index
      %get3A_553 = tpu.vector_load %arg8[%get3A_552] {strides = array<i32>} : memref<2048xf32, #tpu.memory_space<vmem>>, vector<16xf32>,
      %get3A_554 = vector.shape_cast %get3A_553 : vector<16xf32> to vector<16xf32>
      %add3A_555 = vector.broadcast %squeeze3A_430 : f32 to vector<16xf32>
      %add3A_556 = arith.addf %get3A_554, %add3A_555 : vector<16xf32>
      %mul3A_557 = arith.constant 16 : i32
      %mul3A_558 = arith.muli %scan3A_549, %mul3A_557 : i32
      %get3A_559 = arith.constant 1 : i32
      %get3A_560 = arith.index_cast %get3A_559 : i32 to index
      %get3A_561 = arith.index_cast %mul3A_558 : i32 to index
      %get3A_562 = tpu.vector_load %arg9[%get3A_560, %get3A_561] {strides = array<i32>} : memref<16x2048xf32, #tpu.memory_space<vmem>>, vector<1x16xf32>,
      %get3A_563 = vector.shape_cast %get3A_562 : vector<1x16xf32> to vector<16xf32>
      %mul3A_564 = arith.mulf %get3A_563, %add3A_556 : vector<16xf32>
      %mul3A_565 = arith.constant 16 : i32
      %mul3A_566 = arith.muli %scan3A_549, %mul3A_565 : i32
      %swap3A = arith.constant 1 : i32
      %swap3A_567 = arith.index_cast %swap3A : i32 to index
      %swap3A_568 = arith.index_cast %mul3A_566 : i32 to index
      %swap3A_569 = tpu.vector_load %arg10[%swap3A_567, %swap3A_568] {strides = array<i32>} : memref<16x2048xf32, #tpu.memory_space<vmem>>, vector<1x16xf32>,
      %swap3A_570 = vector.shape_cast %swap3A_569 : vector<1x16xf32> to vector<16xf32>
      %swap3A_571 = vector.shape_cast %mul3A_564 : vector<16xf32> to vector<1x16xf32>
      tpu.vector_store %arg10[%swap3A_567, %swap3A_568], %swap3A_571 {strides = array<i32>} : memref<16x2048xf32, #tpu.memory_space<vmem>>, vector<1x16xf32>,
    }
    %scan3A_436 = arith.constant 128 : i32
    %slice3A_437 = vector.extract_strided_slice %mul3A_420 {offsets = [2], sizes = [1], strides = [1]} : vector<16xf32> to vector<1xf32>
    %squeeze3A_438 = vector.extract %slice3A_437[0] : f32 from vector<1xf32>
    %scan3A_439 = arith.constant 0 : i32
    %scan3A_440 = arith.constant 0 : i32
    %scan3A_441 = arith.constant 128 : i32
    %scan3A_442 = arith.addi %scan3A_440, %scan3A_441 : i32
    %scan3A_443 = arith.constant 1 : i32
    scf.for %scan3A_549 = %scan3A_440 to %scan3A_442 step %scan3A_443  : i32 {
      %mul3A_550 = arith.constant 16 : i32
      %mul3A_551 = arith.muli %scan3A_549, %mul3A_550 : i32
      %get3A_552 = arith.index_cast %mul3A_551 : i32 to index
      %get3A_553 = tpu.vector_load %arg8[%get3A_552] {strides = array<i32>} : memref<2048xf32, #tpu.memory_space<vmem>>, vector<16xf32>,
      %get3A_554 = vector.shape_cast %get3A_553 : vector<16xf32> to vector<16xf32>
      %add3A_555 = vector.broadcast %squeeze3A_438 : f32 to vector<16xf32>
      %add3A_556 = arith.addf %get3A_554, %add3A_555 : vector<16xf32>
      %mul3A_557 = arith.constant 16 : i32
      %mul3A_558 = arith.muli %scan3A_549, %mul3A_557 : i32
      %get3A_559 = arith.constant 2 : i32
      %get3A_560 = arith.index_cast %get3A_559 : i32 to index
      %get3A_561 = arith.index_cast %mul3A_558 : i32 to index
      %get3A_562 = tpu.vector_load %arg9[%get3A_560, %get3A_561] {strides = array<i32>} : memref<16x2048xf32, #tpu.memory_space<vmem>>, vector<1x16xf32>,
      %get3A_563 = vector.shape_cast %get3A_562 : vector<1x16xf32> to vector<16xf32>
      %mul3A_564 = arith.mulf %get3A_563, %add3A_556 : vector<16xf32>
      %mul3A_565 = arith.constant 16 : i32
      %mul3A_566 = arith.muli %scan3A_549, %mul3A_565 : i32
      %swap3A = arith.constant 2 : i32
      %swap3A_567 = arith.index_cast %swap3A : i32 to index
      %swap3A_568 = arith.index_cast %mul3A_566 : i32 to index
      %swap3A_569 = tpu.vector_load %arg10[%swap3A_567, %swap3A_568] {strides = array<i32>} : memref<16x2048xf32, #tpu.memory_space<vmem>>, vector<1x16xf32>,
      %swap3A_570 = vector.shape_cast %swap3A_569 : vector<1x16xf32> to vector<16xf32>
      %swap3A_571 = vector.shape_cast %mul3A_564 : vector<16xf32> to vector<1x16xf32>
      tpu.vector_store %arg10[%swap3A_567, %swap3A_568], %swap3A_571 {strides = array<i32>} : memref<16x2048xf32, #tpu.memory_space<vmem>>, vector<1x16xf32>,
    }
    %scan3A_444 = arith.constant 128 : i32
    %slice3A_445 = vector.extract_strided_slice %mul3A_420 {offsets = [3], sizes = [1], strides = [1]} : vector<16xf32> to vector<1xf32>
    %squeeze3A_446 = vector.extract %slice3A_445[0] : f32 from vector<1xf32>
    %scan3A_447 = arith.constant 0 : i32
    %scan3A_448 = arith.constant 0 : i32
    %scan3A_449 = arith.constant 128 : i32
    %scan3A_450 = arith.addi %scan3A_448, %scan3A_449 : i32
    %scan3A_451 = arith.constant 1 : i32
    scf.for %scan3A_549 = %scan3A_448 to %scan3A_450 step %scan3A_451  : i32 {
      %mul3A_550 = arith.constant 16 : i32
      %mul3A_551 = arith.muli %scan3A_549, %mul3A_550 : i32
      %get3A_552 = arith.index_cast %mul3A_551 : i32 to index
      %get3A_553 = tpu.vector_load %arg8[%get3A_552] {strides = array<i32>} : memref<2048xf32, #tpu.memory_space<vmem>>, vector<16xf32>,
      %get3A_554 = vector.shape_cast %get3A_553 : vector<16xf32> to vector<16xf32>
      %add3A_555 = vector.broadcast %squeeze3A_446 : f32 to vector<16xf32>
      %add3A_556 = arith.addf %get3A_554, %add3A_555 : vector<16xf32>
      %mul3A_557 = arith.constant 16 : i32
      %mul3A_558 = arith.muli %scan3A_549, %mul3A_557 : i32
      %get3A_559 = arith.constant 3 : i32
      %get3A_560 = arith.index_cast %get3A_559 : i32 to index
      %get3A_561 = arith.index_cast %mul3A_558 : i32 to index
      %get3A_562 = tpu.vector_load %arg9[%get3A_560, %get3A_561] {strides = array<i32>} : memref<16x2048xf32, #tpu.memory_space<vmem>>, vector<1x16xf32>,
      %get3A_563 = vector.shape_cast %get3A_562 : vector<1x16xf32> to vector<16xf32>
      %mul3A_564 = arith.mulf %get3A_563, %add3A_556 : vector<16xf32>
      %mul3A_565 = arith.constant 16 : i32
      %mul3A_566 = arith.muli %scan3A_549, %mul3A_565 : i32
      %swap3A = arith.constant 3 : i32
      %swap3A_567 = arith.index_cast %swap3A : i32 to index
      %swap3A_568 = arith.index_cast %mul3A_566 : i32 to index
      %swap3A_569 = tpu.vector_load %arg10[%swap3A_567, %swap3A_568] {strides = array<i32>} : memref<16x2048xf32, #tpu.memory_space<vmem>>, vector<1x16xf32>,
      %swap3A_570 = vector.shape_cast %swap3A_569 : vector<1x16xf32> to vector<16xf32>
      %swap3A_571 = vector.shape_cast %mul3A_564 : vector<16xf32> to vector<1x16xf32>
      tpu.vector_store %arg10[%swap3A_567, %swap3A_568], %swap3A_571 {strides = array<i32>} : memref<16x2048xf32, #tpu.memory_space<vmem>>, vector<1x16xf32>,
    }
    %scan3A_452 = arith.constant 128 : i32
    %slice3A_453 = vector.extract_strided_slice %mul3A_420 {offsets = [4], sizes = [1], strides = [1]} : vector<16xf32> to vector<1xf32>
    %squeeze3A_454 = vector.extract %slice3A_453[0] : f32 from vector<1xf32>
    %scan3A_455 = arith.constant 0 : i32
    %scan3A_456 = arith.constant 0 : i32
    %scan3A_457 = arith.constant 128 : i32
    %scan3A_458 = arith.addi %scan3A_456, %scan3A_457 : i32
    %scan3A_459 = arith.constant 1 : i32
    scf.for %scan3A_549 = %scan3A_456 to %scan3A_458 step %scan3A_459  : i32 {
      %mul3A_550 = arith.constant 16 : i32
      %mul3A_551 = arith.muli %scan3A_549, %mul3A_550 : i32
      %get3A_552 = arith.index_cast %mul3A_551 : i32 to index
      %get3A_553 = tpu.vector_load %arg8[%get3A_552] {strides = array<i32>} : memref<2048xf32, #tpu.memory_space<vmem>>, vector<16xf32>,
      %get3A_554 = vector.shape_cast %get3A_553 : vector<16xf32> to vector<16xf32>
      %add3A_555 = vector.broadcast %squeeze3A_454 : f32 to vector<16xf32>
      %add3A_556 = arith.addf %get3A_554, %add3A_555 : vector<16xf32>
      %mul3A_557 = arith.constant 16 : i32
      %mul3A_558 = arith.muli %scan3A_549, %mul3A_557 : i32
      %get3A_559 = arith.constant 4 : i32
      %get3A_560 = arith.index_cast %get3A_559 : i32 to index
      %get3A_561 = arith.index_cast %mul3A_558 : i32 to index
      %get3A_562 = tpu.vector_load %arg9[%get3A_560, %get3A_561] {strides = array<i32>} : memref<16x2048xf32, #tpu.memory_space<vmem>>, vector<1x16xf32>,
      %get3A_563 = vector.shape_cast %get3A_562 : vector<1x16xf32> to vector<16xf32>
      %mul3A_564 = arith.mulf %get3A_563, %add3A_556 : vector<16xf32>
      %mul3A_565 = arith.constant 16 : i32
      %mul3A_566 = arith.muli %scan3A_549, %mul3A_565 : i32
      %swap3A = arith.constant 4 : i32
      %swap3A_567 = arith.index_cast %swap3A : i32 to index
      %swap3A_568 = arith.index_cast %mul3A_566 : i32 to index
      %swap3A_569 = tpu.vector_load %arg10[%swap3A_567, %swap3A_568] {strides = array<i32>} : memref<16x2048xf32, #tpu.memory_space<vmem>>, vector<1x16xf32>,
      %swap3A_570 = vector.shape_cast %swap3A_569 : vector<1x16xf32> to vector<16xf32>
      %swap3A_571 = vector.shape_cast %mul3A_564 : vector<16xf32> to vector<1x16xf32>
      tpu.vector_store %arg10[%swap3A_567, %swap3A_568], %swap3A_571 {strides = array<i32>} : memref<16x2048xf32, #tpu.memory_space<vmem>>, vector<1x16xf32>,
    }
    %scan3A_460 = arith.constant 128 : i32
    %slice3A_461 = vector.extract_strided_slice %mul3A_420 {offsets = [5], sizes = [1], strides = [1]} : vector<16xf32> to vector<1xf32>
    %squeeze3A_462 = vector.extract %slice3A_461[0] : f32 from vector<1xf32>
    %scan3A_463 = arith.constant 0 : i32
    %scan3A_464 = arith.constant 0 : i32
    %scan3A_465 = arith.constant 128 : i32
    %scan3A_466 = arith.addi %scan3A_464, %scan3A_465 : i32
    %scan3A_467 = arith.constant 1 : i32
    scf.for %scan3A_549 = %scan3A_464 to %scan3A_466 step %scan3A_467  : i32 {
      %mul3A_550 = arith.constant 16 : i32
      %mul3A_551 = arith.muli %scan3A_549, %mul3A_550 : i32
      %get3A_552 = arith.index_cast %mul3A_551 : i32 to index
      %get3A_553 = tpu.vector_load %arg8[%get3A_552] {strides = array<i32>} : memref<2048xf32, #tpu.memory_space<vmem>>, vector<16xf32>,
      %get3A_554 = vector.shape_cast %get3A_553 : vector<16xf32> to vector<16xf32>
      %add3A_555 = vector.broadcast %squeeze3A_462 : f32 to vector<16xf32>
      %add3A_556 = arith.addf %get3A_554, %add3A_555 : vector<16xf32>
      %mul3A_557 = arith.constant 16 : i32
      %mul3A_558 = arith.muli %scan3A_549, %mul3A_557 : i32
      %get3A_559 = arith.constant 5 : i32
      %get3A_560 = arith.index_cast %get3A_559 : i32 to index
      %get3A_561 = arith.index_cast %mul3A_558 : i32 to index
      %get3A_562 = tpu.vector_load %arg9[%get3A_560, %get3A_561] {strides = array<i32>} : memref<16x2048xf32, #tpu.memory_space<vmem>>, vector<1x16xf32>,
      %get3A_563 = vector.shape_cast %get3A_562 : vector<1x16xf32> to vector<16xf32>
      %mul3A_564 = arith.mulf %get3A_563, %add3A_556 : vector<16xf32>
      %mul3A_565 = arith.constant 16 : i32
      %mul3A_566 = arith.muli %scan3A_549, %mul3A_565 : i32
      %swap3A = arith.constant 5 : i32
      %swap3A_567 = arith.index_cast %swap3A : i32 to index
      %swap3A_568 = arith.index_cast %mul3A_566 : i32 to index
      %swap3A_569 = tpu.vector_load %arg10[%swap3A_567, %swap3A_568] {strides = array<i32>} : memref<16x2048xf32, #tpu.memory_space<vmem>>, vector<1x16xf32>,
      %swap3A_570 = vector.shape_cast %swap3A_569 : vector<1x16xf32> to vector<16xf32>
      %swap3A_571 = vector.shape_cast %mul3A_564 : vector<16xf32> to vector<1x16xf32>
      tpu.vector_store %arg10[%swap3A_567, %swap3A_568], %swap3A_571 {strides = array<i32>} : memref<16x2048xf32, #tpu.memory_space<vmem>>, vector<1x16xf32>,
    }
    %scan3A_468 = arith.constant 128 : i32
    %slice3A_469 = vector.extract_strided_slice %mul3A_420 {offsets = [6], sizes = [1], strides = [1]} : vector<16xf32> to vector<1xf32>
    %squeeze3A_470 = vector.extract %slice3A_469[0] : f32 from vector<1xf32>
    %scan3A_471 = arith.constant 0 : i32
    %scan3A_472 = arith.constant 0 : i32
    %scan3A_473 = arith.constant 128 : i32
    %scan3A_474 = arith.addi %scan3A_472, %scan3A_473 : i32
    %scan3A_475 = arith.constant 1 : i32
    scf.for %scan3A_549 = %scan3A_472 to %scan3A_474 step %scan3A_475  : i32 {
      %mul3A_550 = arith.constant 16 : i32
      %mul3A_551 = arith.muli %scan3A_549, %mul3A_550 : i32
      %get3A_552 = arith.index_cast %mul3A_551 : i32 to index
      %get3A_553 = tpu.vector_load %arg8[%get3A_552] {strides = array<i32>} : memref<2048xf32, #tpu.memory_space<vmem>>, vector<16xf32>,
      %get3A_554 = vector.shape_cast %get3A_553 : vector<16xf32> to vector<16xf32>
      %add3A_555 = vector.broadcast %squeeze3A_470 : f32 to vector<16xf32>
      %add3A_556 = arith.addf %get3A_554, %add3A_555 : vector<16xf32>
      %mul3A_557 = arith.constant 16 : i32
      %mul3A_558 = arith.muli %scan3A_549, %mul3A_557 : i32
      %get3A_559 = arith.constant 6 : i32
      %get3A_560 = arith.index_cast %get3A_559 : i32 to index
      %get3A_561 = arith.index_cast %mul3A_558 : i32 to index
      %get3A_562 = tpu.vector_load %arg9[%get3A_560, %get3A_561] {strides = array<i32>} : memref<16x2048xf32, #tpu.memory_space<vmem>>, vector<1x16xf32>,
      %get3A_563 = vector.shape_cast %get3A_562 : vector<1x16xf32> to vector<16xf32>
      %mul3A_564 = arith.mulf %get3A_563, %add3A_556 : vector<16xf32>
      %mul3A_565 = arith.constant 16 : i32
      %mul3A_566 = arith.muli %scan3A_549, %mul3A_565 : i32
      %swap3A = arith.constant 6 : i32
      %swap3A_567 = arith.index_cast %swap3A : i32 to index
      %swap3A_568 = arith.index_cast %mul3A_566 : i32 to index
      %swap3A_569 = tpu.vector_load %arg10[%swap3A_567, %swap3A_568] {strides = array<i32>} : memref<16x2048xf32, #tpu.memory_space<vmem>>, vector<1x16xf32>,
      %swap3A_570 = vector.shape_cast %swap3A_569 : vector<1x16xf32> to vector<16xf32>
      %swap3A_571 = vector.shape_cast %mul3A_564 : vector<16xf32> to vector<1x16xf32>
      tpu.vector_store %arg10[%swap3A_567, %swap3A_568], %swap3A_571 {strides = array<i32>} : memref<16x2048xf32, #tpu.memory_space<vmem>>, vector<1x16xf32>,
    }
    %scan3A_476 = arith.constant 128 : i32
    %slice3A_477 = vector.extract_strided_slice %mul3A_420 {offsets = [7], sizes = [1], strides = [1]} : vector<16xf32> to vector<1xf32>
    %squeeze3A_478 = vector.extract %slice3A_477[0] : f32 from vector<1xf32>
    %scan3A_479 = arith.constant 0 : i32
    %scan3A_480 = arith.constant 0 : i32
    %scan3A_481 = arith.constant 128 : i32
    %scan3A_482 = arith.addi %scan3A_480, %scan3A_481 : i32
    %scan3A_483 = arith.constant 1 : i32
    scf.for %scan3A_549 = %scan3A_480 to %scan3A_482 step %scan3A_483  : i32 {
      %mul3A_550 = arith.constant 16 : i32
      %mul3A_551 = arith.muli %scan3A_549, %mul3A_550 : i32
      %get3A_552 = arith.index_cast %mul3A_551 : i32 to index
      %get3A_553 = tpu.vector_load %arg8[%get3A_552] {strides = array<i32>} : memref<2048xf32, #tpu.memory_space<vmem>>, vector<16xf32>,
      %get3A_554 = vector.shape_cast %get3A_553 : vector<16xf32> to vector<16xf32>
      %add3A_555 = vector.broadcast %squeeze3A_478 : f32 to vector<16xf32>
      %add3A_556 = arith.addf %get3A_554, %add3A_555 : vector<16xf32>
      %mul3A_557 = arith.constant 16 : i32
      %mul3A_558 = arith.muli %scan3A_549, %mul3A_557 : i32
      %get3A_559 = arith.constant 7 : i32
      %get3A_560 = arith.index_cast %get3A_559 : i32 to index
      %get3A_561 = arith.index_cast %mul3A_558 : i32 to index
      %get3A_562 = tpu.vector_load %arg9[%get3A_560, %get3A_561] {strides = array<i32>} : memref<16x2048xf32, #tpu.memory_space<vmem>>, vector<1x16xf32>,
      %get3A_563 = vector.shape_cast %get3A_562 : vector<1x16xf32> to vector<16xf32>
      %mul3A_564 = arith.mulf %get3A_563, %add3A_556 : vector<16xf32>
      %mul3A_565 = arith.constant 16 : i32
      %mul3A_566 = arith.muli %scan3A_549, %mul3A_565 : i32
      %swap3A = arith.constant 7 : i32
      %swap3A_567 = arith.index_cast %swap3A : i32 to index
      %swap3A_568 = arith.index_cast %mul3A_566 : i32 to index
      %swap3A_569 = tpu.vector_load %arg10[%swap3A_567, %swap3A_568] {strides = array<i32>} : memref<16x2048xf32, #tpu.memory_space<vmem>>, vector<1x16xf32>,
      %swap3A_570 = vector.shape_cast %swap3A_569 : vector<1x16xf32> to vector<16xf32>
      %swap3A_571 = vector.shape_cast %mul3A_564 : vector<16xf32> to vector<1x16xf32>
      tpu.vector_store %arg10[%swap3A_567, %swap3A_568], %swap3A_571 {strides = array<i32>} : memref<16x2048xf32, #tpu.memory_space<vmem>>, vector<1x16xf32>,
    }
    %scan3A_484 = arith.constant 128 : i32
    %slice3A_485 = vector.extract_strided_slice %mul3A_420 {offsets = [8], sizes = [1], strides = [1]} : vector<16xf32> to vector<1xf32>
    %squeeze3A_486 = vector.extract %slice3A_485[0] : f32 from vector<1xf32>
    %scan3A_487 = arith.constant 0 : i32
    %scan3A_488 = arith.constant 0 : i32
    %scan3A_489 = arith.constant 128 : i32
    %scan3A_490 = arith.addi %scan3A_488, %scan3A_489 : i32
    %scan3A_491 = arith.constant 1 : i32
    scf.for %scan3A_549 = %scan3A_488 to %scan3A_490 step %scan3A_491  : i32 {
      %mul3A_550 = arith.constant 16 : i32
      %mul3A_551 = arith.muli %scan3A_549, %mul3A_550 : i32
      %get3A_552 = arith.index_cast %mul3A_551 : i32 to index
      %get3A_553 = tpu.vector_load %arg8[%get3A_552] {strides = array<i32>} : memref<2048xf32, #tpu.memory_space<vmem>>, vector<16xf32>,
      %get3A_554 = vector.shape_cast %get3A_553 : vector<16xf32> to vector<16xf32>
      %add3A_555 = vector.broadcast %squeeze3A_486 : f32 to vector<16xf32>
      %add3A_556 = arith.addf %get3A_554, %add3A_555 : vector<16xf32>
      %mul3A_557 = arith.constant 16 : i32
      %mul3A_558 = arith.muli %scan3A_549, %mul3A_557 : i32
      %get3A_559 = arith.constant 8 : i32
      %get3A_560 = arith.index_cast %get3A_559 : i32 to index
      %get3A_561 = arith.index_cast %mul3A_558 : i32 to index
      %get3A_562 = tpu.vector_load %arg9[%get3A_560, %get3A_561] {strides = array<i32>} : memref<16x2048xf32, #tpu.memory_space<vmem>>, vector<1x16xf32>,
      %get3A_563 = vector.shape_cast %get3A_562 : vector<1x16xf32> to vector<16xf32>
      %mul3A_564 = arith.mulf %get3A_563, %add3A_556 : vector<16xf32>
      %mul3A_565 = arith.constant 16 : i32
      %mul3A_566 = arith.muli %scan3A_549, %mul3A_565 : i32
      %swap3A = arith.constant 8 : i32
      %swap3A_567 = arith.index_cast %swap3A : i32 to index
      %swap3A_568 = arith.index_cast %mul3A_566 : i32 to index
      %swap3A_569 = tpu.vector_load %arg10[%swap3A_567, %swap3A_568] {strides = array<i32>} : memref<16x2048xf32, #tpu.memory_space<vmem>>, vector<1x16xf32>,
      %swap3A_570 = vector.shape_cast %swap3A_569 : vector<1x16xf32> to vector<16xf32>
      %swap3A_571 = vector.shape_cast %mul3A_564 : vector<16xf32> to vector<1x16xf32>
      tpu.vector_store %arg10[%swap3A_567, %swap3A_568], %swap3A_571 {strides = array<i32>} : memref<16x2048xf32, #tpu.memory_space<vmem>>, vector<1x16xf32>,
    }
    %scan3A_492 = arith.constant 128 : i32
    %slice3A_493 = vector.extract_strided_slice %mul3A_420 {offsets = [9], sizes = [1], strides = [1]} : vector<16xf32> to vector<1xf32>
    %squeeze3A_494 = vector.extract %slice3A_493[0] : f32 from vector<1xf32>
    %scan3A_495 = arith.constant 0 : i32
    %scan3A_496 = arith.constant 0 : i32
    %scan3A_497 = arith.constant 128 : i32
    %scan3A_498 = arith.addi %scan3A_496, %scan3A_497 : i32
    %scan3A_499 = arith.constant 1 : i32
    scf.for %scan3A_549 = %scan3A_496 to %scan3A_498 step %scan3A_499  : i32 {
      %mul3A_550 = arith.constant 16 : i32
      %mul3A_551 = arith.muli %scan3A_549, %mul3A_550 : i32
      %get3A_552 = arith.index_cast %mul3A_551 : i32 to index
      %get3A_553 = tpu.vector_load %arg8[%get3A_552] {strides = array<i32>} : memref<2048xf32, #tpu.memory_space<vmem>>, vector<16xf32>,
      %get3A_554 = vector.shape_cast %get3A_553 : vector<16xf32> to vector<16xf32>
      %add3A_555 = vector.broadcast %squeeze3A_494 : f32 to vector<16xf32>
      %add3A_556 = arith.addf %get3A_554, %add3A_555 : vector<16xf32>
      %mul3A_557 = arith.constant 16 : i32
      %mul3A_558 = arith.muli %scan3A_549, %mul3A_557 : i32
      %get3A_559 = arith.constant 9 : i32
      %get3A_560 = arith.index_cast %get3A_559 : i32 to index
      %get3A_561 = arith.index_cast %mul3A_558 : i32 to index
      %get3A_562 = tpu.vector_load %arg9[%get3A_560, %get3A_561] {strides = array<i32>} : memref<16x2048xf32, #tpu.memory_space<vmem>>, vector<1x16xf32>,
      %get3A_563 = vector.shape_cast %get3A_562 : vector<1x16xf32> to vector<16xf32>
      %mul3A_564 = arith.mulf %get3A_563, %add3A_556 : vector<16xf32>
      %mul3A_565 = arith.constant 16 : i32
      %mul3A_566 = arith.muli %scan3A_549, %mul3A_565 : i32
      %swap3A = arith.constant 9 : i32
      %swap3A_567 = arith.index_cast %swap3A : i32 to index
      %swap3A_568 = arith.index_cast %mul3A_566 : i32 to index
      %swap3A_569 = tpu.vector_load %arg10[%swap3A_567, %swap3A_568] {strides = array<i32>} : memref<16x2048xf32, #tpu.memory_space<vmem>>, vector<1x16xf32>,
      %swap3A_570 = vector.shape_cast %swap3A_569 : vector<1x16xf32> to vector<16xf32>
      %swap3A_571 = vector.shape_cast %mul3A_564 : vector<16xf32> to vector<1x16xf32>
      tpu.vector_store %arg10[%swap3A_567, %swap3A_568], %swap3A_571 {strides = array<i32>} : memref<16x2048xf32, #tpu.memory_space<vmem>>, vector<1x16xf32>,
    }
    %scan3A_500 = arith.constant 128 : i32
    %slice3A_501 = vector.extract_strided_slice %mul3A_420 {offsets = [10], sizes = [1], strides = [1]} : vector<16xf32> to vector<1xf32>
    %squeeze3A_502 = vector.extract %slice3A_501[0] : f32 from vector<1xf32>
    %scan3A_503 = arith.constant 0 : i32
    %scan3A_504 = arith.constant 0 : i32
    %scan3A_505 = arith.constant 128 : i32
    %scan3A_506 = arith.addi %scan3A_504, %scan3A_505 : i32
    %scan3A_507 = arith.constant 1 : i32
    scf.for %scan3A_549 = %scan3A_504 to %scan3A_506 step %scan3A_507  : i32 {
      %mul3A_550 = arith.constant 16 : i32
      %mul3A_551 = arith.muli %scan3A_549, %mul3A_550 : i32
      %get3A_552 = arith.index_cast %mul3A_551 : i32 to index
      %get3A_553 = tpu.vector_load %arg8[%get3A_552] {strides = array<i32>} : memref<2048xf32, #tpu.memory_space<vmem>>, vector<16xf32>,
      %get3A_554 = vector.shape_cast %get3A_553 : vector<16xf32> to vector<16xf32>
      %add3A_555 = vector.broadcast %squeeze3A_502 : f32 to vector<16xf32>
      %add3A_556 = arith.addf %get3A_554, %add3A_555 : vector<16xf32>
      %mul3A_557 = arith.constant 16 : i32
      %mul3A_558 = arith.muli %scan3A_549, %mul3A_557 : i32
      %get3A_559 = arith.constant 10 : i32
      %get3A_560 = arith.index_cast %get3A_559 : i32 to index
      %get3A_561 = arith.index_cast %mul3A_558 : i32 to index
      %get3A_562 = tpu.vector_load %arg9[%get3A_560, %get3A_561] {strides = array<i32>} : memref<16x2048xf32, #tpu.memory_space<vmem>>, vector<1x16xf32>,
      %get3A_563 = vector.shape_cast %get3A_562 : vector<1x16xf32> to vector<16xf32>
      %mul3A_564 = arith.mulf %get3A_563, %add3A_556 : vector<16xf32>
      %mul3A_565 = arith.constant 16 : i32
      %mul3A_566 = arith.muli %scan3A_549, %mul3A_565 : i32
      %swap3A = arith.constant 10 : i32
      %swap3A_567 = arith.index_cast %swap3A : i32 to index
      %swap3A_568 = arith.index_cast %mul3A_566 : i32 to index
      %swap3A_569 = tpu.vector_load %arg10[%swap3A_567, %swap3A_568] {strides = array<i32>} : memref<16x2048xf32, #tpu.memory_space<vmem>>, vector<1x16xf32>,
      %swap3A_570 = vector.shape_cast %swap3A_569 : vector<1x16xf32> to vector<16xf32>
      %swap3A_571 = vector.shape_cast %mul3A_564 : vector<16xf32> to vector<1x16xf32>
      tpu.vector_store %arg10[%swap3A_567, %swap3A_568], %swap3A_571 {strides = array<i32>} : memref<16x2048xf32, #tpu.memory_space<vmem>>, vector<1x16xf32>,
    }
    %scan3A_508 = arith.constant 128 : i32
    %slice3A_509 = vector.extract_strided_slice %mul3A_420 {offsets = [11], sizes = [1], strides = [1]} : vector<16xf32> to vector<1xf32>
    %squeeze3A_510 = vector.extract %slice3A_509[0] : f32 from vector<1xf32>
    %scan3A_511 = arith.constant 0 : i32
    %scan3A_512 = arith.constant 0 : i32
    %scan3A_513 = arith.constant 128 : i32
    %scan3A_514 = arith.addi %scan3A_512, %scan3A_513 : i32
    %scan3A_515 = arith.constant 1 : i32
    scf.for %scan3A_549 = %scan3A_512 to %scan3A_514 step %scan3A_515  : i32 {
      %mul3A_550 = arith.constant 16 : i32
      %mul3A_551 = arith.muli %scan3A_549, %mul3A_550 : i32
      %get3A_552 = arith.index_cast %mul3A_551 : i32 to index
      %get3A_553 = tpu.vector_load %arg8[%get3A_552] {strides = array<i32>} : memref<2048xf32, #tpu.memory_space<vmem>>, vector<16xf32>,
      %get3A_554 = vector.shape_cast %get3A_553 : vector<16xf32> to vector<16xf32>
      %add3A_555 = vector.broadcast %squeeze3A_510 : f32 to vector<16xf32>
      %add3A_556 = arith.addf %get3A_554, %add3A_555 : vector<16xf32>
      %mul3A_557 = arith.constant 16 : i32
      %mul3A_558 = arith.muli %scan3A_549, %mul3A_557 : i32
      %get3A_559 = arith.constant 11 : i32
      %get3A_560 = arith.index_cast %get3A_559 : i32 to index
      %get3A_561 = arith.index_cast %mul3A_558 : i32 to index
      %get3A_562 = tpu.vector_load %arg9[%get3A_560, %get3A_561] {strides = array<i32>} : memref<16x2048xf32, #tpu.memory_space<vmem>>, vector<1x16xf32>,
      %get3A_563 = vector.shape_cast %get3A_562 : vector<1x16xf32> to vector<16xf32>
      %mul3A_564 = arith.mulf %get3A_563, %add3A_556 : vector<16xf32>
      %mul3A_565 = arith.constant 16 : i32
      %mul3A_566 = arith.muli %scan3A_549, %mul3A_565 : i32
      %swap3A = arith.constant 11 : i32
      %swap3A_567 = arith.index_cast %swap3A : i32 to index
      %swap3A_568 = arith.index_cast %mul3A_566 : i32 to index
      %swap3A_569 = tpu.vector_load %arg10[%swap3A_567, %swap3A_568] {strides = array<i32>} : memref<16x2048xf32, #tpu.memory_space<vmem>>, vector<1x16xf32>,
      %swap3A_570 = vector.shape_cast %swap3A_569 : vector<1x16xf32> to vector<16xf32>
      %swap3A_571 = vector.shape_cast %mul3A_564 : vector<16xf32> to vector<1x16xf32>
      tpu.vector_store %arg10[%swap3A_567, %swap3A_568], %swap3A_571 {strides = array<i32>} : memref<16x2048xf32, #tpu.memory_space<vmem>>, vector<1x16xf32>,
    }
    %scan3A_516 = arith.constant 128 : i32
    %slice3A_517 = vector.extract_strided_slice %mul3A_420 {offsets = [12], sizes = [1], strides = [1]} : vector<16xf32> to vector<1xf32>
    %squeeze3A_518 = vector.extract %slice3A_517[0] : f32 from vector<1xf32>
    %scan3A_519 = arith.constant 0 : i32
    %scan3A_520 = arith.constant 0 : i32
    %scan3A_521 = arith.constant 128 : i32
    %scan3A_522 = arith.addi %scan3A_520, %scan3A_521 : i32
    %scan3A_523 = arith.constant 1 : i32
    scf.for %scan3A_549 = %scan3A_520 to %scan3A_522 step %scan3A_523  : i32 {
      %mul3A_550 = arith.constant 16 : i32
      %mul3A_551 = arith.muli %scan3A_549, %mul3A_550 : i32
      %get3A_552 = arith.index_cast %mul3A_551 : i32 to index
      %get3A_553 = tpu.vector_load %arg8[%get3A_552] {strides = array<i32>} : memref<2048xf32, #tpu.memory_space<vmem>>, vector<16xf32>,
      %get3A_554 = vector.shape_cast %get3A_553 : vector<16xf32> to vector<16xf32>
      %add3A_555 = vector.broadcast %squeeze3A_518 : f32 to vector<16xf32>
      %add3A_556 = arith.addf %get3A_554, %add3A_555 : vector<16xf32>
      %mul3A_557 = arith.constant 16 : i32
      %mul3A_558 = arith.muli %scan3A_549, %mul3A_557 : i32
      %get3A_559 = arith.constant 12 : i32
      %get3A_560 = arith.index_cast %get3A_559 : i32 to index
      %get3A_561 = arith.index_cast %mul3A_558 : i32 to index
      %get3A_562 = tpu.vector_load %arg9[%get3A_560, %get3A_561] {strides = array<i32>} : memref<16x2048xf32, #tpu.memory_space<vmem>>, vector<1x16xf32>,
      %get3A_563 = vector.shape_cast %get3A_562 : vector<1x16xf32> to vector<16xf32>
      %mul3A_564 = arith.mulf %get3A_563, %add3A_556 : vector<16xf32>
      %mul3A_565 = arith.constant 16 : i32
      %mul3A_566 = arith.muli %scan3A_549, %mul3A_565 : i32
      %swap3A = arith.constant 12 : i32
      %swap3A_567 = arith.index_cast %swap3A : i32 to index
      %swap3A_568 = arith.index_cast %mul3A_566 : i32 to index
      %swap3A_569 = tpu.vector_load %arg10[%swap3A_567, %swap3A_568] {strides = array<i32>} : memref<16x2048xf32, #tpu.memory_space<vmem>>, vector<1x16xf32>,
      %swap3A_570 = vector.shape_cast %swap3A_569 : vector<1x16xf32> to vector<16xf32>
      %swap3A_571 = vector.shape_cast %mul3A_564 : vector<16xf32> to vector<1x16xf32>
      tpu.vector_store %arg10[%swap3A_567, %swap3A_568], %swap3A_571 {strides = array<i32>} : memref<16x2048xf32, #tpu.memory_space<vmem>>, vector<1x16xf32>,
    }
    %scan3A_524 = arith.constant 128 : i32
    %slice3A_525 = vector.extract_strided_slice %mul3A_420 {offsets = [13], sizes = [1], strides = [1]} : vector<16xf32> to vector<1xf32>
    %squeeze3A_526 = vector.extract %slice3A_525[0] : f32 from vector<1xf32>
    %scan3A_527 = arith.constant 0 : i32
    %scan3A_528 = arith.constant 0 : i32
    %scan3A_529 = arith.constant 128 : i32
    %scan3A_530 = arith.addi %scan3A_528, %scan3A_529 : i32
    %scan3A_531 = arith.constant 1 : i32
    scf.for %scan3A_549 = %scan3A_528 to %scan3A_530 step %scan3A_531  : i32 {
      %mul3A_550 = arith.constant 16 : i32
      %mul3A_551 = arith.muli %scan3A_549, %mul3A_550 : i32
      %get3A_552 = arith.index_cast %mul3A_551 : i32 to index
      %get3A_553 = tpu.vector_load %arg8[%get3A_552] {strides = array<i32>} : memref<2048xf32, #tpu.memory_space<vmem>>, vector<16xf32>,
      %get3A_554 = vector.shape_cast %get3A_553 : vector<16xf32> to vector<16xf32>
      %add3A_555 = vector.broadcast %squeeze3A_526 : f32 to vector<16xf32>
      %add3A_556 = arith.addf %get3A_554, %add3A_555 : vector<16xf32>
      %mul3A_557 = arith.constant 16 : i32
      %mul3A_558 = arith.muli %scan3A_549, %mul3A_557 : i32
      %get3A_559 = arith.constant 13 : i32
      %get3A_560 = arith.index_cast %get3A_559 : i32 to index
      %get3A_561 = arith.index_cast %mul3A_558 : i32 to index
      %get3A_562 = tpu.vector_load %arg9[%get3A_560, %get3A_561] {strides = array<i32>} : memref<16x2048xf32, #tpu.memory_space<vmem>>, vector<1x16xf32>,
      %get3A_563 = vector.shape_cast %get3A_562 : vector<1x16xf32> to vector<16xf32>
      %mul3A_564 = arith.mulf %get3A_563, %add3A_556 : vector<16xf32>
      %mul3A_565 = arith.constant 16 : i32
      %mul3A_566 = arith.muli %scan3A_549, %mul3A_565 : i32
      %swap3A = arith.constant 13 : i32
      %swap3A_567 = arith.index_cast %swap3A : i32 to index
      %swap3A_568 = arith.index_cast %mul3A_566 : i32 to index
      %swap3A_569 = tpu.vector_load %arg10[%swap3A_567, %swap3A_568] {strides = array<i32>} : memref<16x2048xf32, #tpu.memory_space<vmem>>, vector<1x16xf32>,
      %swap3A_570 = vector.shape_cast %swap3A_569 : vector<1x16xf32> to vector<16xf32>
      %swap3A_571 = vector.shape_cast %mul3A_564 : vector<16xf32> to vector<1x16xf32>
      tpu.vector_store %arg10[%swap3A_567, %swap3A_568], %swap3A_571 {strides = array<i32>} : memref<16x2048xf32, #tpu.memory_space<vmem>>, vector<1x16xf32>,
    }
    %scan3A_532 = arith.constant 128 : i32
    %slice3A_533 = vector.extract_strided_slice %mul3A_420 {offsets = [14], sizes = [1], strides = [1]} : vector<16xf32> to vector<1xf32>
    %squeeze3A_534 = vector.extract %slice3A_533[0] : f32 from vector<1xf32>
    %scan3A_535 = arith.constant 0 : i32
    %scan3A_536 = arith.constant 0 : i32
    %scan3A_537 = arith.constant 128 : i32
    %scan3A_538 = arith.addi %scan3A_536, %scan3A_537 : i32
    %scan3A_539 = arith.constant 1 : i32
    scf.for %scan3A_549 = %scan3A_536 to %scan3A_538 step %scan3A_539  : i32 {
      %mul3A_550 = arith.constant 16 : i32
      %mul3A_551 = arith.muli %scan3A_549, %mul3A_550 : i32
      %get3A_552 = arith.index_cast %mul3A_551 : i32 to index
      %get3A_553 = tpu.vector_load %arg8[%get3A_552] {strides = array<i32>} : memref<2048xf32, #tpu.memory_space<vmem>>, vector<16xf32>,
      %get3A_554 = vector.shape_cast %get3A_553 : vector<16xf32> to vector<16xf32>
      %add3A_555 = vector.broadcast %squeeze3A_534 : f32 to vector<16xf32>
      %add3A_556 = arith.addf %get3A_554, %add3A_555 : vector<16xf32>
      %mul3A_557 = arith.constant 16 : i32
      %mul3A_558 = arith.muli %scan3A_549, %mul3A_557 : i32
      %get3A_559 = arith.constant 14 : i32
      %get3A_560 = arith.index_cast %get3A_559 : i32 to index
      %get3A_561 = arith.index_cast %mul3A_558 : i32 to index
      %get3A_562 = tpu.vector_load %arg9[%get3A_560, %get3A_561] {strides = array<i32>} : memref<16x2048xf32, #tpu.memory_space<vmem>>, vector<1x16xf32>,
      %get3A_563 = vector.shape_cast %get3A_562 : vector<1x16xf32> to vector<16xf32>
      %mul3A_564 = arith.mulf %get3A_563, %add3A_556 : vector<16xf32>
      %mul3A_565 = arith.constant 16 : i32
      %mul3A_566 = arith.muli %scan3A_549, %mul3A_565 : i32
      %swap3A = arith.constant 14 : i32
      %swap3A_567 = arith.index_cast %swap3A : i32 to index
      %swap3A_568 = arith.index_cast %mul3A_566 : i32 to index
      %swap3A_569 = tpu.vector_load %arg10[%swap3A_567, %swap3A_568] {strides = array<i32>} : memref<16x2048xf32, #tpu.memory_space<vmem>>, vector<1x16xf32>,
      %swap3A_570 = vector.shape_cast %swap3A_569 : vector<1x16xf32> to vector<16xf32>
      %swap3A_571 = vector.shape_cast %mul3A_564 : vector<16xf32> to vector<1x16xf32>
      tpu.vector_store %arg10[%swap3A_567, %swap3A_568], %swap3A_571 {strides = array<i32>} : memref<16x2048xf32, #tpu.memory_space<vmem>>, vector<1x16xf32>,
    }
    %scan3A_540 = arith.constant 128 : i32
    %slice3A_541 = vector.extract_strided_slice %mul3A_420 {offsets = [15], sizes = [1], strides = [1]} : vector<16xf32> to vector<1xf32>
    %squeeze3A_542 = vector.extract %slice3A_541[0] : f32 from vector<1xf32>
    %scan3A_543 = arith.constant 0 : i32
    %scan3A_544 = arith.constant 0 : i32
    %scan3A_545 = arith.constant 128 : i32
    %scan3A_546 = arith.addi %scan3A_544, %scan3A_545 : i32
    %scan3A_547 = arith.constant 1 : i32
    scf.for %scan3A_549 = %scan3A_544 to %scan3A_546 step %scan3A_547  : i32 {
      %mul3A_550 = arith.constant 16 : i32
      %mul3A_551 = arith.muli %scan3A_549, %mul3A_550 : i32
      %get3A_552 = arith.index_cast %mul3A_551 : i32 to index
      %get3A_553 = tpu.vector_load %arg8[%get3A_552] {strides = array<i32>} : memref<2048xf32, #tpu.memory_space<vmem>>, vector<16xf32>,
      %get3A_554 = vector.shape_cast %get3A_553 : vector<16xf32> to vector<16xf32>
      %add3A_555 = vector.broadcast %squeeze3A_542 : f32 to vector<16xf32>
      %add3A_556 = arith.addf %get3A_554, %add3A_555 : vector<16xf32>
      %mul3A_557 = arith.constant 16 : i32
      %mul3A_558 = arith.muli %scan3A_549, %mul3A_557 : i32
      %get3A_559 = arith.constant 15 : i32
      %get3A_560 = arith.index_cast %get3A_559 : i32 to index
      %get3A_561 = arith.index_cast %mul3A_558 : i32 to index
      %get3A_562 = tpu.vector_load %arg9[%get3A_560, %get3A_561] {strides = array<i32>} : memref<16x2048xf32, #tpu.memory_space<vmem>>, vector<1x16xf32>,
      %get3A_563 = vector.shape_cast %get3A_562 : vector<1x16xf32> to vector<16xf32>
      %mul3A_564 = arith.mulf %get3A_563, %add3A_556 : vector<16xf32>
      %mul3A_565 = arith.constant 16 : i32
      %mul3A_566 = arith.muli %scan3A_549, %mul3A_565 : i32
      %swap3A = arith.constant 15 : i32
      %swap3A_567 = arith.index_cast %swap3A : i32 to index
      %swap3A_568 = arith.index_cast %mul3A_566 : i32 to index
      %swap3A_569 = tpu.vector_load %arg10[%swap3A_567, %swap3A_568] {strides = array<i32>} : memref<16x2048xf32, #tpu.memory_space<vmem>>, vector<1x16xf32>,
      %swap3A_570 = vector.shape_cast %swap3A_569 : vector<1x16xf32> to vector<16xf32>
      %swap3A_571 = vector.shape_cast %mul3A_564 : vector<16xf32> to vector<1x16xf32>
      tpu.vector_store %arg10[%swap3A_567, %swap3A_568], %swap3A_571 {strides = array<i32>} : memref<16x2048xf32, #tpu.memory_space<vmem>>, vector<1x16xf32>,
    }
    %scan3A_548 = arith.constant 128 : i32
    "tpu.region"() ({
      %run_scoped3A = tpu.sem_alloc : memref<!tpu.dma_semaphore, #tpu.memory_space<semaphore_mem>>
      %dma_start3A = arith.constant 0 : i32
      %dma_start3A_549 = tpu.memref_slice %arg5[%add3A_414, %dma_start3A] : memref<2048x2048xf32, #tpu.memory_space<hbm>> -> memref<16x2048xf32, #tpu.memory_space<hbm>>
      %dma_start3A_550 = arith.constant 0 : i32
      %dma_start3A_551 = tpu.memref_slice %arg5[%add3A_414, %dma_start3A_550] : memref<2048x2048xf32, #tpu.memory_space<hbm>> -> memref<16x2048xf32, #tpu.memory_space<hbm>>
      tpu.enqueue_dma source(%arg10 : memref<16x2048xf32, #tpu.memory_space<vmem>>) target(%dma_start3A_551 : memref<16x2048xf32, #tpu.memory_space<hbm>>) target_semaphore(%run_scoped3A : memref<!tpu.dma_semaphore, #tpu.memory_space<semaphore_mem>>)
      %dma_wait3A = arith.constant 0 : i32
      %dma_wait3A_552 = tpu.memref_slice %arg5[%add3A_414, %dma_wait3A] : memref<2048x2048xf32, #tpu.memory_space<hbm>> -> memref<16x2048xf32, #tpu.memory_space<hbm>>
      %dma_wait3A_553 = arith.constant 0 : i32
      %dma_wait3A_554 = tpu.memref_slice %arg5[%add3A_414, %dma_wait3A_553] : memref<2048x2048xf32, #tpu.memory_space<hbm>> -> memref<16x2048xf32, #tpu.memory_space<hbm>>
      tpu.wait_dma2 semaphore(%run_scoped3A : memref<!tpu.dma_semaphore, #tpu.memory_space<semaphore_mem>>) src(%arg10 : memref<16x2048xf32, #tpu.memory_space<vmem>>) dst(%dma_wait3A_554 : memref<16x2048xf32, #tpu.memory_space<hbm>>)
      tpu.yield
    }) : () -> ()
    return
  }
}

module attributes {stable_mosaic.version = 14 : i64} {
  func.func @_prep_kernel(%arg0: memref<2048x128xf32, #tpu.memory_space<vmem>>, %arg1: memref<64x128xf32, #tpu.memory_space<vmem>>, %arg2: memref<1x64xf32, #tpu.memory_space<vmem>>, %arg3: memref<64x1xf32, #tpu.memory_space<vmem>>, %arg4: memref<1x64xf32, #tpu.memory_space<vmem>>, %arg5: memref<2048x64xf32, #tpu.memory_space<vmem>>, %arg6: memref<2048x1xf32, #tpu.memory_space<vmem>>, %arg7: memref<1x2048xf32, #tpu.memory_space<vmem>>) attributes {dimension_semantics = [], scalar_prefetch = 0 : i64, scratch_operands = 0 : i64, tpu.core_type = #tpu.core_type<tc>} {
    %get3A = arith.constant 0 : index
    %get3A_0 = arith.constant 0 : index
    %get3A_1 = vector.load %arg0[%get3A, %get3A_0] : memref<2048x128xf32, #tpu.memory_space<vmem>>, vector<2048x128xf32>
    %get3A_2 = arith.constant 0 : index
    %get3A_3 = arith.constant 0 : index
    %get3A_4 = vector.load %arg1[%get3A_2, %get3A_3] : memref<64x128xf32, #tpu.memory_space<vmem>>, vector<64x128xf32>
    %dot_general3A = arith.constant dense<0.000000e+00> : vector<2048x64xf32>
    %dot_general3A_5 = tpu.matmul %get3A_1, %get3A_4, %dot_general3A {dimension_numbers = #tpu.dot_dimension_numbers<[1], [1], [0], [0], [0, 0, 1, 0], [], []>, transpose_lhs_hint = false} : vector<2048x128xf32>, vector<64x128xf32>, vector<2048x64xf32> -> vector<2048x64xf32>
    %get3A_6 = arith.constant 0 : index
    %get3A_7 = arith.constant 0 : index
    %get3A_8 = vector.load %arg2[%get3A_6, %get3A_7] : memref<1x64xf32, #tpu.memory_space<vmem>>, vector<1x64xf32>
    %add3A = vector.broadcast %get3A_8 : vector<1x64xf32> to vector<2048x64xf32>
    %add3A_9 = arith.addf %dot_general3A_5, %add3A : vector<2048x64xf32>
    %swap3A = arith.constant 0 : index
    %swap3A_10 = arith.constant 0 : index
    %swap3A_11 = vector.load %arg5[%swap3A, %swap3A_10] : memref<2048x64xf32, #tpu.memory_space<vmem>>, vector<2048x64xf32>
    tpu.vector_store %arg5[%swap3A, %swap3A_10], %add3A_9 {strides = array<i32>} : memref<2048x64xf32, #tpu.memory_space<vmem>>, vector<2048x64xf32>,
    %get3A_12 = arith.constant 0 : index
    %get3A_13 = arith.constant 0 : index
    %get3A_14 = vector.load %arg3[%get3A_12, %get3A_13] : memref<64x1xf32, #tpu.memory_space<vmem>>, vector<64x1xf32>
    %dot_general3A_15 = arith.constant dense<0.000000e+00> : vector<2048x1xf32>
    %dot_general3A_16 = tpu.matmul %add3A_9, %get3A_14, %dot_general3A_15 {dimension_numbers = #tpu.dot_dimension_numbers<[1], [0], [0], [1], [0, 0, 1, 1], [], []>, transpose_lhs_hint = false} : vector<2048x64xf32>, vector<64x1xf32>, vector<2048x1xf32> -> vector<2048x1xf32>
    %swap3A_17 = arith.constant 0 : index
    %swap3A_18 = arith.constant 0 : index
    %swap3A_19 = vector.load %arg6[%swap3A_17, %swap3A_18] : memref<2048x1xf32, #tpu.memory_space<vmem>>, vector<2048x1xf32>
    tpu.vector_store %arg6[%swap3A_17, %swap3A_18], %dot_general3A_16 {strides = array<i32>} : memref<2048x1xf32, #tpu.memory_space<vmem>>, vector<2048x1xf32>,
    %get3A_20 = arith.constant 0 : index
    %get3A_21 = arith.constant 0 : index
    %get3A_22 = vector.load %arg4[%get3A_20, %get3A_21] : memref<1x64xf32, #tpu.memory_space<vmem>>, vector<1x64xf32>
    %dot_general3A_23 = arith.constant dense<0.000000e+00> : vector<1x128xf32>
    %dot_general3A_24 = tpu.matmul %get3A_22, %get3A_4, %dot_general3A_23 {dimension_numbers = #tpu.dot_dimension_numbers<[1], [0], [0], [1], [0, 0, 1, 1], [], []>, transpose_lhs_hint = false} : vector<1x64xf32>, vector<64x128xf32>, vector<1x128xf32> -> vector<1x128xf32>
    %get3A_25 = arith.constant 0 : index
    %get3A_26 = arith.constant 0 : index
    %get3A_27 = vector.load %arg4[%get3A_25, %get3A_26] : memref<1x64xf32, #tpu.memory_space<vmem>>, vector<1x64xf32>
    %get3A_28 = arith.constant 0 : index
    %get3A_29 = arith.constant 0 : index
    %get3A_30 = vector.load %arg2[%get3A_28, %get3A_29] : memref<1x64xf32, #tpu.memory_space<vmem>>, vector<1x64xf32>
    %mul3A = arith.mulf %get3A_27, %get3A_30 : vector<1x64xf32>
    %reduce_sum3A = vector.shape_cast %mul3A : vector<1x64xf32> to vector<1x1x64xf32>
    %reduce_sum3A_31 = arith.constant dense<0.000000e+00> : vector<1xf32>
    %reduce_sum3A_32 = vector.multi_reduction <add>, %reduce_sum3A, %reduce_sum3A_31 [1, 2] : vector<1x1x64xf32> to vector<1xf32>
    %reduce_sum3A_33 = vector.shape_cast %reduce_sum3A_32 : vector<1xf32> to vector<1x1x1xf32>
    %reduce_sum3A_34 = vector.extract %reduce_sum3A_33[0, 0, 0] : f32 from vector<1x1x1xf32>
    %dot_general3A_35 = arith.constant dense<0.000000e+00> : vector<1x2048xf32>
    %dot_general3A_36 = tpu.matmul %dot_general3A_24, %get3A_1, %dot_general3A_35 {dimension_numbers = #tpu.dot_dimension_numbers<[1], [1], [0], [0], [0, 0, 1, 0], [], []>, transpose_lhs_hint = false} : vector<1x128xf32>, vector<2048x128xf32>, vector<1x2048xf32> -> vector<1x2048xf32>
    %add3A_37 = vector.broadcast %reduce_sum3A_34 : f32 to vector<1x2048xf32>
    %add3A_38 = arith.addf %dot_general3A_36, %add3A_37 : vector<1x2048xf32>
    %swap3A_39 = arith.constant 0 : index
    %swap3A_40 = arith.constant 0 : index
    %swap3A_41 = vector.load %arg7[%swap3A_39, %swap3A_40] : memref<1x2048xf32, #tpu.memory_space<vmem>>, vector<1x2048xf32>
    tpu.vector_store %arg7[%swap3A_39, %swap3A_40], %add3A_38 {strides = array<i32>} : memref<1x2048xf32, #tpu.memory_space<vmem>>, vector<1x2048xf32>,
    return
  }
}

</mosaic_0001>

<sc_bundles>
// kernel: kernel.4.cloned.1.call-start
scs
__scs_entry_jumppad:
0x0: {  	(pc) =	sbr.rel $0x88, $3  }
0x1: {  	(tag) =	ssettag $0x0;
	lr =	simm.s32 $0x1  }
0x2: {  	[smem:$0x3F9C] =	sst lr;
	_ =	strace $0xD0000000  }
0x3: {  	_ = 	snop  }
0x4: {  	_ = 	snop  }
0x5: {  	_ = 	snop  }
0x6: {  	_ = 	snop  }
0x7: {  	_ = 	snop  }
__scs_overlays_trampoline_lowered:
0x8: {  	[smem:$0x3FAB] =	sst s0  }
0x9: {  	[smem:$0x3FAC] =	sst s1  }
0xa: {  	[smem:$0x3FAD] =	sst s2  }
0xb: {  	[smem:$0x3FAE] =	sst s3  }
0xc: {  	[smem:$0x3FAF] =	sst s4  }
0xd: {  	[smem:$0x3FB0] =	sst s5  }
0xe: {  	[smem:$0x3FB1] =	sst s6  }
0xf: {  	[smem:$0x3FB2] =	sst s7  }
0x10: {  	[smem:$0x3FB3] =	sst s8  }
0x11: {  	[smem:$0x3FB4] =	sst s9;
	s0 =	simm.s32 @!p0 $0x0  }
0x12: {  	s1 =	sld [smem:$0x3F9A];
	s0 =	simm.s32 @p0 $0x1  }
0x13: {  	[smem:$0x3FB5] =	sst s0;
	s0 =	simm.s32 @!p1 $0x0  }
0x14: {  	s2 =	sld [smem:$0x3F99];
	s0 =	simm.s32 @p1 $0x1  }
0x15: {  	[smem:$0x3FB6] =	sst s0;
	s0 =	simm.s32 @!p2 $0x0  }
0x16: {  	s3 =	sld [smem:$0x3FDB];
	s0 =	simm.s32 @p2 $0x1  }
0x17: {  	s4 =	simm.s32 $0x1BF5;
	[smem:$0x3FB8] =	sst s0  }
0x18: {  	s0 =	sld [smem:$0x3F9B];
	_ =	swait.ge [sflag:s4], $0x0  }
0x19: {  	s7 =	sld [smem:$0x3F9C]  }
0x1a: {  	s8 =	sadd.s32 $0xFFFFE003, lr  }
0x1b: {  	s9 =	sadd.s32 $0xFFFFFEF7, lr;
	s5 =	simm.s32 $0xFFFFFFFF;
	p2 =	slt.u32 s8, $0xFFFFF086  }
0x1c: {  	p1 =	slt.u32 s9, $0xF7A;
	s5 =	simm.s32 @!p2 $0x0  }
0x1d: {  	s5 =	simm.s32 @p1 $0x1;
	p0 =	seq.s32 s7, s2  }
0x1e: {  	s7 =	smul.u32 @!p0 $0xF7A, s2;
	p2 =	seq.s32 @!p0 s5, $0x0  }
0x1f: {  	s9 =	smul.u32 $0xF7A, s1;
	s8 =	simm.s32 @!p0 $0x1BF5;
	p2 =	por !p2, p0  }
0x20: {  	[sflag:s8] =	ssyncset.s32 @!p0 $0xFFFFF086;
	s6 =	sadd.s32 @!p0 s3, s7;
	s7 =	simm.s32 @!p0 $0x108  }
0x21: {  	s3 =	sadd.s32 s3, s9;
	s6 =	sadd.s32 @!p0 $0x88, s6;
	s7 =	simm.s32 @p2 $0x1082  }
0x22: {  	[simem:s7], [sflag:s8] =	dma.local @!p0 [hbm:s6], $0xF7A  }
0x23: {  	s9 =	sor.u32 $0xD0000000, s2;
	s6 =	simm.s32 $0x108;
	_ =	swait.ge @!p0 [sflag:s8], $0x0  }
0x24: {  	s3 =	sadd.s32 $0x88, s3;
	s6 =	simm.s32 @!p1 $0x1082;
	[sflag:s4] =	ssyncset.s32 $0xFFFFF086  }
0x25: {  	[simem:s6], [sflag:s4] =	dma.local [hbm:s3], $0xF7A  }
0x26: {  	[smem:$0x3F9C] =	sst s1;
	(tag) =	ssettag s2;
	_ =	strace s9  }
0x27: {  	s1 =	sld [smem:$0x3FAC]  }
0x28: {  	s2 =	sld [smem:$0x3FAD]  }
0x29: {  	s4 =	sld [smem:$0x3FAF]  }
0x2a: {  	p0 =	seq.s32 s5, $0x0;
	s5 =	sld [smem:$0x3FB0]  }
0x2b: {  	s6 =	sld [smem:$0x3FB1]  }
0x2c: {  	s7 =	sld [smem:$0x3FB2]  }
0x2d: {  	s3 =	simm.s32 $0x108;
	s8 =	sld [smem:$0x3FB3]  }
0x2e: {  	s3 =	simm.s32 @!p0 $0x1082;
	s9 =	sld [smem:$0x3FB4]  }
0x2f: {  	lr =	sadd.s32 s0, s3;
	s0 =	sld [smem:$0x3FAB]  }
0x30: {  	s3 =	sld [smem:$0x3FAE]  }
0x31: {  	[smem:$0x3FB7] =	sst s10  }
0x32: {  	s10 =	sld [smem:$0x3FB5];
	_ =	sdelay $0x3  }
0x33: {  	p0 =	seq.s32 s10, $0x1;
	s10 =	sld [smem:$0x3FB7];
	_ =	sdelay $0x3  }
0x34: {  	[smem:$0x3FB7] =	sst s10  }
0x35: {  	s10 =	sld [smem:$0x3FB6];
	_ =	sdelay $0x3  }
0x36: {  	p1 =	seq.s32 s10, $0x1;
	s10 =	sld [smem:$0x3FB7];
	_ =	sdelay $0x3  }
0x37: {  	[smem:$0x3FB7] =	sst s10  }
0x38: {  	s10 =	sld [smem:$0x3FB8]  }
0x39: {  	_ = 	snop;
	(pc) =	sbr.ind lr, $3  }
0x3a: {  	_ = 	snop  }
0x3b: {  	_ = 	snop  }
0x3c: {  	p2 =	seq.s32 s10, $0x1;
	s10 =	sld [smem:$0x3FB7]  }
0x3d: {  	_ =	shalt  }
0x3e: {  	_ =	shalt  }
0x3f: {  	_ =	shalt  }
0x40: {  	_ =	shalt  }
0x41: {  	_ =	shalt  }
0x42: {  	_ =	shalt  }
0x43: {  	_ =	shalt  }
0x44: {  	_ =	shalt  }
0x45: {  	_ =	shalt  }
0x46: {  	_ =	shalt  }
0x47: {  	_ =	shalt  }
0x48: {  	_ =	shalt  }
0x49: {  	_ =	shalt  }
0x4a: {  	_ =	shalt  }
0x4b: {  	_ =	shalt  }
0x4c: {  	_ =	shalt  }
0x4d: {  	_ =	shalt  }
0x4e: {  	_ =	shalt  }
0x4f: {  	_ =	shalt  }
0x50: {  	_ =	shalt  }
0x51: {  	_ =	shalt  }
0x52: {  	_ =	shalt  }
0x53: {  	_ =	shalt  }
0x54: {  	_ =	shalt  }
0x55: {  	_ =	shalt  }
0x56: {  	_ =	shalt  }
0x57: {  	_ =	shalt  }
0x58: {  	_ =	shalt  }
0x59: {  	_ =	shalt  }
0x5a: {  	_ =	shalt  }
0x5b: {  	_ =	shalt  }
0x5c: {  	_ =	shalt  }
0x5d: {  	_ =	shalt  }
0x5e: {  	_ =	shalt  }
0x5f: {  	_ =	shalt  }
0x60: {  	_ =	shalt  }
0x61: {  	_ =	shalt  }
0x62: {  	_ =	shalt  }
0x63: {  	_ =	shalt  }
0x64: {  	_ =	shalt  }
0x65: {  	_ =	shalt  }
0x66: {  	_ =	shalt  }
0x67: {  	_ =	shalt  }
0x68: {  	_ =	shalt  }
0x69: {  	_ =	shalt  }
0x6a: {  	_ =	shalt  }
0x6b: {  	_ =	shalt  }
0x6c: {  	_ =	shalt  }
0x6d: {  	_ =	shalt  }
0x6e: {  	_ =	shalt  }
0x6f: {  	_ =	shalt  }
0x70: {  	_ =	shalt  }
0x71: {  	_ =	shalt  }
0x72: {  	_ =	shalt  }
0x73: {  	_ =	shalt  }
0x74: {  	_ =	shalt  }
0x75: {  	_ =	shalt  }
0x76: {  	_ =	shalt  }
0x77: {  	_ =	shalt  }
0x78: {  	_ =	shalt  }
0x79: {  	_ =	shalt  }
0x7a: {  	_ =	shalt  }
0x7b: {  	_ =	shalt  }
0x7c: {  	_ =	shalt  }
0x7d: {  	_ =	shalt  }
0x7e: {  	_ =	shalt  }
0x7f: {  	_ =	shalt  }
0x80: {  	_ =	shalt  }
0x81: {  	_ =	shalt  }
0x82: {  	_ =	shalt  }
0x83: {  	_ =	shalt  }
0x84: {  	_ =	shalt  }
0x85: {  	_ =	shalt  }
0x86: {  	_ =	shalt  }
0x87: {  	_ =	shalt  }
.Lfunc_end0:
.L_simem_size_0:
called_computation_lowered:
.L_overlay_start_0:
0x88: {  	s2 =	sld [smem:$0x3FD9]  }
0x89: {  	s3 =	sld [smem:$0x3FFE];
	_ =	sdelay $0x1  }
0x8a: {  	s1 =	srdreg.scid  }
0x8b: {  	s0 =	sand.u32 $0x1, s1  }
0x8c: {  	s14 =	sshll.u32 s0, $0xA;
	s2 =	sadd.s32 s3, s2  }
0x8d: {  	s2 =	sadd.s32 s2, s14  }
0x8e: {  	[smem:$0x3FC3] =	sst s2  }
0x8f: {  	_ = 	snop  }
0x90: {  	s2 =	sld [smem:$0x3FD0];
	_ =	sdelay $0x2  }
0x91: {  	s4 =	simm.s32 $0xA;
	s5 =	simm.s32 $0x10;
	s15 =	sld [smem:$0x3FC9]  }
0x92: {  	[smem:s5], [sflag:s4] =	dma.local [hbm:s2], $0x1  }
0x93: {  	_ =	swait.eq [sflag:s4], $0x1  }
0x94: {  	[sflag:s4] =	ssyncset.done $0x0  }
0x95: {  	[sflag:s4] =	ssyncadd.s32 $0xFFFFFFFF  }
0x96: {  	s16 =	sld [smem:$0x10];
	(tm) =	ssettm $0x1  }
0x97: {  	s17 =	sld [smem:$0x3FFB];
	_ =	sdelay $0x3  }
0x98: {  	_ =	strace s17  }
0x99: {  	s4 =	sld [smem:$0x3FFC];
	_ =	sdelay $0x3  }
0x9a: {  	_ =	strace s4  }
0x9b: {  	s4 =	sld [smem:$0x3FFD];
	_ =	sdelay $0x3  }
0x9c: {  	_ =	strace s4  }
0x9d: {  	_ =	strace $0x8FFFFFFF  }
0x9e: {  	s18 =	sld [smem:$0x3FDB];
	_ =	sdelay $0x1  }
0x9f: {  	s19 =	simm.s32 $_scs_section_size  }
0xa0: {  	s6 =	simm.s32 $_size__tile_overlayer_lowered;
	s7 =	simm.s32 $_tile_overlayer_lowered  }
0xa1: {  	s22 =	simm.s32 $0x1BFF;
	s21 =	sshll.u32 s7, $0x1;
	s4 =	sadd.s32 s19, s18  }
0xa2: {  	s8 =	simm.s32 $0x0;
	s20 =	sshll.u32 s6, $0x1;
	s6 =	sadd.s32 s21, s4  }
0xa3: {  	[timem:s8], [sflag:s22] =	dma.local [hbm:s6], s20  }
0xa4: {  	_ =	swait.ge [sflag:s22], s20  }
0xa5: {  	s5 =	ssub.s32 $0x0, s20;
	[sflag:s22] =	ssyncset.done $0x0  }
0xa6: {  	[sflag:s22] =	ssyncadd.s32 s5;
	_ =	sdelay $0x1  }
0xa7: {  	s23 =	simm.s32 $0x1B8B  }
0xa8: {  	_ =	swait.ge [sflag:s23], $0x1  }
0xa9: {  	[sflag:s23] =	ssyncset.done $0x0  }
0xaa: {  	s25 =	simm.s32 $0x1B8E;
	s24 =	sld [smem:$0x3FFE];
	[sflag:s23] =	ssyncadd.s32 $0xFFFFFFFF  }
0xab: {  	s26 =	simm.s32 $execute0_lowered;
	[smem:$0x3FD2] =	sst s25  }
0xac: {  	s6 =	sshll.u32 s26, $0x1;
	_ =	strace $0x80000046;
	[dreg:$0x1] =	wrdreg $0xFFFFFFFF  }
0xad: {  	s28 =	simm.s32 $_size_execute0_lowered;
	s4 =	sadd.s32 s4, s6;
	[dreg:$0x0] =	wrdreg $0x0  }
0xae: {  	s6 =	sshll.u32 s28, $0x1;
	[dreg:$0x2] =	wrdreg s4  }
0xaf: {  	[dreg:$0x3] =	wrdreg s6  }
0xb0: {  	[dreg:$0x4] =	wrdreg $0xC0  }
0xb1: {  	_ =	task [dreg:s8], $0x5FFFF  }
0xb2: {  	[dreg:$0x1] =	wrdreg $0xFFFFFFFF  }
0xb3: {  	[dreg:$0x0] =	wrdreg $0x60  }
0xb4: {  	[dreg:$0x2] =	wrdreg s15  }
0xb5: {  	[dreg:$0x3] =	wrdreg s24  }
0xb6: {  	[dreg:$0x4] =	wrdreg s16  }
0xb7: {  	[dreg:$0x5] =	wrdreg $0x9  }
0xb8: {  	_ =	task.clear_ibuf [dreg:s8], $0x6FFFF;
	_ =	strace $0x90000046  }
0xb9: {  	s29 =	simm.s32 $0x9;
	_ =	strace $0x80000048  }
0xba: {  	_ =	swait.ge [sflag:s29], $0x1  }
0xbb: {  	[sflag:s29] =	ssyncadd.s32 $0xFFFFFFFF  }
0xbc: {  	_ =	strace $0x90000048  }
0xbd: {  	_ =	sfence  }
0xbe: {  	s30 =	sld [smem:$0x0];
	_ =	sdelay $0x2  }
0xbf: {  	s31 =	sshll.u32 s1, $0xD;
	s1 =	sshrl.u32 s1, $0x2  }
0xc0: {  	s3 =	sand.u32 $0x4000, s31;
	s1 =	sadd.s32 s1, s30  }
0xc1: {  	s0 =	sor.u32 s3, s0;
	s1 =	sshll.u32 s1, $0x11  }
0xc2: {  	s0 =	sor.u32 s1, s0  }
0xc3: {  	s0 =	sadd.s32 $0x8F2B, s0  }
0xc4: {  	[sflag:s0] =	ssyncadd.remote.s32 $0x1  }
0xc5: {  	_ =	sfence.sel $0xFFFF  }
0xc6: {  	[dreg:$0x0] =	wrdreg $0xFFFFFFFF;
	(pc) =	sbr.abs _section_cstart, $3  }
0xc7: {  	[dreg:$0x1] =	wrdreg $0xFFFFFFFF  }
0xc8: {  	_ =	task.clear_ibuf [dreg:s8], $0x2FFFF;
	_ =	strace $0x9FFFFFFF  }
0xc9: {  	(tm) =	ssettm $0x7FFFFFFF  }
tec
execute0_lowered:
.L_overlay_start_1:
0x0: {  	(tag) =	ssettag $0x1  }
0x1: {  	s11 =	rddreg [dreg:$0x0]  }
0x2: {  	s1 =	srdreg.scid;
	s3 =	rddreg [dreg:$0x1]  }
0x3: {  	s0 =	stileid.u32;
	s12 =	rddreg [dreg:$0x2]  }
0x4: {  	s2 =	simm.s32 $0x0;
	s16 =	simm.s32 $0x1080;
	s17 =	simm.s32 $0x9080  }
0x5: {  	s18 =	simm.s32 $0x0;
	s4 =	sand.u32 $0x1, s1;
	s5 =	sshll.u32 s0, $0x7  }
0x6: {  	s1 =	rddreg [dreg:$0x3];
	s6 =	sshll.u32 s4, $0x6;
	s4 =	ssub.s32 $0x2, s4  }
0x7: {  	[smem:$0x7FF] =	sst s2;
	s5 =	sor.u32 s6, s5;
	s7 =	sshrl.u32 s4, $0x1  }
0x8: {  	_ =	strace $0x80000047;
	s6 =	sshrl.u32 s5, $0x3;
	s13 =	ssub.s32 s4, s7  }
0x9: {  	s10 =	sshll.u32 s5, $0x8;
	s6 =	sadd.s32 s6, s3;
	s3 =	sadd.s32 $0xC00, s3  }
0xa: {  	s5 =	sadd.s32 s11, s10;
	s8 =	sor.u32 $0x1000, s10;
	s14 =	sor.u32 $0x2000, s10  }
0xb: {  	s15 =	sor.u32 $0x3000, s10;
	s13 =	smax.u32 s13, $0x1;
	s4 =	sadd.s32 $0xE00, s6  }
0xc: {  	s6 =	sadd.s32 s12, s10;
	s7 =	sadd.s32 s11, s8;
	s8 =	sadd.s32 s12, s8  }
0xd: {  	s9 =	sadd.s32 s11, s14;
	s10 =	sadd.s32 s12, s14;
	s11 =	sadd.s32 s11, s15  }
0xe: {  	s12 =	sadd.s32 s12, s15;
	s14 =	simm.s32 $0x1;
	s15 =	simm.s32 $0x80  }
.LBB2_1:
0xf: {  	[tilespmem:s2], [sflag:$0x1] =	stream.linear.gather [hbm4b:s4+s2], $0x40, $0x38;
	[tilespmem:$0x11080] =	vst v63  }
0x10: {  	_ =	swait.ge [sflag:s14], $0x40  }
0x11: {  	[sflag:s14] =	ssyncset.done $0x0  }
0x12: {  	[sflag:s14] =	ssyncadd.s32 $0xFFFFFFC0  }
0x13: {  	[tilespmem:s15], [sflag:$0x1] =	stream.linear.gather [hbm4b:s3+s2], $0x800, $0x38;
	[tilespmem:$0x11080] =	vst v63  }
0x14: {  	_ =	swait.ge [sflag:s14], $0x800  }
0x15: {  	[sflag:s14] =	ssyncset.done $0x0  }
0x16: {  	s19 =	simm.s32 $0x0;
	[sflag:s14] =	ssyncadd.s32 $0xFFFFF800  }
0x17: {  	v0 =	vld [tilespmem:s19+$0x80]  }
0x18: {  	s20 =	simm.s32 $0x40  }
.LBB2_2:
0x19: {  	p0 =	sne.s32 s20, $0x1FC0  }
.Ltmp0:
0x1a: {  	_ = 	snop;
	(pc) =	sbr.rel @p0 .LBB2_2-.Ltmp0, $4  }
0x1b: {  	_ = 	snop  }
0x1c: {  	s21 =	sshra.s32 s20, $0x2;
	s20 =	sadd.s32 $0x40, s20;
	v1 =	vadd.f32 v0, v0  }
0x1d: {  	v0 =	vld [tilespmem:s21+$0x80]  }
0x1e: {  	[tilespmem:s19+$0x880] =	vst v1;
	s19 =	smov.u32 s21  }
0x1f: {  	_ =	sdelay $0x2  }
0x20: {  	v0 =	vadd.f32 v0, v0;
	_ =	sdelay $0x1  }
0x21: {  	[tilespmem:s19+$0x880] =	vst v0;
	s19 =	simm.s32 $0x0  }
0x22: {  	[tilespmem:s16], [sflag:$0x1] =	stream.linear.gather [hbm4b:s5+s19], $0x8000, $0x38;
	[tilespmem:$0x11080] =	vst v63  }
0x23: {  	_ =	swait.ge [sflag:s14], $0x8000  }
0x24: {  	[sflag:s14] =	ssyncset.done $0x0  }
0x25: {  	[sflag:s14] =	ssyncadd.s32 $0xFFFF8000  }
0x26: {  	v0 =	vld [tilespmem:$0x0];
	_ =	sdelay $0x4  }
0x27: {  	v0 =	vadd.f32 v0, v0  }
0x28: {  	s20 =	simm.s32 $0x880  }
0x29: {  	s21 =	simm.s32 $0x10;
	s22 =	sand.u32 $0x70, s19;
	s23 =	sand.u32 $0x3C00, s19;
	v2 =	vld [tilespmem:s20+$0x0];
	v1 =	vbroadcast v0, $0x0  }
.LBB2_4:
0x2a: {  	p0 =	seq.s32 s21, $0x7F0;
	s22 =	sor.u32 s22, s23  }
0x2b: {  	v3 =	vld [tilespmem:s22+$0x1080];
	_ =	sdelay $0x2  }
0x2c: {  	v2 =	vadd.f32 v2, v1  }
.Ltmp1:
0x2d: {  	(pc) =	sbr.rel @!p0 .LBB2_4-.Ltmp1, $3  }
0x2e: {  	v2 =	vmul.f32 v2, v3;
	_ =	sdelay $0x1  }
0x2f: {  	s19 =	sadd.s32 $0x80, s19;
	s20 =	sadd.s32 $0x10, s20;
	[tilespmem:s22+$0x9080] =	vst v2  }
0x30: {  	s23 =	sand.u32 $0x3C00, s19;
	s22 =	sand.u32 $0x70, s21;
	s21 =	sadd.s32 $0x10, s21;
	v2 =	vld [tilespmem:s20+$0x0]  }
0x31: {  	s19 =	sor.u32 s22, s23  }
0x32: {  	v3 =	vld [tilespmem:s19+$0x1080];
	_ =	sdelay $0x2  }
0x33: {  	v1 =	vadd.f32 v2, v1;
	_ =	sdelay $0x1  }
0x34: {  	v1 =	vmul.f32 v1, v3;
	_ =	sdelay $0x1  }
0x35: {  	s20 =	simm.s32 $0x880;
	[tilespmem:s19+$0x9080] =	vst v1;
	s19 =	simm.s32 $0x0  }
0x36: {  	s21 =	simm.s32 $0x10;
	v1 =	vbroadcast v0, $0x1;
	s22 =	sand.u32 $0x70, s19;
	v2 =	vld [tilespmem:s20+$0x0];
	s23 =	sand.u32 $0x3C00, s19  }
.LBB2_6:
0x37: {  	p0 =	seq.s32 s21, $0x7F0;
	s22 =	sor.u32 s23, s22  }
0x38: {  	v3 =	vld [tilespmem:s22+$0x1100];
	_ =	sdelay $0x2  }
0x39: {  	v2 =	vadd.f32 v2, v1  }
.Ltmp2:
0x3a: {  	(pc) =	sbr.rel @!p0 .LBB2_6-.Ltmp2, $3  }
0x3b: {  	v2 =	vmul.f32 v2, v3;
	_ =	sdelay $0x1  }
0x3c: {  	s19 =	sadd.s32 $0x80, s19;
	s20 =	sadd.s32 $0x10, s20;
	[tilespmem:s22+$0x9100] =	vst v2  }
0x3d: {  	s23 =	sand.u32 $0x3C00, s19;
	s22 =	sand.u32 $0x70, s21;
	s21 =	sadd.s32 $0x10, s21;
	v2 =	vld [tilespmem:s20+$0x0]  }
0x3e: {  	s19 =	sor.u32 s23, s22  }
0x3f: {  	v3 =	vld [tilespmem:s19+$0x1100];
	_ =	sdelay $0x2  }
0x40: {  	v1 =	vadd.f32 v2, v1;
	_ =	sdelay $0x1  }
0x41: {  	v1 =	vmul.f32 v1, v3;
	_ =	sdelay $0x1  }
0x42: {  	s20 =	simm.s32 $0x880;
	[tilespmem:s19+$0x9100] =	vst v1;
	s19 =	simm.s32 $0x0  }
0x43: {  	s21 =	simm.s32 $0x10;
	v1 =	vbroadcast v0, $0x2;
	s22 =	sand.u32 $0x70, s19;
	v2 =	vld [tilespmem:s20+$0x0];
	s23 =	sand.u32 $0x3C00, s19  }
.LBB2_8:
0x44: {  	p0 =	seq.s32 s21, $0x7F0;
	s22 =	sor.u32 s23, s22  }
0x45: {  	v3 =	vld [tilespmem:s22+$0x1180];
	_ =	sdelay $0x2  }
0x46: {  	v2 =	vadd.f32 v2, v1  }
.Ltmp3:
0x47: {  	(pc) =	sbr.rel @!p0 .LBB2_8-.Ltmp3, $3  }
0x48: {  	v2 =	vmul.f32 v2, v3;
	_ =	sdelay $0x1  }
0x49: {  	s19 =	sadd.s32 $0x80, s19;
	s20 =	sadd.s32 $0x10, s20;
	[tilespmem:s22+$0x9180] =	vst v2  }
0x4a: {  	s23 =	sand.u32 $0x3C00, s19;
	s22 =	sand.u32 $0x70, s21;
	s21 =	sadd.s32 $0x10, s21;
	v2 =	vld [tilespmem:s20+$0x0]  }
0x4b: {  	s19 =	sor.u32 s23, s22  }
0x4c: {  	v3 =	vld [tilespmem:s19+$0x1180];
	_ =	sdelay $0x2  }
0x4d: {  	v1 =	vadd.f32 v2, v1;
	_ =	sdelay $0x1  }
0x4e: {  	v1 =	vmul.f32 v1, v3;
	_ =	sdelay $0x1  }
0x4f: {  	s20 =	simm.s32 $0x880;
	[tilespmem:s19+$0x9180] =	vst v1;
	s19 =	simm.s32 $0x0  }
0x50: {  	s21 =	simm.s32 $0x10;
	v1 =	vbroadcast v0, $0x3;
	s22 =	sand.u32 $0x70, s19;
	v2 =	vld [tilespmem:s20+$0x0];
	s23 =	sand.u32 $0x3C00, s19  }
.LBB2_10:
0x51: {  	p0 =	seq.s32 s21, $0x7F0;
	s22 =	sor.u32 s23, s22  }
0x52: {  	v3 =	vld [tilespmem:s22+$0x1200];
	_ =	sdelay $0x2  }
0x53: {  	v2 =	vadd.f32 v2, v1  }
.Ltmp4:
0x54: {  	(pc) =	sbr.rel @!p0 .LBB2_10-.Ltmp4, $3  }
0x55: {  	v2 =	vmul.f32 v2, v3;
	_ =	sdelay $0x1  }
0x56: {  	s19 =	sadd.s32 $0x80, s19;
	s20 =	sadd.s32 $0x10, s20;
	[tilespmem:s22+$0x9200] =	vst v2  }
0x57: {  	s23 =	sand.u32 $0x3C00, s19;
	s22 =	sand.u32 $0x70, s21;
	s21 =	sadd.s32 $0x10, s21;
	v2 =	vld [tilespmem:s20+$0x0]  }
0x58: {  	s19 =	sor.u32 s23, s22  }
0x59: {  	v3 =	vld [tilespmem:s19+$0x1200];
	_ =	sdelay $0x2  }
0x5a: {  	v1 =	vadd.f32 v2, v1;
	_ =	sdelay $0x1  }
0x5b: {  	v1 =	vmul.f32 v1, v3;
	_ =	sdelay $0x1  }
0x5c: {  	s20 =	simm.s32 $0x880;
	[tilespmem:s19+$0x9200] =	vst v1;
	s19 =	simm.s32 $0x0  }
0x5d: {  	s21 =	simm.s32 $0x10;
	v1 =	vbroadcast v0, $0x4;
	s22 =	sand.u32 $0x70, s19;
	v2 =	vld [tilespmem:s20+$0x0];
	s23 =	sand.u32 $0x3C00, s19  }
.LBB2_12:
0x5e: {  	p0 =	seq.s32 s21, $0x7F0;
	s22 =	sor.u32 s23, s22  }
0x5f: {  	v3 =	vld [tilespmem:s22+$0x1280];
	_ =	sdelay $0x2  }
0x60: {  	v2 =	vadd.f32 v2, v1  }
.Ltmp5:
0x61: {  	(pc) =	sbr.rel @!p0 .LBB2_12-.Ltmp5, $3  }
0x62: {  	v2 =	vmul.f32 v2, v3;
	_ =	sdelay $0x1  }
0x63: {  	s19 =	sadd.s32 $0x80, s19;
	s20 =	sadd.s32 $0x10, s20;
	[tilespmem:s22+$0x9280] =	vst v2  }
0x64: {  	s23 =	sand.u32 $0x3C00, s19;
	s22 =	sand.u32 $0x70, s21;
	s21 =	sadd.s32 $0x10, s21;
	v2 =	vld [tilespmem:s20+$0x0]  }
0x65: {  	s19 =	sor.u32 s23, s22  }
0x66: {  	v3 =	vld [tilespmem:s19+$0x1280];
	_ =	sdelay $0x2  }
0x67: {  	v1 =	vadd.f32 v2, v1;
	_ =	sdelay $0x1  }
0x68: {  	v1 =	vmul.f32 v1, v3;
	_ =	sdelay $0x1  }
0x69: {  	s20 =	simm.s32 $0x880;
	[tilespmem:s19+$0x9280] =	vst v1;
	s19 =	simm.s32 $0x0  }
0x6a: {  	s21 =	simm.s32 $0x10;
	v1 =	vbroadcast v0, $0x5;
	s22 =	sand.u32 $0x70, s19;
	v2 =	vld [tilespmem:s20+$0x0];
	s23 =	sand.u32 $0x3C00, s19  }
.LBB2_14:
0x6b: {  	p0 =	seq.s32 s21, $0x7F0;
	s22 =	sor.u32 s23, s22  }
0x6c: {  	v3 =	vld [tilespmem:s22+$0x1300];
	_ =	sdelay $0x2  }
0x6d: {  	v2 =	vadd.f32 v2, v1  }
.Ltmp6:
0x6e: {  	(pc) =	sbr.rel @!p0 .LBB2_14-.Ltmp6, $3  }
0x6f: {  	v2 =	vmul.f32 v2, v3;
	_ =	sdelay $0x1  }
0x70: {  	s19 =	sadd.s32 $0x80, s19;
	s20 =	sadd.s32 $0x10, s20;
	[tilespmem:s22+$0x9300] =	vst v2  }
0x71: {  	s23 =	sand.u32 $0x3C00, s19;
	s22 =	sand.u32 $0x70, s21;
	s21 =	sadd.s32 $0x10, s21;
	v2 =	vld [tilespmem:s20+$0x0]  }
0x72: {  	s19 =	sor.u32 s23, s22  }
0x73: {  	v3 =	vld [tilespmem:s19+$0x1300];
	_ =	sdelay $0x2  }
0x74: {  	v1 =	vadd.f32 v2, v1;
	_ =	sdelay $0x1  }
0x75: {  	v1 =	vmul.f32 v1, v3;
	_ =	sdelay $0x1  }
0x76: {  	s20 =	simm.s32 $0x880;
	[tilespmem:s19+$0x9300] =	vst v1;
	s19 =	simm.s32 $0x0  }
0x77: {  	s21 =	simm.s32 $0x10;
	v1 =	vbroadcast v0, $0x6;
	s22 =	sand.u32 $0x70, s19;
	v2 =	vld [tilespmem:s20+$0x0];
	s23 =	sand.u32 $0x3C00, s19  }
.LBB2_16:
0x78: {  	p0 =	seq.s32 s21, $0x7F0;
	s22 =	sor.u32 s23, s22  }
0x79: {  	v3 =	vld [tilespmem:s22+$0x1380];
	_ =	sdelay $0x2  }
0x7a: {  	v2 =	vadd.f32 v2, v1  }
.Ltmp7:
0x7b: {  	(pc) =	sbr.rel @!p0 .LBB2_16-.Ltmp7, $3  }
0x7c: {  	v2 =	vmul.f32 v2, v3;
	_ =	sdelay $0x1  }
0x7d: {  	s19 =	sadd.s32 $0x80, s19;
	s20 =	sadd.s32 $0x10, s20;
	[tilespmem:s22+$0x9380] =	vst v2  }
0x7e: {  	s23 =	sand.u32 $0x3C00, s19;
	s22 =	sand.u32 $0x70, s21;
	s21 =	sadd.s32 $0x10, s21;
	v2 =	vld [tilespmem:s20+$0x0]  }
0x7f: {  	s19 =	sor.u32 s23, s22  }
0x80: {  	v3 =	vld [tilespmem:s19+$0x1380];
	_ =	sdelay $0x2  }
0x81: {  	v1 =	vadd.f32 v2, v1;
	_ =	sdelay $0x1  }
0x82: {  	s20 =	simm.s32 $0x0;
	v1 =	vmul.f32 v1, v3  }
0x83: {  	s20 =	sand.u32 $0x7, s20  }
0x84: {  	s20 =	sshll.u32 s20, $0x4;
	[tilespmem:s19+$0x9380] =	vst v1;
	s19 =	simm.s32 $0x880  }
0x85: {  	s20 =	sadd.s32 $0x0, s20;
	v2 =	vld [tilespmem:s19+$0x0]  }
0x86: {  	s22 =	sor.u32 $0x380, s20  }
0x87: {  	v3 =	vld [tilespmem:s22+$0x1080]  }
0x88: {  	v1 =	vbroadcast v0, $0x7;
	_ =	sdelay $0x1  }
0x89: {  	v2 =	vadd.f32 v2, v1;
	_ =	sdelay $0x1  }
0x8a: {  	s21 =	simm.s32 $0x1;
	v2 =	vmul.f32 v2, v3  }
0x8b: {  	s23 =	simm.s32 $0x20;
	s24 =	sand.u32 $0x7, s21;
	s20 =	simm.s32 $0x80  }
.LBB2_18:
0x8c: {  	p0 =	seq.s32 s23, $0x7F0;
	s24 =	sshll.u32 s24, $0x4;
	[tilespmem:s22+$0x9080] =	vst v2;
	s19 =	sadd.s32 $0x10, s19  }
0x8d: {  	s22 =	sadd.s32 s24, s20;
	v2 =	vld [tilespmem:s19+$0x0]  }
0x8e: {  	s22 =	sor.u32 $0x380, s22  }
0x8f: {  	v3 =	vld [tilespmem:s22+$0x1080];
	_ =	sdelay $0x1  }
.Ltmp8:
0x90: {  	(pc) =	sbr.rel @!p0 .LBB2_18-.Ltmp8, $3  }
0x91: {  	v2 =	vadd.f32 v2, v1;
	_ =	sdelay $0x1  }
0x92: {  	s21 =	sadd.s32 $0x1, s21;
	v2 =	vmul.f32 v2, v3  }
0x93: {  	s23 =	sadd.s32 $0x10, s23;
	s24 =	sand.u32 $0x7, s21;
	s20 =	sadd.s32 $0x80, s20  }
0x94: {  	s21 =	sshll.u32 s24, $0x4;
	[tilespmem:s22+$0x9080] =	vst v2;
	s19 =	sadd.s32 $0x10, s19  }
0x95: {  	s20 =	sadd.s32 s21, s20;
	v2 =	vld [tilespmem:s19+$0x0]  }
0x96: {  	s31 =	sor.u32 $0x380, s20  }
0x97: {  	v3 =	vld [tilespmem:s31+$0x1080];
	_ =	sdelay $0x2  }
0x98: {  	v1 =	vadd.f32 v2, v1;
	_ =	sdelay $0x1  }
0x99: {  	v1 =	vmul.f32 v1, v3;
	_ =	sdelay $0x1  }
0x9a: {  	s19 =	simm.s32 $0x0;
	s20 =	simm.s32 $0x880;
	[tilespmem:s31+$0x9080] =	vst v1  }
0x9b: {  	s21 =	simm.s32 $0x10;
	s22 =	sand.u32 $0x70, s19;
	s23 =	sand.u32 $0x3C00, s19;
	v1 =	vbroadcast v0, $0x8;
	v2 =	vld [tilespmem:s20+$0x0]  }
.LBB2_20:
0x9c: {  	p0 =	seq.s32 s21, $0x7F0;
	s22 =	sor.u32 s23, s22  }
0x9d: {  	v3 =	vld [tilespmem:s22+$0x5080];
	_ =	sdelay $0x2  }
0x9e: {  	v2 =	vadd.f32 v2, v1  }
.Ltmp9:
0x9f: {  	(pc) =	sbr.rel @!p0 .LBB2_20-.Ltmp9, $3  }
0xa0: {  	v2 =	vmul.f32 v2, v3;
	_ =	sdelay $0x1  }
0xa1: {  	s19 =	sadd.s32 $0x80, s19;
	s20 =	sadd.s32 $0x10, s20;
	[tilespmem:s22+$0xD080] =	vst v2  }
0xa2: {  	s23 =	sand.u32 $0x3C00, s19;
	s22 =	sand.u32 $0x70, s21;
	s21 =	sadd.s32 $0x10, s21;
	v2 =	vld [tilespmem:s20+$0x0]  }
0xa3: {  	s19 =	sor.u32 s23, s22  }
0xa4: {  	v3 =	vld [tilespmem:s19+$0x5080];
	_ =	sdelay $0x2  }
0xa5: {  	v1 =	vadd.f32 v2, v1;
	_ =	sdelay $0x1  }
0xa6: {  	v1 =	vmul.f32 v1, v3;
	_ =	sdelay $0x1  }
0xa7: {  	s20 =	simm.s32 $0x880;
	[tilespmem:s19+$0xD080] =	vst v1;
	s19 =	simm.s32 $0x0  }
0xa8: {  	s21 =	simm.s32 $0x10;
	v1 =	vbroadcast v0, $0x9;
	s22 =	sand.u32 $0x70, s19;
	v2 =	vld [tilespmem:s20+$0x0];
	s23 =	sand.u32 $0x3C00, s19  }
.LBB2_22:
0xa9: {  	p0 =	seq.s32 s21, $0x7F0;
	s22 =	sor.u32 s23, s22  }
0xaa: {  	v3 =	vld [tilespmem:s22+$0x5100];
	_ =	sdelay $0x2  }
0xab: {  	v2 =	vadd.f32 v2, v1  }
.Ltmp10:
0xac: {  	(pc) =	sbr.rel @!p0 .LBB2_22-.Ltmp10, $3  }
0xad: {  	v2 =	vmul.f32 v2, v3;
	_ =	sdelay $0x1  }
0xae: {  	s19 =	sadd.s32 $0x80, s19;
	s20 =	sadd.s32 $0x10, s20;
	[tilespmem:s22+$0xD100] =	vst v2  }
0xaf: {  	s23 =	sand.u32 $0x3C00, s19;
	s22 =	sand.u32 $0x70, s21;
	s21 =	sadd.s32 $0x10, s21;
	v2 =	vld [tilespmem:s20+$0x0]  }
0xb0: {  	s19 =	sor.u32 s23, s22  }
0xb1: {  	v3 =	vld [tilespmem:s19+$0x5100];
	_ =	sdelay $0x2  }
0xb2: {  	v1 =	vadd.f32 v2, v1;
	_ =	sdelay $0x1  }
0xb3: {  	v1 =	vmul.f32 v1, v3;
	_ =	sdelay $0x1  }
0xb4: {  	s20 =	simm.s32 $0x880;
	[tilespmem:s19+$0xD100] =	vst v1;
	s19 =	simm.s32 $0x0  }
0xb5: {  	s21 =	simm.s32 $0x10;
	v1 =	vbroadcast v0, $0xA;
	s22 =	sand.u32 $0x70, s19;
	v2 =	vld [tilespmem:s20+$0x0];
	s23 =	sand.u32 $0x3C00, s19  }
.LBB2_24:
0xb6: {  	p0 =	seq.s32 s21, $0x7F0;
	s22 =	sor.u32 s23, s22  }
0xb7: {  	v3 =	vld [tilespmem:s22+$0x5180];
	_ =	sdelay $0x2  }
0xb8: {  	v2 =	vadd.f32 v2, v1  }
.Ltmp11:
0xb9: {  	(pc) =	sbr.rel @!p0 .LBB2_24-.Ltmp11, $3  }
0xba: {  	v2 =	vmul.f32 v2, v3;
	_ =	sdelay $0x1  }
0xbb: {  	s19 =	sadd.s32 $0x80, s19;
	s20 =	sadd.s32 $0x10, s20;
	[tilespmem:s22+$0xD180] =	vst v2  }
0xbc: {  	s23 =	sand.u32 $0x3C00, s19;
	s22 =	sand.u32 $0x70, s21;
	s21 =	sadd.s32 $0x10, s21;
	v2 =	vld [tilespmem:s20+$0x0]  }
0xbd: {  	s19 =	sor.u32 s23, s22  }
0xbe: {  	v3 =	vld [tilespmem:s19+$0x5180];
	_ =	sdelay $0x2  }
0xbf: {  	v1 =	vadd.f32 v2, v1;
	_ =	sdelay $0x1  }
0xc0: {  	v1 =	vmul.f32 v1, v3;
	_ =	sdelay $0x1  }
0xc1: {  	s20 =	simm.s32 $0x880;
	[tilespmem:s19+$0xD180] =	vst v1;
	s19 =	simm.s32 $0x0  }
0xc2: {  	s21 =	simm.s32 $0x10;
	v1 =	vbroadcast v0, $0xB;
	s22 =	sand.u32 $0x70, s19;
	v2 =	vld [tilespmem:s20+$0x0];
	s23 =	sand.u32 $0x3C00, s19  }
.LBB2_26:
0xc3: {  	p0 =	seq.s32 s21, $0x7F0;
	s22 =	sor.u32 s23, s22  }
0xc4: {  	v3 =	vld [tilespmem:s22+$0x5200];
	_ =	sdelay $0x2  }
0xc5: {  	v2 =	vadd.f32 v2, v1  }
.Ltmp12:
0xc6: {  	(pc) =	sbr.rel @!p0 .LBB2_26-.Ltmp12, $3  }
0xc7: {  	v2 =	vmul.f32 v2, v3;
	_ =	sdelay $0x1  }
0xc8: {  	s19 =	sadd.s32 $0x80, s19;
	s20 =	sadd.s32 $0x10, s20;
	[tilespmem:s22+$0xD200] =	vst v2  }
0xc9: {  	s23 =	sand.u32 $0x3C00, s19;
	s22 =	sand.u32 $0x70, s21;
	s21 =	sadd.s32 $0x10, s21;
	v2 =	vld [tilespmem:s20+$0x0]  }
0xca: {  	s19 =	sor.u32 s23, s22  }
0xcb: {  	v3 =	vld [tilespmem:s19+$0x5200];
	_ =	sdelay $0x2  }
0xcc: {  	v1 =	vadd.f32 v2, v1;
	_ =	sdelay $0x1  }
0xcd: {  	v1 =	vmul.f32 v1, v3;
	_ =	sdelay $0x1  }
0xce: {  	s20 =	simm.s32 $0x880;
	[tilespmem:s19+$0xD200] =	vst v1;
	s19 =	simm.s32 $0x0  }
0xcf: {  	s21 =	simm.s32 $0x10;
	v1 =	vbroadcast v0, $0xC;
	s22 =	sand.u32 $0x70, s19;
	v2 =	vld [tilespmem:s20+$0x0];
	s23 =	sand.u32 $0x3C00, s19  }
.LBB2_28:
0xd0: {  	p0 =	seq.s32 s21, $0x7F0;
	s22 =	sor.u32 s23, s22  }
0xd1: {  	v3 =	vld [tilespmem:s22+$0x5280];
	_ =	sdelay $0x2  }
0xd2: {  	v2 =	vadd.f32 v2, v1  }
.Ltmp13:
0xd3: {  	(pc) =	sbr.rel @!p0 .LBB2_28-.Ltmp13, $3  }
0xd4: {  	v2 =	vmul.f32 v2, v3;
	_ =	sdelay $0x1  }
0xd5: {  	s19 =	sadd.s32 $0x80, s19;
	s20 =	sadd.s32 $0x10, s20;
	[tilespmem:s22+$0xD280] =	vst v2  }
0xd6: {  	s23 =	sand.u32 $0x3C00, s19;
	s22 =	sand.u32 $0x70, s21;
	s21 =	sadd.s32 $0x10, s21;
	v2 =	vld [tilespmem:s20+$0x0]  }
0xd7: {  	s19 =	sor.u32 s23, s22  }
0xd8: {  	v3 =	vld [tilespmem:s19+$0x5280];
	_ =	sdelay $0x2  }
0xd9: {  	v1 =	vadd.f32 v2, v1;
	_ =	sdelay $0x1  }
0xda: {  	v1 =	vmul.f32 v1, v3;
	_ =	sdelay $0x1  }
0xdb: {  	s20 =	simm.s32 $0x880;
	[tilespmem:s19+$0xD280] =	vst v1;
	s19 =	simm.s32 $0x0  }
0xdc: {  	s21 =	simm.s32 $0x10;
	v1 =	vbroadcast v0, $0xD;
	s22 =	sand.u32 $0x70, s19;
	v2 =	vld [tilespmem:s20+$0x0];
	s23 =	sand.u32 $0x3C00, s19  }
.LBB2_30:
0xdd: {  	p0 =	seq.s32 s21, $0x7F0;
	s22 =	sor.u32 s23, s22  }
0xde: {  	v3 =	vld [tilespmem:s22+$0x5300];
	_ =	sdelay $0x2  }
0xdf: {  	v2 =	vadd.f32 v2, v1  }
.Ltmp14:
0xe0: {  	(pc) =	sbr.rel @!p0 .LBB2_30-.Ltmp14, $3  }
0xe1: {  	v2 =	vmul.f32 v2, v3;
	_ =	sdelay $0x1  }
0xe2: {  	s19 =	sadd.s32 $0x80, s19;
	s20 =	sadd.s32 $0x10, s20;
	[tilespmem:s22+$0xD300] =	vst v2  }
0xe3: {  	s23 =	sand.u32 $0x3C00, s19;
	s22 =	sand.u32 $0x70, s21;
	s21 =	sadd.s32 $0x10, s21;
	v2 =	vld [tilespmem:s20+$0x0]  }
0xe4: {  	s19 =	sor.u32 s23, s22  }
0xe5: {  	v3 =	vld [tilespmem:s19+$0x5300];
	_ =	sdelay $0x2  }
0xe6: {  	v1 =	vadd.f32 v2, v1;
	_ =	sdelay $0x1  }
0xe7: {  	v1 =	vmul.f32 v1, v3;
	_ =	sdelay $0x1  }
0xe8: {  	s20 =	simm.s32 $0x880;
	[tilespmem:s19+$0xD300] =	vst v1;
	s19 =	simm.s32 $0x0  }
0xe9: {  	s21 =	simm.s32 $0x10;
	v1 =	vbroadcast v0, $0xE;
	s22 =	sand.u32 $0x70, s19;
	v2 =	vld [tilespmem:s20+$0x0];
	s23 =	sand.u32 $0x3C00, s19  }
.LBB2_32:
0xea: {  	p0 =	seq.s32 s21, $0x7F0;
	s22 =	sor.u32 s23, s22  }
0xeb: {  	v3 =	vld [tilespmem:s22+$0x5380];
	_ =	sdelay $0x2  }
0xec: {  	v2 =	vadd.f32 v2, v1  }
.Ltmp15:
0xed: {  	(pc) =	sbr.rel @!p0 .LBB2_32-.Ltmp15, $3  }
0xee: {  	v2 =	vmul.f32 v2, v3;
	_ =	sdelay $0x1  }
0xef: {  	s19 =	sadd.s32 $0x80, s19;
	s20 =	sadd.s32 $0x10, s20;
	[tilespmem:s22+$0xD380] =	vst v2  }
0xf0: {  	s23 =	sand.u32 $0x3C00, s19;
	s22 =	sand.u32 $0x70, s21;
	s21 =	sadd.s32 $0x10, s21;
	v2 =	vld [tilespmem:s20+$0x0]  }
0xf1: {  	s19 =	sor.u32 s23, s22  }
0xf2: {  	v3 =	vld [tilespmem:s19+$0x5380];
	_ =	sdelay $0x2  }
0xf3: {  	v1 =	vadd.f32 v2, v1;
	_ =	sdelay $0x1  }
0xf4: {  	s20 =	simm.s32 $0x0;
	v1 =	vmul.f32 v1, v3  }
0xf5: {  	s20 =	sand.u32 $0x7, s20  }
0xf6: {  	s20 =	sshll.u32 s20, $0x4;
	[tilespmem:s19+$0xD380] =	vst v1;
	s19 =	simm.s32 $0x880  }
0xf7: {  	s20 =	sadd.s32 $0x0, s20;
	v1 =	vld [tilespmem:s19+$0x0]  }
0xf8: {  	s22 =	sor.u32 $0x4380, s20  }
0xf9: {  	v2 =	vld [tilespmem:s22+$0x1080]  }
0xfa: {  	v0 =	vbroadcast v0, $0xF;
	_ =	sdelay $0x1  }
0xfb: {  	v1 =	vadd.f32 v1, v0;
	_ =	sdelay $0x1  }
0xfc: {  	s21 =	simm.s32 $0x1;
	v1 =	vmul.f32 v1, v2  }
0xfd: {  	s23 =	simm.s32 $0x20;
	s24 =	sand.u32 $0x7, s21;
	s20 =	simm.s32 $0x80  }
.LBB2_34:
0xfe: {  	p0 =	sne.s32 s23, $0x7F0;
	s24 =	sshll.u32 s24, $0x4;
	[tilespmem:s22+$0x9080] =	vst v1;
	s19 =	sadd.s32 $0x10, s19  }
0xff: {  	s22 =	sadd.s32 s24, s20;
	v1 =	vld [tilespmem:s19+$0x0]  }
0x100: {  	s22 =	sor.u32 $0x4380, s22  }
0x101: {  	v2 =	vld [tilespmem:s22+$0x1080];
	_ =	sdelay $0x1  }
.Ltmp16:
0x102: {  	(pc) =	sbr.rel @p0 .LBB2_34-.Ltmp16, $3  }
0x103: {  	v1 =	vadd.f32 v1, v0;
	_ =	sdelay $0x1  }
0x104: {  	s21 =	sadd.s32 $0x1, s21;
	v1 =	vmul.f32 v1, v2  }
0x105: {  	s23 =	sadd.s32 $0x10, s23;
	s24 =	sand.u32 $0x7, s21;
	s20 =	sadd.s32 $0x80, s20  }
0x106: {  	s21 =	sshll.u32 s24, $0x4;
	[tilespmem:s22+$0x9080] =	vst v1;
	s19 =	sadd.s32 $0x10, s19  }
0x107: {  	s20 =	sadd.s32 s21, s20;
	v1 =	vld [tilespmem:s19+$0x0]  }
0x108: {  	s31 =	sor.u32 $0x4380, s20  }
0x109: {  	v2 =	vld [tilespmem:s31+$0x1080];
	_ =	sdelay $0x2  }
0x10a: {  	v0 =	vadd.f32 v1, v0;
	_ =	sdelay $0x1  }
0x10b: {  	v0 =	vmul.f32 v0, v2;
	_ =	sdelay $0x1  }
0x10c: {  	s19 =	simm.s32 $0x0;
	[tilespmem:s31+$0x9080] =	vst v0  }
0x10d: {  	[hbm4b:s6+s19] =	stream.linear.scatter [tilespmem:s17], [sflag:$0x1], $0x8000, $0x38;
	[tilespmem:$0x11080] =	vst v63  }
0x10e: {  	_ =	swait.ge [sflag:s14], $0x8000  }
0x10f: {  	[sflag:s14] =	ssyncset.done $0x0  }
0x110: {  	[sflag:s14] =	ssyncadd.s32 $0xFFFF8000  }
0x111: {  	[tilespmem:s16], [sflag:$0x1] =	stream.linear.gather [hbm4b:s7+s19], $0x8000, $0x38;
	[tilespmem:$0x11080] =	vst v63  }
0x112: {  	_ =	swait.ge [sflag:s14], $0x8000  }
0x113: {  	[sflag:s14] =	ssyncset.done $0x0  }
0x114: {  	[sflag:s14] =	ssyncadd.s32 $0xFFFF8000  }
0x115: {  	v0 =	vld [tilespmem:$0x10];
	_ =	sdelay $0x4  }
0x116: {  	v0 =	vadd.f32 v0, v0  }
0x117: {  	s20 =	simm.s32 $0x880  }
0x118: {  	s21 =	simm.s32 $0x10;
	s22 =	sand.u32 $0x70, s19;
	s23 =	sand.u32 $0x3C00, s19;
	v2 =	vld [tilespmem:s20+$0x0];
	v1 =	vbroadcast v0, $0x0  }
.LBB2_36:
0x119: {  	p0 =	seq.s32 s21, $0x7F0;
	s22 =	sor.u32 s22, s23  }
0x11a: {  	v3 =	vld [tilespmem:s22+$0x1080];
	_ =	sdelay $0x2  }
0x11b: {  	v2 =	vadd.f32 v2, v1  }
.Ltmp17:
0x11c: {  	(pc) =	sbr.rel @!p0 .LBB2_36-.Ltmp17, $3  }
0x11d: {  	v2 =	vmul.f32 v2, v3;
	_ =	sdelay $0x1  }
0x11e: {  	s19 =	sadd.s32 $0x80, s19;
	s20 =	sadd.s32 $0x10, s20;
	[tilespmem:s22+$0x9080] =	vst v2  }
0x11f: {  	s23 =	sand.u32 $0x3C00, s19;
	s22 =	sand.u32 $0x70, s21;
	s21 =	sadd.s32 $0x10, s21;
	v2 =	vld [tilespmem:s20+$0x0]  }
0x120: {  	s19 =	sor.u32 s22, s23  }
0x121: {  	v3 =	vld [tilespmem:s19+$0x1080];
	_ =	sdelay $0x2  }
0x122: {  	v1 =	vadd.f32 v2, v1;
	_ =	sdelay $0x1  }
0x123: {  	v1 =	vmul.f32 v1, v3;
	_ =	sdelay $0x1  }
0x124: {  	s20 =	simm.s32 $0x880;
	[tilespmem:s19+$0x9080] =	vst v1;
	s19 =	simm.s32 $0x0  }
0x125: {  	s21 =	simm.s32 $0x10;
	v1 =	vbroadcast v0, $0x1;
	s22 =	sand.u32 $0x70, s19;
	v2 =	vld [tilespmem:s20+$0x0];
	s23 =	sand.u32 $0x3C00, s19  }
.LBB2_38:
0x126: {  	p0 =	seq.s32 s21, $0x7F0;
	s22 =	sor.u32 s23, s22  }
0x127: {  	v3 =	vld [tilespmem:s22+$0x1100];
	_ =	sdelay $0x2  }
0x128: {  	v2 =	vadd.f32 v2, v1  }
.Ltmp18:
0x129: {  	(pc) =	sbr.rel @!p0 .LBB2_38-.Ltmp18, $3  }
0x12a: {  	v2 =	vmul.f32 v2, v3;
	_ =	sdelay $0x1  }
0x12b: {  	s19 =	sadd.s32 $0x80, s19;
	s20 =	sadd.s32 $0x10, s20;
	[tilespmem:s22+$0x9100] =	vst v2  }
0x12c: {  	s23 =	sand.u32 $0x3C00, s19;
	s22 =	sand.u32 $0x70, s21;
	s21 =	sadd.s32 $0x10, s21;
	v2 =	vld [tilespmem:s20+$0x0]  }
0x12d: {  	s19 =	sor.u32 s23, s22  }
0x12e: {  	v3 =	vld [tilespmem:s19+$0x1100];
	_ =	sdelay $0x2  }
0x12f: {  	v1 =	vadd.f32 v2, v1;
	_ =	sdelay $0x1  }
0x130: {  	v1 =	vmul.f32 v1, v3;
	_ =	sdelay $0x1  }
0x131: {  	s20 =	simm.s32 $0x880;
	[tilespmem:s19+$0x9100] =	vst v1;
	s19 =	simm.s32 $0x0  }
0x132: {  	s21 =	simm.s32 $0x10;
	v1 =	vbroadcast v0, $0x2;
	s22 =	sand.u32 $0x70, s19;
	v2 =	vld [tilespmem:s20+$0x0];
	s23 =	sand.u32 $0x3C00, s19  }
.LBB2_40:
0x133: {  	p0 =	seq.s32 s21, $0x7F0;
	s22 =	sor.u32 s23, s22  }
0x134: {  	v3 =	vld [tilespmem:s22+$0x1180];
	_ =	sdelay $0x2  }
0x135: {  	v2 =	vadd.f32 v2, v1  }
.Ltmp19:
0x136: {  	(pc) =	sbr.rel @!p0 .LBB2_40-.Ltmp19, $3  }
0x137: {  	v2 =	vmul.f32 v2, v3;
	_ =	sdelay $0x1  }
0x138: {  	s19 =	sadd.s32 $0x80, s19;
	s20 =	sadd.s32 $0x10, s20;
	[tilespmem:s22+$0x9180] =	vst v2  }
0x139: {  	s23 =	sand.u32 $0x3C00, s19;
	s22 =	sand.u32 $0x70, s21;
	s21 =	sadd.s32 $0x10, s21;
	v2 =	vld [tilespmem:s20+$0x0]  }
0x13a: {  	s19 =	sor.u32 s23, s22  }
0x13b: {  	v3 =	vld [tilespmem:s19+$0x1180];
	_ =	sdelay $0x2  }
0x13c: {  	v1 =	vadd.f32 v2, v1;
	_ =	sdelay $0x1  }
0x13d: {  	v1 =	vmul.f32 v1, v3;
	_ =	sdelay $0x1  }
0x13e: {  	s20 =	simm.s32 $0x880;
	[tilespmem:s19+$0x9180] =	vst v1;
	s19 =	simm.s32 $0x0  }
0x13f: {  	s21 =	simm.s32 $0x10;
	v1 =	vbroadcast v0, $0x3;
	s22 =	sand.u32 $0x70, s19;
	v2 =	vld [tilespmem:s20+$0x0];
	s23 =	sand.u32 $0x3C00, s19  }
.LBB2_42:
0x140: {  	p0 =	seq.s32 s21, $0x7F0;
	s22 =	sor.u32 s23, s22  }
0x141: {  	v3 =	vld [tilespmem:s22+$0x1200];
	_ =	sdelay $0x2  }
0x142: {  	v2 =	vadd.f32 v2, v1  }
.Ltmp20:
0x143: {  	(pc) =	sbr.rel @!p0 .LBB2_42-.Ltmp20, $3  }
0x144: {  	v2 =	vmul.f32 v2, v3;
	_ =	sdelay $0x1  }
0x145: {  	s19 =	sadd.s32 $0x80, s19;
	s20 =	sadd.s32 $0x10, s20;
	[tilespmem:s22+$0x9200] =	vst v2  }
0x146: {  	s23 =	sand.u32 $0x3C00, s19;
	s22 =	sand.u32 $0x70, s21;
	s21 =	sadd.s32 $0x10, s21;
	v2 =	vld [tilespmem:s20+$0x0]  }
0x147: {  	s19 =	sor.u32 s23, s22  }
0x148: {  	v3 =	vld [tilespmem:s19+$0x1200];
	_ =	sdelay $0x2  }
0x149: {  	v1 =	vadd.f32 v2, v1;
	_ =	sdelay $0x1  }
0x14a: {  	v1 =	vmul.f32 v1, v3;
	_ =	sdelay $0x1  }
0x14b: {  	s20 =	simm.s32 $0x880;
	[tilespmem:s19+$0x9200] =	vst v1;
	s19 =	simm.s32 $0x0  }
0x14c: {  	s21 =	simm.s32 $0x10;
	v1 =	vbroadcast v0, $0x4;
	s22 =	sand.u32 $0x70, s19;
	v2 =	vld [tilespmem:s20+$0x0];
	s23 =	sand.u32 $0x3C00, s19  }
.LBB2_44:
0x14d: {  	p0 =	seq.s32 s21, $0x7F0;
	s22 =	sor.u32 s23, s22  }
0x14e: {  	v3 =	vld [tilespmem:s22+$0x1280];
	_ =	sdelay $0x2  }
0x14f: {  	v2 =	vadd.f32 v2, v1  }
.Ltmp21:
0x150: {  	(pc) =	sbr.rel @!p0 .LBB2_44-.Ltmp21, $3  }
0x151: {  	v2 =	vmul.f32 v2, v3;
	_ =	sdelay $0x1  }
0x152: {  	s19 =	sadd.s32 $0x80, s19;
	s20 =	sadd.s32 $0x10, s20;
	[tilespmem:s22+$0x9280] =	vst v2  }
0x153: {  	s23 =	sand.u32 $0x3C00, s19;
	s22 =	sand.u32 $0x70, s21;
	s21 =	sadd.s32 $0x10, s21;
	v2 =	vld [tilespmem:s20+$0x0]  }
0x154: {  	s19 =	sor.u32 s23, s22  }
0x155: {  	v3 =	vld [tilespmem:s19+$0x1280];
	_ =	sdelay $0x2  }
0x156: {  	v1 =	vadd.f32 v2, v1;
	_ =	sdelay $0x1  }
0x157: {  	v1 =	vmul.f32 v1, v3;
	_ =	sdelay $0x1  }
0x158: {  	s20 =	simm.s32 $0x880;
	[tilespmem:s19+$0x9280] =	vst v1;
	s19 =	simm.s32 $0x0  }
0x159: {  	s21 =	simm.s32 $0x10;
	v1 =	vbroadcast v0, $0x5;
	s22 =	sand.u32 $0x70, s19;
	v2 =	vld [tilespmem:s20+$0x0];
	s23 =	sand.u32 $0x3C00, s19  }
.LBB2_46:
0x15a: {  	p0 =	seq.s32 s21, $0x7F0;
	s22 =	sor.u32 s23, s22  }
0x15b: {  	v3 =	vld [tilespmem:s22+$0x1300];
	_ =	sdelay $0x2  }
0x15c: {  	v2 =	vadd.f32 v2, v1  }
.Ltmp22:
0x15d: {  	(pc) =	sbr.rel @!p0 .LBB2_46-.Ltmp22, $3  }
0x15e: {  	v2 =	vmul.f32 v2, v3;
	_ =	sdelay $0x1  }
0x15f: {  	s19 =	sadd.s32 $0x80, s19;
	s20 =	sadd.s32 $0x10, s20;
	[tilespmem:s22+$0x9300] =	vst v2  }
0x160: {  	s23 =	sand.u32 $0x3C00, s19;
	s22 =	sand.u32 $0x70, s21;
	s21 =	sadd.s32 $0x10, s21;
	v2 =	vld [tilespmem:s20+$0x0]  }
0x161: {  	s19 =	sor.u32 s23, s22  }
0x162: {  	v3 =	vld [tilespmem:s19+$0x1300];
	_ =	sdelay $0x2  }
0x163: {  	v1 =	vadd.f32 v2, v1;
	_ =	sdelay $0x1  }
0x164: {  	v1 =	vmul.f32 v1, v3;
	_ =	sdelay $0x1  }
0x165: {  	s20 =	simm.s32 $0x880;
	[tilespmem:s19+$0x9300] =	vst v1;
	s19 =	simm.s32 $0x0  }
0x166: {  	s21 =	simm.s32 $0x10;
	v1 =	vbroadcast v0, $0x6;
	s22 =	sand.u32 $0x70, s19;
	v2 =	vld [tilespmem:s20+$0x0];
	s23 =	sand.u32 $0x3C00, s19  }
.LBB2_48:
0x167: {  	p0 =	seq.s32 s21, $0x7F0;
	s22 =	sor.u32 s23, s22  }
0x168: {  	v3 =	vld [tilespmem:s22+$0x1380];
	_ =	sdelay $0x2  }
0x169: {  	v2 =	vadd.f32 v2, v1  }
.Ltmp23:
0x16a: {  	(pc) =	sbr.rel @!p0 .LBB2_48-.Ltmp23, $3  }
0x16b: {  	v2 =	vmul.f32 v2, v3;
	_ =	sdelay $0x1  }
0x16c: {  	s19 =	sadd.s32 $0x80, s19;
	s20 =	sadd.s32 $0x10, s20;
	[tilespmem:s22+$0x9380] =	vst v2  }
0x16d: {  	s23 =	sand.u32 $0x3C00, s19;
	s22 =	sand.u32 $0x70, s21;
	s21 =	sadd.s32 $0x10, s21;
	v2 =	vld [tilespmem:s20+$0x0]  }
0x16e: {  	s19 =	sor.u32 s23, s22  }
0x16f: {  	v3 =	vld [tilespmem:s19+$0x1380];
	_ =	sdelay $0x2  }
0x170: {  	v1 =	vadd.f32 v2, v1;
	_ =	sdelay $0x1  }
0x171: {  	s20 =	simm.s32 $0x0;
	v1 =	vmul.f32 v1, v3  }
0x172: {  	s20 =	sand.u32 $0x7, s20  }
0x173: {  	s20 =	sshll.u32 s20, $0x4;
	[tilespmem:s19+$0x9380] =	vst v1;
	s19 =	simm.s32 $0x880  }
0x174: {  	s20 =	sadd.s32 $0x0, s20;
	v2 =	vld [tilespmem:s19+$0x0]  }
0x175: {  	s22 =	sor.u32 $0x380, s20  }
0x176: {  	v3 =	vld [tilespmem:s22+$0x1080]  }
0x177: {  	v1 =	vbroadcast v0, $0x7;
	_ =	sdelay $0x1  }
0x178: {  	v2 =	vadd.f32 v2, v1;
	_ =	sdelay $0x1  }
0x179: {  	s21 =	simm.s32 $0x1;
	v2 =	vmul.f32 v2, v3  }
0x17a: {  	s23 =	simm.s32 $0x20;
	s24 =	sand.u32 $0x7, s21;
	s20 =	simm.s32 $0x80  }
.LBB2_50:
0x17b: {  	p0 =	seq.s32 s23, $0x7F0;
	s24 =	sshll.u32 s24, $0x4;
	[tilespmem:s22+$0x9080] =	vst v2;
	s19 =	sadd.s32 $0x10, s19  }
0x17c: {  	s22 =	sadd.s32 s24, s20;
	v2 =	vld [tilespmem:s19+$0x0]  }
0x17d: {  	s22 =	sor.u32 $0x380, s22  }
0x17e: {  	v3 =	vld [tilespmem:s22+$0x1080];
	_ =	sdelay $0x1  }
.Ltmp24:
0x17f: {  	(pc) =	sbr.rel @!p0 .LBB2_50-.Ltmp24, $3  }
0x180: {  	v2 =	vadd.f32 v2, v1;
	_ =	sdelay $0x1  }
0x181: {  	s21 =	sadd.s32 $0x1, s21;
	v2 =	vmul.f32 v2, v3  }
0x182: {  	s23 =	sadd.s32 $0x10, s23;
	s24 =	sand.u32 $0x7, s21;
	s20 =	sadd.s32 $0x80, s20  }
0x183: {  	s21 =	sshll.u32 s24, $0x4;
	[tilespmem:s22+$0x9080] =	vst v2;
	s19 =	sadd.s32 $0x10, s19  }
0x184: {  	s20 =	sadd.s32 s21, s20;
	v2 =	vld [tilespmem:s19+$0x0]  }
0x185: {  	s31 =	sor.u32 $0x380, s20  }
0x186: {  	v3 =	vld [tilespmem:s31+$0x1080];
	_ =	sdelay $0x2  }
0x187: {  	v1 =	vadd.f32 v2, v1;
	_ =	sdelay $0x1  }
0x188: {  	v1 =	vmul.f32 v1, v3;
	_ =	sdelay $0x1  }
0x189: {  	s19 =	simm.s32 $0x0;
	s20 =	simm.s32 $0x880;
	[tilespmem:s31+$0x9080] =	vst v1  }
0x18a: {  	s21 =	simm.s32 $0x10;
	s22 =	sand.u32 $0x70, s19;
	s23 =	sand.u32 $0x3C00, s19;
	v1 =	vbroadcast v0, $0x8;
	v2 =	vld [tilespmem:s20+$0x0]  }
.LBB2_52:
0x18b: {  	p0 =	seq.s32 s21, $0x7F0;
	s22 =	sor.u32 s23, s22  }
0x18c: {  	v3 =	vld [tilespmem:s22+$0x5080];
	_ =	sdelay $0x2  }
0x18d: {  	v2 =	vadd.f32 v2, v1  }
.Ltmp25:
0x18e: {  	(pc) =	sbr.rel @!p0 .LBB2_52-.Ltmp25, $3  }
0x18f: {  	v2 =	vmul.f32 v2, v3;
	_ =	sdelay $0x1  }
0x190: {  	s19 =	sadd.s32 $0x80, s19;
	s20 =	sadd.s32 $0x10, s20;
	[tilespmem:s22+$0xD080] =	vst v2  }
0x191: {  	s23 =	sand.u32 $0x3C00, s19;
	s22 =	sand.u32 $0x70, s21;
	s21 =	sadd.s32 $0x10, s21;
	v2 =	vld [tilespmem:s20+$0x0]  }
0x192: {  	s19 =	sor.u32 s23, s22  }
0x193: {  	v3 =	vld [tilespmem:s19+$0x5080];
	_ =	sdelay $0x2  }
0x194: {  	v1 =	vadd.f32 v2, v1;
	_ =	sdelay $0x1  }
0x195: {  	v1 =	vmul.f32 v1, v3;
	_ =	sdelay $0x1  }
0x196: {  	s20 =	simm.s32 $0x880;
	[tilespmem:s19+$0xD080] =	vst v1;
	s19 =	simm.s32 $0x0  }
0x197: {  	s21 =	simm.s32 $0x10;
	v1 =	vbroadcast v0, $0x9;
	s22 =	sand.u32 $0x70, s19;
	v2 =	vld [tilespmem:s20+$0x0];
	s23 =	sand.u32 $0x3C00, s19  }
.LBB2_54:
0x198: {  	p0 =	seq.s32 s21, $0x7F0;
	s22 =	sor.u32 s23, s22  }
0x199: {  	v3 =	vld [tilespmem:s22+$0x5100];
	_ =	sdelay $0x2  }
0x19a: {  	v2 =	vadd.f32 v2, v1  }
.Ltmp26:
0x19b: {  	(pc) =	sbr.rel @!p0 .LBB2_54-.Ltmp26, $3  }
0x19c: {  	v2 =	vmul.f32 v2, v3;
	_ =	sdelay $0x1  }
0x19d: {  	s19 =	sadd.s32 $0x80, s19;
	s20 =	sadd.s32 $0x10, s20;
	[tilespmem:s22+$0xD100] =	vst v2  }
0x19e: {  	s23 =	sand.u32 $0x3C00, s19;
	s22 =	sand.u32 $0x70, s21;
	s21 =	sadd.s32 $0x10, s21;
	v2 =	vld [tilespmem:s20+$0x0]  }
0x19f: {  	s19 =	sor.u32 s23, s22  }
0x1a0: {  	v3 =	vld [tilespmem:s19+$0x5100];
	_ =	sdelay $0x2  }
0x1a1: {  	v1 =	vadd.f32 v2, v1;
	_ =	sdelay $0x1  }
0x1a2: {  	v1 =	vmul.f32 v1, v3;
	_ =	sdelay $0x1  }
0x1a3: {  	s20 =	simm.s32 $0x880;
	[tilespmem:s19+$0xD100] =	vst v1;
	s19 =	simm.s32 $0x0  }
0x1a4: {  	s21 =	simm.s32 $0x10;
	v1 =	vbroadcast v0, $0xA;
	s22 =	sand.u32 $0x70, s19;
	v2 =	vld [tilespmem:s20+$0x0];
	s23 =	sand.u32 $0x3C00, s19  }
.LBB2_56:
0x1a5: {  	p0 =	seq.s32 s21, $0x7F0;
	s22 =	sor.u32 s23, s22  }
0x1a6: {  	v3 =	vld [tilespmem:s22+$0x5180];
	_ =	sdelay $0x2  }
0x1a7: {  	v2 =	vadd.f32 v2, v1  }
.Ltmp27:
0x1a8: {  	(pc) =	sbr.rel @!p0 .LBB2_56-.Ltmp27, $3  }
0x1a9: {  	v2 =	vmul.f32 v2, v3;
	_ =	sdelay $0x1  }
0x1aa: {  	s19 =	sadd.s32 $0x80, s19;
	s20 =	sadd.s32 $0x10, s20;
	[tilespmem:s22+$0xD180] =	vst v2  }
0x1ab: {  	s23 =	sand.u32 $0x3C00, s19;
	s22 =	sand.u32 $0x70, s21;
	s21 =	sadd.s32 $0x10, s21;
	v2 =	vld [tilespmem:s20+$0x0]  }
0x1ac: {  	s19 =	sor.u32 s23, s22  }
0x1ad: {  	v3 =	vld [tilespmem:s19+$0x5180];
	_ =	sdelay $0x2  }
0x1ae: {  	v1 =	vadd.f32 v2, v1;
	_ =	sdelay $0x1  }
0x1af: {  	v1 =	vmul.f32 v1, v3;
	_ =	sdelay $0x1  }
0x1b0: {  	s20 =	simm.s32 $0x880;
	[tilespmem:s19+$0xD180] =	vst v1;
	s19 =	simm.s32 $0x0  }
0x1b1: {  	s21 =	simm.s32 $0x10;
	v1 =	vbroadcast v0, $0xB;
	s22 =	sand.u32 $0x70, s19;
	v2 =	vld [tilespmem:s20+$0x0];
	s23 =	sand.u32 $0x3C00, s19  }
.LBB2_58:
0x1b2: {  	p0 =	seq.s32 s21, $0x7F0;
	s22 =	sor.u32 s23, s22  }
0x1b3: {  	v3 =	vld [tilespmem:s22+$0x5200];
	_ =	sdelay $0x2  }
0x1b4: {  	v2 =	vadd.f32 v2, v1  }
.Ltmp28:
0x1b5: {  	(pc) =	sbr.rel @!p0 .LBB2_58-.Ltmp28, $3  }
0x1b6: {  	v2 =	vmul.f32 v2, v3;
	_ =	sdelay $0x1  }
0x1b7: {  	s19 =	sadd.s32 $0x80, s19;
	s20 =	sadd.s32 $0x10, s20;
	[tilespmem:s22+$0xD200] =	vst v2  }
0x1b8: {  	s23 =	sand.u32 $0x3C00, s19;
	s22 =	sand.u32 $0x70, s21;
	s21 =	sadd.s32 $0x10, s21;
	v2 =	vld [tilespmem:s20+$0x0]  }
0x1b9: {  	s19 =	sor.u32 s23, s22  }
0x1ba: {  	v3 =	vld [tilespmem:s19+$0x5200];
	_ =	sdelay $0x2  }
0x1bb: {  	v1 =	vadd.f32 v2, v1;
	_ =	sdelay $0x1  }
0x1bc: {  	v1 =	vmul.f32 v1, v3;
	_ =	sdelay $0x1  }
0x1bd: {  	s20 =	simm.s32 $0x880;
	[tilespmem:s19+$0xD200] =	vst v1;
	s19 =	simm.s32 $0x0  }
0x1be: {  	s21 =	simm.s32 $0x10;
	v1 =	vbroadcast v0, $0xC;
	s22 =	sand.u32 $0x70, s19;
	v2 =	vld [tilespmem:s20+$0x0];
	s23 =	sand.u32 $0x3C00, s19  }
.LBB2_60:
0x1bf: {  	p0 =	seq.s32 s21, $0x7F0;
	s22 =	sor.u32 s23, s22  }
0x1c0: {  	v3 =	vld [tilespmem:s22+$0x5280];
	_ =	sdelay $0x2  }
0x1c1: {  	v2 =	vadd.f32 v2, v1  }
.Ltmp29:
0x1c2: {  	(pc) =	sbr.rel @!p0 .LBB2_60-.Ltmp29, $3  }
0x1c3: {  	v2 =	vmul.f32 v2, v3;
	_ =	sdelay $0x1  }
0x1c4: {  	s19 =	sadd.s32 $0x80, s19;
	s20 =	sadd.s32 $0x10, s20;
	[tilespmem:s22+$0xD280] =	vst v2  }
0x1c5: {  	s23 =	sand.u32 $0x3C00, s19;
	s22 =	sand.u32 $0x70, s21;
	s21 =	sadd.s32 $0x10, s21;
	v2 =	vld [tilespmem:s20+$0x0]  }
0x1c6: {  	s19 =	sor.u32 s23, s22  }
0x1c7: {  	v3 =	vld [tilespmem:s19+$0x5280];
	_ =	sdelay $0x2  }
0x1c8: {  	v1 =	vadd.f32 v2, v1;
	_ =	sdelay $0x1  }
0x1c9: {  	v1 =	vmul.f32 v1, v3;
	_ =	sdelay $0x1  }
0x1ca: {  	s20 =	simm.s32 $0x880;
	[tilespmem:s19+$0xD280] =	vst v1;
	s19 =	simm.s32 $0x0  }
0x1cb: {  	s21 =	simm.s32 $0x10;
	v1 =	vbroadcast v0, $0xD;
	s22 =	sand.u32 $0x70, s19;
	v2 =	vld [tilespmem:s20+$0x0];
	s23 =	sand.u32 $0x3C00, s19  }
.LBB2_62:
0x1cc: {  	p0 =	seq.s32 s21, $0x7F0;
	s22 =	sor.u32 s23, s22  }
0x1cd: {  	v3 =	vld [tilespmem:s22+$0x5300];
	_ =	sdelay $0x2  }
0x1ce: {  	v2 =	vadd.f32 v2, v1  }
.Ltmp30:
0x1cf: {  	(pc) =	sbr.rel @!p0 .LBB2_62-.Ltmp30, $3  }
0x1d0: {  	v2 =	vmul.f32 v2, v3;
	_ =	sdelay $0x1  }
0x1d1: {  	s19 =	sadd.s32 $0x80, s19;
	s20 =	sadd.s32 $0x10, s20;
	[tilespmem:s22+$0xD300] =	vst v2  }
0x1d2: {  	s23 =	sand.u32 $0x3C00, s19;
	s22 =	sand.u32 $0x70, s21;
	s21 =	sadd.s32 $0x10, s21;
	v2 =	vld [tilespmem:s20+$0x0]  }
0x1d3: {  	s19 =	sor.u32 s23, s22  }
0x1d4: {  	v3 =	vld [tilespmem:s19+$0x5300];
	_ =	sdelay $0x2  }
0x1d5: {  	v1 =	vadd.f32 v2, v1;
	_ =	sdelay $0x1  }
0x1d6: {  	v1 =	vmul.f32 v1, v3;
	_ =	sdelay $0x1  }
0x1d7: {  	s20 =	simm.s32 $0x880;
	[tilespmem:s19+$0xD300] =	vst v1;
	s19 =	simm.s32 $0x0  }
0x1d8: {  	s21 =	simm.s32 $0x10;
	v1 =	vbroadcast v0, $0xE;
	s22 =	sand.u32 $0x70, s19;
	v2 =	vld [tilespmem:s20+$0x0];
	s23 =	sand.u32 $0x3C00, s19  }
.LBB2_64:
0x1d9: {  	p0 =	seq.s32 s21, $0x7F0;
	s22 =	sor.u32 s23, s22  }
0x1da: {  	v3 =	vld [tilespmem:s22+$0x5380];
	_ =	sdelay $0x2  }
0x1db: {  	v2 =	vadd.f32 v2, v1  }
.Ltmp31:
0x1dc: {  	(pc) =	sbr.rel @!p0 .LBB2_64-.Ltmp31, $3  }
0x1dd: {  	v2 =	vmul.f32 v2, v3;
	_ =	sdelay $0x1  }
0x1de: {  	s19 =	sadd.s32 $0x80, s19;
	s20 =	sadd.s32 $0x10, s20;
	[tilespmem:s22+$0xD380] =	vst v2  }
0x1df: {  	s23 =	sand.u32 $0x3C00, s19;
	s22 =	sand.u32 $0x70, s21;
	s21 =	sadd.s32 $0x10, s21;
	v2 =	vld [tilespmem:s20+$0x0]  }
0x1e0: {  	s19 =	sor.u32 s23, s22  }
0x1e1: {  	v3 =	vld [tilespmem:s19+$0x5380];
	_ =	sdelay $0x2  }
0x1e2: {  	v1 =	vadd.f32 v2, v1;
	_ =	sdelay $0x1  }
0x1e3: {  	s20 =	simm.s32 $0x0;
	v1 =	vmul.f32 v1, v3  }
0x1e4: {  	s20 =	sand.u32 $0x7, s20  }
0x1e5: {  	s20 =	sshll.u32 s20, $0x4;
	[tilespmem:s19+$0xD380] =	vst v1;
	s19 =	simm.s32 $0x880  }
0x1e6: {  	s20 =	sadd.s32 $0x0, s20;
	v1 =	vld [tilespmem:s19+$0x0]  }
0x1e7: {  	s22 =	sor.u32 $0x4380, s20  }
0x1e8: {  	v2 =	vld [tilespmem:s22+$0x1080]  }
0x1e9: {  	v0 =	vbroadcast v0, $0xF;
	_ =	sdelay $0x1  }
0x1ea: {  	v1 =	vadd.f32 v1, v0;
	_ =	sdelay $0x1  }
0x1eb: {  	s21 =	simm.s32 $0x1;
	v1 =	vmul.f32 v1, v2  }
0x1ec: {  	s23 =	simm.s32 $0x20;
	s24 =	sand.u32 $0x7, s21;
	s20 =	simm.s32 $0x80  }
.LBB2_66:
0x1ed: {  	p0 =	sne.s32 s23, $0x7F0;
	s24 =	sshll.u32 s24, $0x4;
	[tilespmem:s22+$0x9080] =	vst v1;
	s19 =	sadd.s32 $0x10, s19  }
0x1ee: {  	s22 =	sadd.s32 s24, s20;
	v1 =	vld [tilespmem:s19+$0x0]  }
0x1ef: {  	s22 =	sor.u32 $0x4380, s22  }
0x1f0: {  	v2 =	vld [tilespmem:s22+$0x1080];
	_ =	sdelay $0x1  }
.Ltmp32:
0x1f1: {  	(pc) =	sbr.rel @p0 .LBB2_66-.Ltmp32, $3  }
0x1f2: {  	v1 =	vadd.f32 v1, v0;
	_ =	sdelay $0x1  }
0x1f3: {  	s21 =	sadd.s32 $0x1, s21;
	v1 =	vmul.f32 v1, v2  }
0x1f4: {  	s23 =	sadd.s32 $0x10, s23;
	s24 =	sand.u32 $0x7, s21;
	s20 =	sadd.s32 $0x80, s20  }
0x1f5: {  	s21 =	sshll.u32 s24, $0x4;
	[tilespmem:s22+$0x9080] =	vst v1;
	s19 =	sadd.s32 $0x10, s19  }
0x1f6: {  	s20 =	sadd.s32 s21, s20;
	v1 =	vld [tilespmem:s19+$0x0]  }
0x1f7: {  	s31 =	sor.u32 $0x4380, s20  }
0x1f8: {  	v2 =	vld [tilespmem:s31+$0x1080];
	_ =	sdelay $0x2  }
0x1f9: {  	v0 =	vadd.f32 v1, v0;
	_ =	sdelay $0x1  }
0x1fa: {  	v0 =	vmul.f32 v0, v2;
	_ =	sdelay $0x1  }
0x1fb: {  	s19 =	simm.s32 $0x0;
	[tilespmem:s31+$0x9080] =	vst v0  }
0x1fc: {  	[hbm4b:s8+s19] =	stream.linear.scatter [tilespmem:s17], [sflag:$0x1], $0x8000, $0x38;
	[tilespmem:$0x11080] =	vst v63  }
0x1fd: {  	_ =	swait.ge [sflag:s14], $0x8000  }
0x1fe: {  	[sflag:s14] =	ssyncset.done $0x0  }
0x1ff: {  	[sflag:s14] =	ssyncadd.s32 $0xFFFF8000  }
0x200: {  	[tilespmem:s16], [sflag:$0x1] =	stream.linear.gather [hbm4b:s9+s19], $0x8000, $0x38;
	[tilespmem:$0x11080] =	vst v63  }
0x201: {  	_ =	swait.ge [sflag:s14], $0x8000  }
0x202: {  	[sflag:s14] =	ssyncset.done $0x0  }
0x203: {  	[sflag:s14] =	ssyncadd.s32 $0xFFFF8000  }
0x204: {  	v0 =	vld [tilespmem:$0x20];
	_ =	sdelay $0x4  }
0x205: {  	v0 =	vadd.f32 v0, v0  }
0x206: {  	s20 =	simm.s32 $0x880  }
0x207: {  	s21 =	simm.s32 $0x10;
	s22 =	sand.u32 $0x70, s19;
	s23 =	sand.u32 $0x3C00, s19;
	v2 =	vld [tilespmem:s20+$0x0];
	v1 =	vbroadcast v0, $0x0  }
.LBB2_68:
0x208: {  	p0 =	seq.s32 s21, $0x7F0;
	s22 =	sor.u32 s22, s23  }
0x209: {  	v3 =	vld [tilespmem:s22+$0x1080];
	_ =	sdelay $0x2  }
0x20a: {  	v2 =	vadd.f32 v2, v1  }
.Ltmp33:
0x20b: {  	(pc) =	sbr.rel @!p0 .LBB2_68-.Ltmp33, $3  }
0x20c: {  	v2 =	vmul.f32 v2, v3;
	_ =	sdelay $0x1  }
0x20d: {  	s19 =	sadd.s32 $0x80, s19;
	s20 =	sadd.s32 $0x10, s20;
	[tilespmem:s22+$0x9080] =	vst v2  }
0x20e: {  	s23 =	sand.u32 $0x3C00, s19;
	s22 =	sand.u32 $0x70, s21;
	s21 =	sadd.s32 $0x10, s21;
	v2 =	vld [tilespmem:s20+$0x0]  }
0x20f: {  	s19 =	sor.u32 s22, s23  }
0x210: {  	v3 =	vld [tilespmem:s19+$0x1080];
	_ =	sdelay $0x2  }
0x211: {  	v1 =	vadd.f32 v2, v1;
	_ =	sdelay $0x1  }
0x212: {  	v1 =	vmul.f32 v1, v3;
	_ =	sdelay $0x1  }
0x213: {  	s20 =	simm.s32 $0x880;
	[tilespmem:s19+$0x9080] =	vst v1;
	s19 =	simm.s32 $0x0  }
0x214: {  	s21 =	simm.s32 $0x10;
	v1 =	vbroadcast v0, $0x1;
	s22 =	sand.u32 $0x70, s19;
	v2 =	vld [tilespmem:s20+$0x0];
	s23 =	sand.u32 $0x3C00, s19  }
.LBB2_70:
0x215: {  	p0 =	seq.s32 s21, $0x7F0;
	s22 =	sor.u32 s23, s22  }
0x216: {  	v3 =	vld [tilespmem:s22+$0x1100];
	_ =	sdelay $0x2  }
0x217: {  	v2 =	vadd.f32 v2, v1  }
.Ltmp34:
0x218: {  	(pc) =	sbr.rel @!p0 .LBB2_70-.Ltmp34, $3  }
0x219: {  	v2 =	vmul.f32 v2, v3;
	_ =	sdelay $0x1  }
0x21a: {  	s19 =	sadd.s32 $0x80, s19;
	s20 =	sadd.s32 $0x10, s20;
	[tilespmem:s22+$0x9100] =	vst v2  }
0x21b: {  	s23 =	sand.u32 $0x3C00, s19;
	s22 =	sand.u32 $0x70, s21;
	s21 =	sadd.s32 $0x10, s21;
	v2 =	vld [tilespmem:s20+$0x0]  }
0x21c: {  	s19 =	sor.u32 s23, s22  }
0x21d: {  	v3 =	vld [tilespmem:s19+$0x1100];
	_ =	sdelay $0x2  }
0x21e: {  	v1 =	vadd.f32 v2, v1;
	_ =	sdelay $0x1  }
0x21f: {  	v1 =	vmul.f32 v1, v3;
	_ =	sdelay $0x1  }
0x220: {  	s20 =	simm.s32 $0x880;
	[tilespmem:s19+$0x9100] =	vst v1;
	s19 =	simm.s32 $0x0  }
0x221: {  	s21 =	simm.s32 $0x10;
	v1 =	vbroadcast v0, $0x2;
	s22 =	sand.u32 $0x70, s19;
	v2 =	vld [tilespmem:s20+$0x0];
	s23 =	sand.u32 $0x3C00, s19  }
.LBB2_72:
0x222: {  	p0 =	seq.s32 s21, $0x7F0;
	s22 =	sor.u32 s23, s22  }
0x223: {  	v3 =	vld [tilespmem:s22+$0x1180];
	_ =	sdelay $0x2  }
0x224: {  	v2 =	vadd.f32 v2, v1  }
.Ltmp35:
0x225: {  	(pc) =	sbr.rel @!p0 .LBB2_72-.Ltmp35, $3  }
0x226: {  	v2 =	vmul.f32 v2, v3;
	_ =	sdelay $0x1  }
0x227: {  	s19 =	sadd.s32 $0x80, s19;
	s20 =	sadd.s32 $0x10, s20;
	[tilespmem:s22+$0x9180] =	vst v2  }
0x228: {  	s23 =	sand.u32 $0x3C00, s19;
	s22 =	sand.u32 $0x70, s21;
	s21 =	sadd.s32 $0x10, s21;
	v2 =	vld [tilespmem:s20+$0x0]  }
0x229: {  	s19 =	sor.u32 s23, s22  }
0x22a: {  	v3 =	vld [tilespmem:s19+$0x1180];
	_ =	sdelay $0x2  }
0x22b: {  	v1 =	vadd.f32 v2, v1;
	_ =	sdelay $0x1  }
0x22c: {  	v1 =	vmul.f32 v1, v3;
	_ =	sdelay $0x1  }
0x22d: {  	s20 =	simm.s32 $0x880;
	[tilespmem:s19+$0x9180] =	vst v1;
	s19 =	simm.s32 $0x0  }
0x22e: {  	s21 =	simm.s32 $0x10;
	v1 =	vbroadcast v0, $0x3;
	s22 =	sand.u32 $0x70, s19;
	v2 =	vld [tilespmem:s20+$0x0];
	s23 =	sand.u32 $0x3C00, s19  }
.LBB2_74:
0x22f: {  	p0 =	seq.s32 s21, $0x7F0;
	s22 =	sor.u32 s23, s22  }
0x230: {  	v3 =	vld [tilespmem:s22+$0x1200];
	_ =	sdelay $0x2  }
0x231: {  	v2 =	vadd.f32 v2, v1  }
.Ltmp36:
0x232: {  	(pc) =	sbr.rel @!p0 .LBB2_74-.Ltmp36, $3  }
0x233: {  	v2 =	vmul.f32 v2, v3;
	_ =	sdelay $0x1  }
0x234: {  	s19 =	sadd.s32 $0x80, s19;
	s20 =	sadd.s32 $0x10, s20;
	[tilespmem:s22+$0x9200] =	vst v2  }
0x235: {  	s23 =	sand.u32 $0x3C00, s19;
	s22 =	sand.u32 $0x70, s21;
	s21 =	sadd.s32 $0x10, s21;
	v2 =	vld [tilespmem:s20+$0x0]  }
0x236: {  	s19 =	sor.u32 s23, s22  }
0x237: {  	v3 =	vld [tilespmem:s19+$0x1200];
	_ =	sdelay $0x2  }
0x238: {  	v1 =	vadd.f32 v2, v1;
	_ =	sdelay $0x1  }
0x239: {  	v1 =	vmul.f32 v1, v3;
	_ =	sdelay $0x1  }
0x23a: {  	s20 =	simm.s32 $0x880;
	[tilespmem:s19+$0x9200] =	vst v1;
	s19 =	simm.s32 $0x0  }
0x23b: {  	s21 =	simm.s32 $0x10;
	v1 =	vbroadcast v0, $0x4;
	s22 =	sand.u32 $0x70, s19;
	v2 =	vld [tilespmem:s20+$0x0];
	s23 =	sand.u32 $0x3C00, s19  }
.LBB2_76:
0x23c: {  	p0 =	seq.s32 s21, $0x7F0;
	s22 =	sor.u32 s23, s22  }
0x23d: {  	v3 =	vld [tilespmem:s22+$0x1280];
	_ =	sdelay $0x2  }
0x23e: {  	v2 =	vadd.f32 v2, v1  }
.Ltmp37:
0x23f: {  	(pc) =	sbr.rel @!p0 .LBB2_76-.Ltmp37, $3  }
0x240: {  	v2 =	vmul.f32 v2, v3;
	_ =	sdelay $0x1  }
0x241: {  	s19 =	sadd.s32 $0x80, s19;
	s20 =	sadd.s32 $0x10, s20;
	[tilespmem:s22+$0x9280] =	vst v2  }
0x242: {  	s23 =	sand.u32 $0x3C00, s19;
	s22 =	sand.u32 $0x70, s21;
	s21 =	sadd.s32 $0x10, s21;
	v2 =	vld [tilespmem:s20+$0x0]  }
0x243: {  	s19 =	sor.u32 s23, s22  }
0x244: {  	v3 =	vld [tilespmem:s19+$0x1280];
	_ =	sdelay $0x2  }
0x245: {  	v1 =	vadd.f32 v2, v1;
	_ =	sdelay $0x1  }
0x246: {  	v1 =	vmul.f32 v1, v3;
	_ =	sdelay $0x1  }
0x247: {  	s20 =	simm.s32 $0x880;
	[tilespmem:s19+$0x9280] =	vst v1;
	s19 =	simm.s32 $0x0  }
0x248: {  	s21 =	simm.s32 $0x10;
	v1 =	vbroadcast v0, $0x5;
	s22 =	sand.u32 $0x70, s19;
	v2 =	vld [tilespmem:s20+$0x0];
	s23 =	sand.u32 $0x3C00, s19  }
.LBB2_78:
0x249: {  	p0 =	seq.s32 s21, $0x7F0;
	s22 =	sor.u32 s23, s22  }
0x24a: {  	v3 =	vld [tilespmem:s22+$0x1300];
	_ =	sdelay $0x2  }
0x24b: {  	v2 =	vadd.f32 v2, v1  }
.Ltmp38:
0x24c: {  	(pc) =	sbr.rel @!p0 .LBB2_78-.Ltmp38, $3  }
0x24d: {  	v2 =	vmul.f32 v2, v3;
	_ =	sdelay $0x1  }
0x24e: {  	s19 =	sadd.s32 $0x80, s19;
	s20 =	sadd.s32 $0x10, s20;
	[tilespmem:s22+$0x9300] =	vst v2  }
0x24f: {  	s23 =	sand.u32 $0x3C00, s19;
	s22 =	sand.u32 $0x70, s21;
	s21 =	sadd.s32 $0x10, s21;
	v2 =	vld [tilespmem:s20+$0x0]  }
0x250: {  	s19 =	sor.u32 s23, s22  }
0x251: {  	v3 =	vld [tilespmem:s19+$0x1300];
	_ =	sdelay $0x2  }
0x252: {  	v1 =	vadd.f32 v2, v1;
	_ =	sdelay $0x1  }
0x253: {  	v1 =	vmul.f32 v1, v3;
	_ =	sdelay $0x1  }
0x254: {  	s20 =	simm.s32 $0x880;
	[tilespmem:s19+$0x9300] =	vst v1;
	s19 =	simm.s32 $0x0  }
0x255: {  	s21 =	simm.s32 $0x10;
	v1 =	vbroadcast v0, $0x6;
	s22 =	sand.u32 $0x70, s19;
	v2 =	vld [tilespmem:s20+$0x0];
	s23 =	sand.u32 $0x3C00, s19  }
.LBB2_80:
0x256: {  	p0 =	seq.s32 s21, $0x7F0;
	s22 =	sor.u32 s23, s22  }
0x257: {  	v3 =	vld [tilespmem:s22+$0x1380];
	_ =	sdelay $0x2  }
0x258: {  	v2 =	vadd.f32 v2, v1  }
.Ltmp39:
0x259: {  	(pc) =	sbr.rel @!p0 .LBB2_80-.Ltmp39, $3  }
0x25a: {  	v2 =	vmul.f32 v2, v3;
	_ =	sdelay $0x1  }
0x25b: {  	s19 =	sadd.s32 $0x80, s19;
	s20 =	sadd.s32 $0x10, s20;
	[tilespmem:s22+$0x9380] =	vst v2  }
0x25c: {  	s23 =	sand.u32 $0x3C00, s19;
	s22 =	sand.u32 $0x70, s21;
	s21 =	sadd.s32 $0x10, s21;
	v2 =	vld [tilespmem:s20+$0x0]  }
0x25d: {  	s19 =	sor.u32 s23, s22  }
0x25e: {  	v3 =	vld [tilespmem:s19+$0x1380];
	_ =	sdelay $0x2  }
0x25f: {  	v1 =	vadd.f32 v2, v1;
	_ =	sdelay $0x1  }
0x260: {  	s20 =	simm.s32 $0x0;
	v1 =	vmul.f32 v1, v3  }
0x261: {  	s20 =	sand.u32 $0x7, s20  }
0x262: {  	s20 =	sshll.u32 s20, $0x4;
	[tilespmem:s19+$0x9380] =	vst v1;
	s19 =	simm.s32 $0x880  }
0x263: {  	s20 =	sadd.s32 $0x0, s20;
	v2 =	vld [tilespmem:s19+$0x0]  }
0x264: {  	s22 =	sor.u32 $0x380, s20  }
0x265: {  	v3 =	vld [tilespmem:s22+$0x1080]  }
0x266: {  	v1 =	vbroadcast v0, $0x7;
	_ =	sdelay $0x1  }
0x267: {  	v2 =	vadd.f32 v2, v1;
	_ =	sdelay $0x1  }
0x268: {  	s21 =	simm.s32 $0x1;
	v2 =	vmul.f32 v2, v3  }
0x269: {  	s23 =	simm.s32 $0x20;
	s24 =	sand.u32 $0x7, s21;
	s20 =	simm.s32 $0x80  }
.LBB2_82:
0x26a: {  	p0 =	seq.s32 s23, $0x7F0;
	s24 =	sshll.u32 s24, $0x4;
	[tilespmem:s22+$0x9080] =	vst v2;
	s19 =	sadd.s32 $0x10, s19  }
0x26b: {  	s22 =	sadd.s32 s24, s20;
	v2 =	vld [tilespmem:s19+$0x0]  }
0x26c: {  	s22 =	sor.u32 $0x380, s22  }
0x26d: {  	v3 =	vld [tilespmem:s22+$0x1080];
	_ =	sdelay $0x1  }
.Ltmp40:
0x26e: {  	(pc) =	sbr.rel @!p0 .LBB2_82-.Ltmp40, $3  }
0x26f: {  	v2 =	vadd.f32 v2, v1;
	_ =	sdelay $0x1  }
0x270: {  	s21 =	sadd.s32 $0x1, s21;
	v2 =	vmul.f32 v2, v3  }
0x271: {  	s23 =	sadd.s32 $0x10, s23;
	s24 =	sand.u32 $0x7, s21;
	s20 =	sadd.s32 $0x80, s20  }
0x272: {  	s21 =	sshll.u32 s24, $0x4;
	[tilespmem:s22+$0x9080] =	vst v2;
	s19 =	sadd.s32 $0x10, s19  }
0x273: {  	s20 =	sadd.s32 s21, s20;
	v2 =	vld [tilespmem:s19+$0x0]  }
0x274: {  	s31 =	sor.u32 $0x380, s20  }
0x275: {  	v3 =	vld [tilespmem:s31+$0x1080];
	_ =	sdelay $0x2  }
0x276: {  	v1 =	vadd.f32 v2, v1;
	_ =	sdelay $0x1  }
0x277: {  	v1 =	vmul.f32 v1, v3;
	_ =	sdelay $0x1  }
0x278: {  	s19 =	simm.s32 $0x0;
	s20 =	simm.s32 $0x880;
	[tilespmem:s31+$0x9080] =	vst v1  }
0x279: {  	s21 =	simm.s32 $0x10;
	s22 =	sand.u32 $0x70, s19;
	s23 =	sand.u32 $0x3C00, s19;
	v1 =	vbroadcast v0, $0x8;
	v2 =	vld [tilespmem:s20+$0x0]  }
.LBB2_84:
0x27a: {  	p0 =	seq.s32 s21, $0x7F0;
	s22 =	sor.u32 s23, s22  }
0x27b: {  	v3 =	vld [tilespmem:s22+$0x5080];
	_ =	sdelay $0x2  }
0x27c: {  	v2 =	vadd.f32 v2, v1  }
.Ltmp41:
0x27d: {  	(pc) =	sbr.rel @!p0 .LBB2_84-.Ltmp41, $3  }
0x27e: {  	v2 =	vmul.f32 v2, v3;
	_ =	sdelay $0x1  }
0x27f: {  	s19 =	sadd.s32 $0x80, s19;
	s20 =	sadd.s32 $0x10, s20;
	[tilespmem:s22+$0xD080] =	vst v2  }
0x280: {  	s23 =	sand.u32 $0x3C00, s19;
	s22 =	sand.u32 $0x70, s21;
	s21 =	sadd.s32 $0x10, s21;
	v2 =	vld [tilespmem:s20+$0x0]  }
0x281: {  	s19 =	sor.u32 s23, s22  }
0x282: {  	v3 =	vld [tilespmem:s19+$0x5080];
	_ =	sdelay $0x2  }
0x283: {  	v1 =	vadd.f32 v2, v1;
	_ =	sdelay $0x1  }
0x284: {  	v1 =	vmul.f32 v1, v3;
	_ =	sdelay $0x1  }
0x285: {  	s20 =	simm.s32 $0x880;
	[tilespmem:s19+$0xD080] =	vst v1;
	s19 =	simm.s32 $0x0  }
0x286: {  	s21 =	simm.s32 $0x10;
	v1 =	vbroadcast v0, $0x9;
	s22 =	sand.u32 $0x70, s19;
	v2 =	vld [tilespmem:s20+$0x0];
	s23 =	sand.u32 $0x3C00, s19  }
.LBB2_86:
0x287: {  	p0 =	seq.s32 s21, $0x7F0;
	s22 =	sor.u32 s23, s22  }
0x288: {  	v3 =	vld [tilespmem:s22+$0x5100];
	_ =	sdelay $0x2  }
0x289: {  	v2 =	vadd.f32 v2, v1  }
.Ltmp42:
0x28a: {  	(pc) =	sbr.rel @!p0 .LBB2_86-.Ltmp42, $3  }
0x28b: {  	v2 =	vmul.f32 v2, v3;
	_ =	sdelay $0x1  }
0x28c: {  	s19 =	sadd.s32 $0x80, s19;
	s20 =	sadd.s32 $0x10, s20;
	[tilespmem:s22+$0xD100] =	vst v2  }
0x28d: {  	s23 =	sand.u32 $0x3C00, s19;
	s22 =	sand.u32 $0x70, s21;
	s21 =	sadd.s32 $0x10, s21;
	v2 =	vld [tilespmem:s20+$0x0]  }
0x28e: {  	s19 =	sor.u32 s23, s22  }
0x28f: {  	v3 =	vld [tilespmem:s19+$0x5100];
	_ =	sdelay $0x2  }
0x290: {  	v1 =	vadd.f32 v2, v1;
	_ =	sdelay $0x1  }
0x291: {  	v1 =	vmul.f32 v1, v3;
	_ =	sdelay $0x1  }
0x292: {  	s20 =	simm.s32 $0x880;
	[tilespmem:s19+$0xD100] =	vst v1;
	s19 =	simm.s32 $0x0  }
0x293: {  	s21 =	simm.s32 $0x10;
	v1 =	vbroadcast v0, $0xA;
	s22 =	sand.u32 $0x70, s19;
	v2 =	vld [tilespmem:s20+$0x0];
	s23 =	sand.u32 $0x3C00, s19  }
.LBB2_88:
0x294: {  	p0 =	seq.s32 s21, $0x7F0;
	s22 =	sor.u32 s23, s22  }
0x295: {  	v3 =	vld [tilespmem:s22+$0x5180];
	_ =	sdelay $0x2  }
0x296: {  	v2 =	vadd.f32 v2, v1  }
.Ltmp43:
0x297: {  	(pc) =	sbr.rel @!p0 .LBB2_88-.Ltmp43, $3  }
0x298: {  	v2 =	vmul.f32 v2, v3;
	_ =	sdelay $0x1  }
0x299: {  	s19 =	sadd.s32 $0x80, s19;
	s20 =	sadd.s32 $0x10, s20;
	[tilespmem:s22+$0xD180] =	vst v2  }
0x29a: {  	s23 =	sand.u32 $0x3C00, s19;
	s22 =	sand.u32 $0x70, s21;
	s21 =	sadd.s32 $0x10, s21;
	v2 =	vld [tilespmem:s20+$0x0]  }
0x29b: {  	s19 =	sor.u32 s23, s22  }
0x29c: {  	v3 =	vld [tilespmem:s19+$0x5180];
	_ =	sdelay $0x2  }
0x29d: {  	v1 =	vadd.f32 v2, v1;
	_ =	sdelay $0x1  }
0x29e: {  	v1 =	vmul.f32 v1, v3;
	_ =	sdelay $0x1  }
0x29f: {  	s20 =	simm.s32 $0x880;
	[tilespmem:s19+$0xD180] =	vst v1;
	s19 =	simm.s32 $0x0  }
0x2a0: {  	s21 =	simm.s32 $0x10;
	v1 =	vbroadcast v0, $0xB;
	s22 =	sand.u32 $0x70, s19;
	v2 =	vld [tilespmem:s20+$0x0];
	s23 =	sand.u32 $0x3C00, s19  }
.LBB2_90:
0x2a1: {  	p0 =	seq.s32 s21, $0x7F0;
	s22 =	sor.u32 s23, s22  }
0x2a2: {  	v3 =	vld [tilespmem:s22+$0x5200];
	_ =	sdelay $0x2  }
0x2a3: {  	v2 =	vadd.f32 v2, v1  }
.Ltmp44:
0x2a4: {  	(pc) =	sbr.rel @!p0 .LBB2_90-.Ltmp44, $3  }
0x2a5: {  	v2 =	vmul.f32 v2, v3;
	_ =	sdelay $0x1  }
0x2a6: {  	s19 =	sadd.s32 $0x80, s19;
	s20 =	sadd.s32 $0x10, s20;
	[tilespmem:s22+$0xD200] =	vst v2  }
0x2a7: {  	s23 =	sand.u32 $0x3C00, s19;
	s22 =	sand.u32 $0x70, s21;
	s21 =	sadd.s32 $0x10, s21;
	v2 =	vld [tilespmem:s20+$0x0]  }
0x2a8: {  	s19 =	sor.u32 s23, s22  }
0x2a9: {  	v3 =	vld [tilespmem:s19+$0x5200];
	_ =	sdelay $0x2  }
0x2aa: {  	v1 =	vadd.f32 v2, v1;
	_ =	sdelay $0x1  }
0x2ab: {  	v1 =	vmul.f32 v1, v3;
	_ =	sdelay $0x1  }
0x2ac: {  	s20 =	simm.s32 $0x880;
	[tilespmem:s19+$0xD200] =	vst v1;
	s19 =	simm.s32 $0x0  }
0x2ad: {  	s21 =	simm.s32 $0x10;
	v1 =	vbroadcast v0, $0xC;
	s22 =	sand.u32 $0x70, s19;
	v2 =	vld [tilespmem:s20+$0x0];
	s23 =	sand.u32 $0x3C00, s19  }
.LBB2_92:
0x2ae: {  	p0 =	seq.s32 s21, $0x7F0;
	s22 =	sor.u32 s23, s22  }
0x2af: {  	v3 =	vld [tilespmem:s22+$0x5280];
	_ =	sdelay $0x2  }
0x2b0: {  	v2 =	vadd.f32 v2, v1  }
.Ltmp45:
0x2b1: {  	(pc) =	sbr.rel @!p0 .LBB2_92-.Ltmp45, $3  }
0x2b2: {  	v2 =	vmul.f32 v2, v3;
	_ =	sdelay $0x1  }
0x2b3: {  	s19 =	sadd.s32 $0x80, s19;
	s20 =	sadd.s32 $0x10, s20;
	[tilespmem:s22+$0xD280] =	vst v2  }
0x2b4: {  	s23 =	sand.u32 $0x3C00, s19;
	s22 =	sand.u32 $0x70, s21;
	s21 =	sadd.s32 $0x10, s21;
	v2 =	vld [tilespmem:s20+$0x0]  }
0x2b5: {  	s19 =	sor.u32 s23, s22  }
0x2b6: {  	v3 =	vld [tilespmem:s19+$0x5280];
	_ =	sdelay $0x2  }
0x2b7: {  	v1 =	vadd.f32 v2, v1;
	_ =	sdelay $0x1  }
0x2b8: {  	v1 =	vmul.f32 v1, v3;
	_ =	sdelay $0x1  }
0x2b9: {  	s20 =	simm.s32 $0x880;
	[tilespmem:s19+$0xD280] =	vst v1;
	s19 =	simm.s32 $0x0  }
0x2ba: {  	s21 =	simm.s32 $0x10;
	v1 =	vbroadcast v0, $0xD;
	s22 =	sand.u32 $0x70, s19;
	v2 =	vld [tilespmem:s20+$0x0];
	s23 =	sand.u32 $0x3C00, s19  }
.LBB2_94:
0x2bb: {  	p0 =	seq.s32 s21, $0x7F0;
	s22 =	sor.u32 s23, s22  }
0x2bc: {  	v3 =	vld [tilespmem:s22+$0x5300];
	_ =	sdelay $0x2  }
0x2bd: {  	v2 =	vadd.f32 v2, v1  }
.Ltmp46:
0x2be: {  	(pc) =	sbr.rel @!p0 .LBB2_94-.Ltmp46, $3  }
0x2bf: {  	v2 =	vmul.f32 v2, v3;
	_ =	sdelay $0x1  }
0x2c0: {  	s19 =	sadd.s32 $0x80, s19;
	s20 =	sadd.s32 $0x10, s20;
	[tilespmem:s22+$0xD300] =	vst v2  }
0x2c1: {  	s23 =	sand.u32 $0x3C00, s19;
	s22 =	sand.u32 $0x70, s21;
	s21 =	sadd.s32 $0x10, s21;
	v2 =	vld [tilespmem:s20+$0x0]  }
0x2c2: {  	s19 =	sor.u32 s23, s22  }
0x2c3: {  	v3 =	vld [tilespmem:s19+$0x5300];
	_ =	sdelay $0x2  }
0x2c4: {  	v1 =	vadd.f32 v2, v1;
	_ =	sdelay $0x1  }
0x2c5: {  	v1 =	vmul.f32 v1, v3;
	_ =	sdelay $0x1  }
0x2c6: {  	s20 =	simm.s32 $0x880;
	[tilespmem:s19+$0xD300] =	vst v1;
	s19 =	simm.s32 $0x0  }
0x2c7: {  	s21 =	simm.s32 $0x10;
	v1 =	vbroadcast v0, $0xE;
	s22 =	sand.u32 $0x70, s19;
	v2 =	vld [tilespmem:s20+$0x0];
	s23 =	sand.u32 $0x3C00, s19  }
.LBB2_96:
0x2c8: {  	p0 =	seq.s32 s21, $0x7F0;
	s22 =	sor.u32 s23, s22  }
0x2c9: {  	v3 =	vld [tilespmem:s22+$0x5380];
	_ =	sdelay $0x2  }
0x2ca: {  	v2 =	vadd.f32 v2, v1  }
.Ltmp47:
0x2cb: {  	(pc) =	sbr.rel @!p0 .LBB2_96-.Ltmp47, $3  }
0x2cc: {  	v2 =	vmul.f32 v2, v3;
	_ =	sdelay $0x1  }
0x2cd: {  	s19 =	sadd.s32 $0x80, s19;
	s20 =	sadd.s32 $0x10, s20;
	[tilespmem:s22+$0xD380] =	vst v2  }
0x2ce: {  	s23 =	sand.u32 $0x3C00, s19;
	s22 =	sand.u32 $0x70, s21;
	s21 =	sadd.s32 $0x10, s21;
	v2 =	vld [tilespmem:s20+$0x0]  }
0x2cf: {  	s19 =	sor.u32 s23, s22  }
0x2d0: {  	v3 =	vld [tilespmem:s19+$0x5380];
	_ =	sdelay $0x2  }
0x2d1: {  	v1 =	vadd.f32 v2, v1;
	_ =	sdelay $0x1  }
0x2d2: {  	s20 =	simm.s32 $0x0;
	v1 =	vmul.f32 v1, v3  }
0x2d3: {  	s20 =	sand.u32 $0x7, s20  }
0x2d4: {  	s20 =	sshll.u32 s20, $0x4;
	[tilespmem:s19+$0xD380] =	vst v1;
	s19 =	simm.s32 $0x880  }
0x2d5: {  	s20 =	sadd.s32 $0x0, s20;
	v1 =	vld [tilespmem:s19+$0x0]  }
0x2d6: {  	s22 =	sor.u32 $0x4380, s20  }
0x2d7: {  	v2 =	vld [tilespmem:s22+$0x1080]  }
0x2d8: {  	v0 =	vbroadcast v0, $0xF;
	_ =	sdelay $0x1  }
0x2d9: {  	v1 =	vadd.f32 v1, v0;
	_ =	sdelay $0x1  }
0x2da: {  	s21 =	simm.s32 $0x1;
	v1 =	vmul.f32 v1, v2  }
0x2db: {  	s23 =	simm.s32 $0x20;
	s24 =	sand.u32 $0x7, s21;
	s20 =	simm.s32 $0x80  }
.LBB2_98:
0x2dc: {  	p0 =	sne.s32 s23, $0x7F0;
	s24 =	sshll.u32 s24, $0x4;
	[tilespmem:s22+$0x9080] =	vst v1;
	s19 =	sadd.s32 $0x10, s19  }
0x2dd: {  	s22 =	sadd.s32 s24, s20;
	v1 =	vld [tilespmem:s19+$0x0]  }
0x2de: {  	s22 =	sor.u32 $0x4380, s22  }
0x2df: {  	v2 =	vld [tilespmem:s22+$0x1080];
	_ =	sdelay $0x1  }
.Ltmp48:
0x2e0: {  	(pc) =	sbr.rel @p0 .LBB2_98-.Ltmp48, $3  }
0x2e1: {  	v1 =	vadd.f32 v1, v0;
	_ =	sdelay $0x1  }
0x2e2: {  	s21 =	sadd.s32 $0x1, s21;
	v1 =	vmul.f32 v1, v2  }
0x2e3: {  	s23 =	sadd.s32 $0x10, s23;
	s24 =	sand.u32 $0x7, s21;
	s20 =	sadd.s32 $0x80, s20  }
0x2e4: {  	s21 =	sshll.u32 s24, $0x4;
	[tilespmem:s22+$0x9080] =	vst v1;
	s19 =	sadd.s32 $0x10, s19  }
0x2e5: {  	s20 =	sadd.s32 s21, s20;
	v1 =	vld [tilespmem:s19+$0x0]  }
0x2e6: {  	s31 =	sor.u32 $0x4380, s20  }
0x2e7: {  	v2 =	vld [tilespmem:s31+$0x1080];
	_ =	sdelay $0x2  }
0x2e8: {  	v0 =	vadd.f32 v1, v0;
	_ =	sdelay $0x1  }
0x2e9: {  	v0 =	vmul.f32 v0, v2;
	_ =	sdelay $0x1  }
0x2ea: {  	s19 =	simm.s32 $0x0;
	[tilespmem:s31+$0x9080] =	vst v0  }
0x2eb: {  	[hbm4b:s10+s19] =	stream.linear.scatter [tilespmem:s17], [sflag:$0x1], $0x8000, $0x38;
	[tilespmem:$0x11080] =	vst v63  }
0x2ec: {  	_ =	swait.ge [sflag:s14], $0x8000  }
0x2ed: {  	[sflag:s14] =	ssyncset.done $0x0  }
0x2ee: {  	[sflag:s14] =	ssyncadd.s32 $0xFFFF8000  }
0x2ef: {  	[tilespmem:s16], [sflag:$0x1] =	stream.linear.gather [hbm4b:s11+s19], $0x8000, $0x38;
	[tilespmem:$0x11080] =	vst v63  }
0x2f0: {  	_ =	swait.ge [sflag:s14], $0x8000  }
0x2f1: {  	[sflag:s14] =	ssyncset.done $0x0  }
0x2f2: {  	[sflag:s14] =	ssyncadd.s32 $0xFFFF8000  }
0x2f3: {  	v0 =	vld [tilespmem:$0x30];
	_ =	sdelay $0x4  }
0x2f4: {  	v0 =	vadd.f32 v0, v0  }
0x2f5: {  	s20 =	simm.s32 $0x880  }
0x2f6: {  	s21 =	simm.s32 $0x10;
	s22 =	sand.u32 $0x70, s19;
	s23 =	sand.u32 $0x3C00, s19;
	v2 =	vld [tilespmem:s20+$0x0];
	v1 =	vbroadcast v0, $0x0  }
.LBB2_100:
0x2f7: {  	p0 =	seq.s32 s21, $0x7F0;
	s22 =	sor.u32 s22, s23  }
0x2f8: {  	v3 =	vld [tilespmem:s22+$0x1080];
	_ =	sdelay $0x2  }
0x2f9: {  	v2 =	vadd.f32 v2, v1  }
.Ltmp49:
0x2fa: {  	(pc) =	sbr.rel @!p0 .LBB2_100-.Ltmp49, $3  }
0x2fb: {  	v2 =	vmul.f32 v2, v3;
	_ =	sdelay $0x1  }
0x2fc: {  	s19 =	sadd.s32 $0x80, s19;
	s20 =	sadd.s32 $0x10, s20;
	[tilespmem:s22+$0x9080] =	vst v2  }
0x2fd: {  	s23 =	sand.u32 $0x3C00, s19;
	s22 =	sand.u32 $0x70, s21;
	s21 =	sadd.s32 $0x10, s21;
	v2 =	vld [tilespmem:s20+$0x0]  }
0x2fe: {  	s19 =	sor.u32 s22, s23  }
0x2ff: {  	v3 =	vld [tilespmem:s19+$0x1080];
	_ =	sdelay $0x2  }
0x300: {  	v1 =	vadd.f32 v2, v1;
	_ =	sdelay $0x1  }
0x301: {  	v1 =	vmul.f32 v1, v3;
	_ =	sdelay $0x1  }
0x302: {  	s20 =	simm.s32 $0x880;
	[tilespmem:s19+$0x9080] =	vst v1;
	s19 =	simm.s32 $0x0  }
0x303: {  	s21 =	simm.s32 $0x10;
	v1 =	vbroadcast v0, $0x1;
	s22 =	sand.u32 $0x70, s19;
	v2 =	vld [tilespmem:s20+$0x0];
	s23 =	sand.u32 $0x3C00, s19  }
.LBB2_102:
0x304: {  	p0 =	seq.s32 s21, $0x7F0;
	s22 =	sor.u32 s23, s22  }
0x305: {  	v3 =	vld [tilespmem:s22+$0x1100];
	_ =	sdelay $0x2  }
0x306: {  	v2 =	vadd.f32 v2, v1  }
.Ltmp50:
0x307: {  	(pc) =	sbr.rel @!p0 .LBB2_102-.Ltmp50, $3  }
0x308: {  	v2 =	vmul.f32 v2, v3;
	_ =	sdelay $0x1  }
0x309: {  	s19 =	sadd.s32 $0x80, s19;
	s20 =	sadd.s32 $0x10, s20;
	[tilespmem:s22+$0x9100] =	vst v2  }
0x30a: {  	s23 =	sand.u32 $0x3C00, s19;
	s22 =	sand.u32 $0x70, s21;
	s21 =	sadd.s32 $0x10, s21;
	v2 =	vld [tilespmem:s20+$0x0]  }
0x30b: {  	s19 =	sor.u32 s23, s22  }
0x30c: {  	v3 =	vld [tilespmem:s19+$0x1100];
	_ =	sdelay $0x2  }
0x30d: {  	v1 =	vadd.f32 v2, v1;
	_ =	sdelay $0x1  }
0x30e: {  	v1 =	vmul.f32 v1, v3;
	_ =	sdelay $0x1  }
0x30f: {  	s20 =	simm.s32 $0x880;
	[tilespmem:s19+$0x9100] =	vst v1;
	s19 =	simm.s32 $0x0  }
0x310: {  	s21 =	simm.s32 $0x10;
	v1 =	vbroadcast v0, $0x2;
	s22 =	sand.u32 $0x70, s19;
	v2 =	vld [tilespmem:s20+$0x0];
	s23 =	sand.u32 $0x3C00, s19  }
.LBB2_104:
0x311: {  	p0 =	seq.s32 s21, $0x7F0;
	s22 =	sor.u32 s23, s22  }
0x312: {  	v3 =	vld [tilespmem:s22+$0x1180];
	_ =	sdelay $0x2  }
0x313: {  	v2 =	vadd.f32 v2, v1  }
.Ltmp51:
0x314: {  	(pc) =	sbr.rel @!p0 .LBB2_104-.Ltmp51, $3  }
0x315: {  	v2 =	vmul.f32 v2, v3;
	_ =	sdelay $0x1  }
0x316: {  	s19 =	sadd.s32 $0x80, s19;
	s20 =	sadd.s32 $0x10, s20;
	[tilespmem:s22+$0x9180] =	vst v2  }
0x317: {  	s23 =	sand.u32 $0x3C00, s19;
	s22 =	sand.u32 $0x70, s21;
	s21 =	sadd.s32 $0x10, s21;
	v2 =	vld [tilespmem:s20+$0x0]  }
0x318: {  	s19 =	sor.u32 s23, s22  }
0x319: {  	v3 =	vld [tilespmem:s19+$0x1180];
	_ =	sdelay $0x2  }
0x31a: {  	v1 =	vadd.f32 v2, v1;
	_ =	sdelay $0x1  }
0x31b: {  	v1 =	vmul.f32 v1, v3;
	_ =	sdelay $0x1  }
0x31c: {  	s20 =	simm.s32 $0x880;
	[tilespmem:s19+$0x9180] =	vst v1;
	s19 =	simm.s32 $0x0  }
0x31d: {  	s21 =	simm.s32 $0x10;
	v1 =	vbroadcast v0, $0x3;
	s22 =	sand.u32 $0x70, s19;
	v2 =	vld [tilespmem:s20+$0x0];
	s23 =	sand.u32 $0x3C00, s19  }
.LBB2_106:
0x31e: {  	p0 =	seq.s32 s21, $0x7F0;
	s22 =	sor.u32 s23, s22  }
0x31f: {  	v3 =	vld [tilespmem:s22+$0x1200];
	_ =	sdelay $0x2  }
0x320: {  	v2 =	vadd.f32 v2, v1  }
.Ltmp52:
0x321: {  	(pc) =	sbr.rel @!p0 .LBB2_106-.Ltmp52, $3  }
0x322: {  	v2 =	vmul.f32 v2, v3;
	_ =	sdelay $0x1  }
0x323: {  	s19 =	sadd.s32 $0x80, s19;
	s20 =	sadd.s32 $0x10, s20;
	[tilespmem:s22+$0x9200] =	vst v2  }
0x324: {  	s23 =	sand.u32 $0x3C00, s19;
	s22 =	sand.u32 $0x70, s21;
	s21 =	sadd.s32 $0x10, s21;
	v2 =	vld [tilespmem:s20+$0x0]  }
0x325: {  	s19 =	sor.u32 s23, s22  }
0x326: {  	v3 =	vld [tilespmem:s19+$0x1200];
	_ =	sdelay $0x2  }
0x327: {  	v1 =	vadd.f32 v2, v1;
	_ =	sdelay $0x1  }
0x328: {  	v1 =	vmul.f32 v1, v3;
	_ =	sdelay $0x1  }
0x329: {  	s20 =	simm.s32 $0x880;
	[tilespmem:s19+$0x9200] =	vst v1;
	s19 =	simm.s32 $0x0  }
0x32a: {  	s21 =	simm.s32 $0x10;
	v1 =	vbroadcast v0, $0x4;
	s22 =	sand.u32 $0x70, s19;
	v2 =	vld [tilespmem:s20+$0x0];
	s23 =	sand.u32 $0x3C00, s19  }
.LBB2_108:
0x32b: {  	p0 =	seq.s32 s21, $0x7F0;
	s22 =	sor.u32 s23, s22  }
0x32c: {  	v3 =	vld [tilespmem:s22+$0x1280];
	_ =	sdelay $0x2  }
0x32d: {  	v2 =	vadd.f32 v2, v1  }
.Ltmp53:
0x32e: {  	(pc) =	sbr.rel @!p0 .LBB2_108-.Ltmp53, $3  }
0x32f: {  	v2 =	vmul.f32 v2, v3;
	_ =	sdelay $0x1  }
0x330: {  	s19 =	sadd.s32 $0x80, s19;
	s20 =	sadd.s32 $0x10, s20;
	[tilespmem:s22+$0x9280] =	vst v2  }
0x331: {  	s23 =	sand.u32 $0x3C00, s19;
	s22 =	sand.u32 $0x70, s21;
	s21 =	sadd.s32 $0x10, s21;
	v2 =	vld [tilespmem:s20+$0x0]  }
0x332: {  	s19 =	sor.u32 s23, s22  }
0x333: {  	v3 =	vld [tilespmem:s19+$0x1280];
	_ =	sdelay $0x2  }
0x334: {  	v1 =	vadd.f32 v2, v1;
	_ =	sdelay $0x1  }
0x335: {  	v1 =	vmul.f32 v1, v3;
	_ =	sdelay $0x1  }
0x336: {  	s20 =	simm.s32 $0x880;
	[tilespmem:s19+$0x9280] =	vst v1;
	s19 =	simm.s32 $0x0  }
0x337: {  	s21 =	simm.s32 $0x10;
	v1 =	vbroadcast v0, $0x5;
	s22 =	sand.u32 $0x70, s19;
	v2 =	vld [tilespmem:s20+$0x0];
	s23 =	sand.u32 $0x3C00, s19  }
.LBB2_110:
0x338: {  	p0 =	seq.s32 s21, $0x7F0;
	s22 =	sor.u32 s23, s22  }
0x339: {  	v3 =	vld [tilespmem:s22+$0x1300];
	_ =	sdelay $0x2  }
0x33a: {  	v2 =	vadd.f32 v2, v1  }
.Ltmp54:
0x33b: {  	(pc) =	sbr.rel @!p0 .LBB2_110-.Ltmp54, $3  }
0x33c: {  	v2 =	vmul.f32 v2, v3;
	_ =	sdelay $0x1  }
0x33d: {  	s19 =	sadd.s32 $0x80, s19;
	s20 =	sadd.s32 $0x10, s20;
	[tilespmem:s22+$0x9300] =	vst v2  }
0x33e: {  	s23 =	sand.u32 $0x3C00, s19;
	s22 =	sand.u32 $0x70, s21;
	s21 =	sadd.s32 $0x10, s21;
	v2 =	vld [tilespmem:s20+$0x0]  }
0x33f: {  	s19 =	sor.u32 s23, s22  }
0x340: {  	v3 =	vld [tilespmem:s19+$0x1300];
	_ =	sdelay $0x2  }
0x341: {  	v1 =	vadd.f32 v2, v1;
	_ =	sdelay $0x1  }
0x342: {  	v1 =	vmul.f32 v1, v3;
	_ =	sdelay $0x1  }
0x343: {  	s20 =	simm.s32 $0x880;
	[tilespmem:s19+$0x9300] =	vst v1;
	s19 =	simm.s32 $0x0  }
0x344: {  	s21 =	simm.s32 $0x10;
	v1 =	vbroadcast v0, $0x6;
	s22 =	sand.u32 $0x70, s19;
	v2 =	vld [tilespmem:s20+$0x0];
	s23 =	sand.u32 $0x3C00, s19  }
.LBB2_112:
0x345: {  	p0 =	seq.s32 s21, $0x7F0;
	s22 =	sor.u32 s23, s22  }
0x346: {  	v3 =	vld [tilespmem:s22+$0x1380];
	_ =	sdelay $0x2  }
0x347: {  	v2 =	vadd.f32 v2, v1  }
.Ltmp55:
0x348: {  	(pc) =	sbr.rel @!p0 .LBB2_112-.Ltmp55, $3  }
0x349: {  	v2 =	vmul.f32 v2, v3;
	_ =	sdelay $0x1  }
0x34a: {  	s19 =	sadd.s32 $0x80, s19;
	s20 =	sadd.s32 $0x10, s20;
	[tilespmem:s22+$0x9380] =	vst v2  }
0x34b: {  	s23 =	sand.u32 $0x3C00, s19;
	s22 =	sand.u32 $0x70, s21;
	s21 =	sadd.s32 $0x10, s21;
	v2 =	vld [tilespmem:s20+$0x0]  }
0x34c: {  	s19 =	sor.u32 s23, s22  }
0x34d: {  	v3 =	vld [tilespmem:s19+$0x1380];
	_ =	sdelay $0x2  }
0x34e: {  	v1 =	vadd.f32 v2, v1;
	_ =	sdelay $0x1  }
0x34f: {  	s20 =	simm.s32 $0x0;
	v1 =	vmul.f32 v1, v3  }
0x350: {  	s20 =	sand.u32 $0x7, s20  }
0x351: {  	s20 =	sshll.u32 s20, $0x4;
	[tilespmem:s19+$0x9380] =	vst v1;
	s19 =	simm.s32 $0x880  }
0x352: {  	s20 =	sadd.s32 $0x0, s20;
	v2 =	vld [tilespmem:s19+$0x0]  }
0x353: {  	s22 =	sor.u32 $0x380, s20  }
0x354: {  	v3 =	vld [tilespmem:s22+$0x1080]  }
0x355: {  	v1 =	vbroadcast v0, $0x7;
	_ =	sdelay $0x1  }
0x356: {  	v2 =	vadd.f32 v2, v1;
	_ =	sdelay $0x1  }
0x357: {  	s21 =	simm.s32 $0x1;
	v2 =	vmul.f32 v2, v3  }
0x358: {  	s23 =	simm.s32 $0x20;
	s24 =	sand.u32 $0x7, s21;
	s20 =	simm.s32 $0x80  }
.LBB2_114:
0x359: {  	p0 =	seq.s32 s23, $0x7F0;
	s24 =	sshll.u32 s24, $0x4;
	[tilespmem:s22+$0x9080] =	vst v2;
	s19 =	sadd.s32 $0x10, s19  }
0x35a: {  	s22 =	sadd.s32 s24, s20;
	v2 =	vld [tilespmem:s19+$0x0]  }
0x35b: {  	s22 =	sor.u32 $0x380, s22  }
0x35c: {  	v3 =	vld [tilespmem:s22+$0x1080];
	_ =	sdelay $0x1  }
.Ltmp56:
0x35d: {  	(pc) =	sbr.rel @!p0 .LBB2_114-.Ltmp56, $3  }
0x35e: {  	v2 =	vadd.f32 v2, v1;
	_ =	sdelay $0x1  }
0x35f: {  	s21 =	sadd.s32 $0x1, s21;
	v2 =	vmul.f32 v2, v3  }
0x360: {  	s23 =	sadd.s32 $0x10, s23;
	s24 =	sand.u32 $0x7, s21;
	s20 =	sadd.s32 $0x80, s20  }
0x361: {  	s21 =	sshll.u32 s24, $0x4;
	[tilespmem:s22+$0x9080] =	vst v2;
	s19 =	sadd.s32 $0x10, s19  }
0x362: {  	s20 =	sadd.s32 s21, s20;
	v2 =	vld [tilespmem:s19+$0x0]  }
0x363: {  	s31 =	sor.u32 $0x380, s20  }
0x364: {  	v3 =	vld [tilespmem:s31+$0x1080];
	_ =	sdelay $0x2  }
0x365: {  	v1 =	vadd.f32 v2, v1;
	_ =	sdelay $0x1  }
0x366: {  	v1 =	vmul.f32 v1, v3;
	_ =	sdelay $0x1  }
0x367: {  	s19 =	simm.s32 $0x0;
	s20 =	simm.s32 $0x880;
	[tilespmem:s31+$0x9080] =	vst v1  }
0x368: {  	s21 =	simm.s32 $0x10;
	s22 =	sand.u32 $0x70, s19;
	s23 =	sand.u32 $0x3C00, s19;
	v1 =	vbroadcast v0, $0x8;
	v2 =	vld [tilespmem:s20+$0x0]  }
.LBB2_116:
0x369: {  	p0 =	seq.s32 s21, $0x7F0;
	s22 =	sor.u32 s23, s22  }
0x36a: {  	v3 =	vld [tilespmem:s22+$0x5080];
	_ =	sdelay $0x2  }
0x36b: {  	v2 =	vadd.f32 v2, v1  }
.Ltmp57:
0x36c: {  	(pc) =	sbr.rel @!p0 .LBB2_116-.Ltmp57, $3  }
0x36d: {  	v2 =	vmul.f32 v2, v3;
	_ =	sdelay $0x1  }
0x36e: {  	s19 =	sadd.s32 $0x80, s19;
	s20 =	sadd.s32 $0x10, s20;
	[tilespmem:s22+$0xD080] =	vst v2  }
0x36f: {  	s23 =	sand.u32 $0x3C00, s19;
	s22 =	sand.u32 $0x70, s21;
	s21 =	sadd.s32 $0x10, s21;
	v2 =	vld [tilespmem:s20+$0x0]  }
0x370: {  	s19 =	sor.u32 s23, s22  }
0x371: {  	v3 =	vld [tilespmem:s19+$0x5080];
	_ =	sdelay $0x2  }
0x372: {  	v1 =	vadd.f32 v2, v1;
	_ =	sdelay $0x1  }
0x373: {  	v1 =	vmul.f32 v1, v3;
	_ =	sdelay $0x1  }
0x374: {  	s20 =	simm.s32 $0x880;
	[tilespmem:s19+$0xD080] =	vst v1;
	s19 =	simm.s32 $0x0  }
0x375: {  	s21 =	simm.s32 $0x10;
	v1 =	vbroadcast v0, $0x9;
	s22 =	sand.u32 $0x70, s19;
	v2 =	vld [tilespmem:s20+$0x0];
	s23 =	sand.u32 $0x3C00, s19  }
.LBB2_118:
0x376: {  	p0 =	seq.s32 s21, $0x7F0;
	s22 =	sor.u32 s23, s22  }
0x377: {  	v3 =	vld [tilespmem:s22+$0x5100];
	_ =	sdelay $0x2  }
0x378: {  	v2 =	vadd.f32 v2, v1  }
.Ltmp58:
0x379: {  	(pc) =	sbr.rel @!p0 .LBB2_118-.Ltmp58, $3  }
0x37a: {  	v2 =	vmul.f32 v2, v3;
	_ =	sdelay $0x1  }
0x37b: {  	s19 =	sadd.s32 $0x80, s19;
	s20 =	sadd.s32 $0x10, s20;
	[tilespmem:s22+$0xD100] =	vst v2  }
0x37c: {  	s23 =	sand.u32 $0x3C00, s19;
	s22 =	sand.u32 $0x70, s21;
	s21 =	sadd.s32 $0x10, s21;
	v2 =	vld [tilespmem:s20+$0x0]  }
0x37d: {  	s19 =	sor.u32 s23, s22  }
0x37e: {  	v3 =	vld [tilespmem:s19+$0x5100];
	_ =	sdelay $0x2  }
0x37f: {  	v1 =	vadd.f32 v2, v1;
	_ =	sdelay $0x1  }
0x380: {  	v1 =	vmul.f32 v1, v3;
	_ =	sdelay $0x1  }
0x381: {  	s20 =	simm.s32 $0x880;
	[tilespmem:s19+$0xD100] =	vst v1;
	s19 =	simm.s32 $0x0  }
0x382: {  	s21 =	simm.s32 $0x10;
	v1 =	vbroadcast v0, $0xA;
	s22 =	sand.u32 $0x70, s19;
	v2 =	vld [tilespmem:s20+$0x0];
	s23 =	sand.u32 $0x3C00, s19  }
.LBB2_120:
0x383: {  	p0 =	seq.s32 s21, $0x7F0;
	s22 =	sor.u32 s23, s22  }
0x384: {  	v3 =	vld [tilespmem:s22+$0x5180];
	_ =	sdelay $0x2  }
0x385: {  	v2 =	vadd.f32 v2, v1  }
.Ltmp59:
0x386: {  	(pc) =	sbr.rel @!p0 .LBB2_120-.Ltmp59, $3  }
0x387: {  	v2 =	vmul.f32 v2, v3;
	_ =	sdelay $0x1  }
0x388: {  	s19 =	sadd.s32 $0x80, s19;
	s20 =	sadd.s32 $0x10, s20;
	[tilespmem:s22+$0xD180] =	vst v2  }
0x389: {  	s23 =	sand.u32 $0x3C00, s19;
	s22 =	sand.u32 $0x70, s21;
	s21 =	sadd.s32 $0x10, s21;
	v2 =	vld [tilespmem:s20+$0x0]  }
0x38a: {  	s19 =	sor.u32 s23, s22  }
0x38b: {  	v3 =	vld [tilespmem:s19+$0x5180];
	_ =	sdelay $0x2  }
0x38c: {  	v1 =	vadd.f32 v2, v1;
	_ =	sdelay $0x1  }
0x38d: {  	v1 =	vmul.f32 v1, v3;
	_ =	sdelay $0x1  }
0x38e: {  	s20 =	simm.s32 $0x880;
	[tilespmem:s19+$0xD180] =	vst v1;
	s19 =	simm.s32 $0x0  }
0x38f: {  	s21 =	simm.s32 $0x10;
	v1 =	vbroadcast v0, $0xB;
	s22 =	sand.u32 $0x70, s19;
	v2 =	vld [tilespmem:s20+$0x0];
	s23 =	sand.u32 $0x3C00, s19  }
.LBB2_122:
0x390: {  	p0 =	seq.s32 s21, $0x7F0;
	s22 =	sor.u32 s23, s22  }
0x391: {  	v3 =	vld [tilespmem:s22+$0x5200];
	_ =	sdelay $0x2  }
0x392: {  	v2 =	vadd.f32 v2, v1  }
.Ltmp60:
0x393: {  	(pc) =	sbr.rel @!p0 .LBB2_122-.Ltmp60, $3  }
0x394: {  	v2 =	vmul.f32 v2, v3;
	_ =	sdelay $0x1  }
0x395: {  	s19 =	sadd.s32 $0x80, s19;
	s20 =	sadd.s32 $0x10, s20;
	[tilespmem:s22+$0xD200] =	vst v2  }
0x396: {  	s23 =	sand.u32 $0x3C00, s19;
	s22 =	sand.u32 $0x70, s21;
	s21 =	sadd.s32 $0x10, s21;
	v2 =	vld [tilespmem:s20+$0x0]  }
0x397: {  	s19 =	sor.u32 s23, s22  }
0x398: {  	v3 =	vld [tilespmem:s19+$0x5200];
	_ =	sdelay $0x2  }
0x399: {  	v1 =	vadd.f32 v2, v1;
	_ =	sdelay $0x1  }
0x39a: {  	v1 =	vmul.f32 v1, v3;
	_ =	sdelay $0x1  }
0x39b: {  	s20 =	simm.s32 $0x880;
	[tilespmem:s19+$0xD200] =	vst v1;
	s19 =	simm.s32 $0x0  }
0x39c: {  	s21 =	simm.s32 $0x10;
	v1 =	vbroadcast v0, $0xC;
	s22 =	sand.u32 $0x70, s19;
	v2 =	vld [tilespmem:s20+$0x0];
	s23 =	sand.u32 $0x3C00, s19  }
.LBB2_124:
0x39d: {  	p0 =	seq.s32 s21, $0x7F0;
	s22 =	sor.u32 s23, s22  }
0x39e: {  	v3 =	vld [tilespmem:s22+$0x5280];
	_ =	sdelay $0x2  }
0x39f: {  	v2 =	vadd.f32 v2, v1  }
.Ltmp61:
0x3a0: {  	(pc) =	sbr.rel @!p0 .LBB2_124-.Ltmp61, $3  }
0x3a1: {  	v2 =	vmul.f32 v2, v3;
	_ =	sdelay $0x1  }
0x3a2: {  	s19 =	sadd.s32 $0x80, s19;
	s20 =	sadd.s32 $0x10, s20;
	[tilespmem:s22+$0xD280] =	vst v2  }
0x3a3: {  	s23 =	sand.u32 $0x3C00, s19;
	s22 =	sand.u32 $0x70, s21;
	s21 =	sadd.s32 $0x10, s21;
	v2 =	vld [tilespmem:s20+$0x0]  }
0x3a4: {  	s19 =	sor.u32 s23, s22  }
0x3a5: {  	v3 =	vld [tilespmem:s19+$0x5280];
	_ =	sdelay $0x2  }
0x3a6: {  	v1 =	vadd.f32 v2, v1;
	_ =	sdelay $0x1  }
0x3a7: {  	v1 =	vmul.f32 v1, v3;
	_ =	sdelay $0x1  }
0x3a8: {  	s20 =	simm.s32 $0x880;
	[tilespmem:s19+$0xD280] =	vst v1;
	s19 =	simm.s32 $0x0  }
0x3a9: {  	s21 =	simm.s32 $0x10;
	v1 =	vbroadcast v0, $0xD;
	s22 =	sand.u32 $0x70, s19;
	v2 =	vld [tilespmem:s20+$0x0];
	s23 =	sand.u32 $0x3C00, s19  }
.LBB2_126:
0x3aa: {  	p0 =	seq.s32 s21, $0x7F0;
	s22 =	sor.u32 s23, s22  }
0x3ab: {  	v3 =	vld [tilespmem:s22+$0x5300];
	_ =	sdelay $0x2  }
0x3ac: {  	v2 =	vadd.f32 v2, v1  }
.Ltmp62:
0x3ad: {  	(pc) =	sbr.rel @!p0 .LBB2_126-.Ltmp62, $3  }
0x3ae: {  	v2 =	vmul.f32 v2, v3;
	_ =	sdelay $0x1  }
0x3af: {  	s19 =	sadd.s32 $0x80, s19;
	s20 =	sadd.s32 $0x10, s20;
	[tilespmem:s22+$0xD300] =	vst v2  }
0x3b0: {  	s23 =	sand.u32 $0x3C00, s19;
	s22 =	sand.u32 $0x70, s21;
	s21 =	sadd.s32 $0x10, s21;
	v2 =	vld [tilespmem:s20+$0x0]  }
0x3b1: {  	s19 =	sor.u32 s23, s22  }
0x3b2: {  	v3 =	vld [tilespmem:s19+$0x5300];
	_ =	sdelay $0x2  }
0x3b3: {  	v1 =	vadd.f32 v2, v1;
	_ =	sdelay $0x1  }
0x3b4: {  	v1 =	vmul.f32 v1, v3;
	_ =	sdelay $0x1  }
0x3b5: {  	s20 =	simm.s32 $0x880;
	[tilespmem:s19+$0xD300] =	vst v1;
	s19 =	simm.s32 $0x0  }
0x3b6: {  	s21 =	simm.s32 $0x10;
	v1 =	vbroadcast v0, $0xE;
	s22 =	sand.u32 $0x70, s19;
	v2 =	vld [tilespmem:s20+$0x0];
	s23 =	sand.u32 $0x3C00, s19  }
.LBB2_128:
0x3b7: {  	p0 =	seq.s32 s21, $0x7F0;
	s22 =	sor.u32 s23, s22  }
0x3b8: {  	v3 =	vld [tilespmem:s22+$0x5380];
	_ =	sdelay $0x2  }
0x3b9: {  	v2 =	vadd.f32 v2, v1  }
.Ltmp63:
0x3ba: {  	(pc) =	sbr.rel @!p0 .LBB2_128-.Ltmp63, $3  }
0x3bb: {  	v2 =	vmul.f32 v2, v3;
	_ =	sdelay $0x1  }
0x3bc: {  	s19 =	sadd.s32 $0x80, s19;
	s20 =	sadd.s32 $0x10, s20;
	[tilespmem:s22+$0xD380] =	vst v2  }
0x3bd: {  	s23 =	sand.u32 $0x3C00, s19;
	s22 =	sand.u32 $0x70, s21;
	s21 =	sadd.s32 $0x10, s21;
	v2 =	vld [tilespmem:s20+$0x0]  }
0x3be: {  	s19 =	sor.u32 s23, s22  }
0x3bf: {  	v3 =	vld [tilespmem:s19+$0x5380];
	_ =	sdelay $0x2  }
0x3c0: {  	v1 =	vadd.f32 v2, v1;
	_ =	sdelay $0x1  }
0x3c1: {  	s20 =	simm.s32 $0x0;
	v1 =	vmul.f32 v1, v3  }
0x3c2: {  	s20 =	sand.u32 $0x7, s20  }
0x3c3: {  	s20 =	sshll.u32 s20, $0x4;
	[tilespmem:s19+$0xD380] =	vst v1;
	s19 =	simm.s32 $0x880  }
0x3c4: {  	s20 =	sadd.s32 $0x0, s20;
	v1 =	vld [tilespmem:s19+$0x0]  }
0x3c5: {  	s22 =	sor.u32 $0x4380, s20  }
0x3c6: {  	v2 =	vld [tilespmem:s22+$0x1080]  }
0x3c7: {  	v0 =	vbroadcast v0, $0xF;
	_ =	sdelay $0x1  }
0x3c8: {  	v1 =	vadd.f32 v1, v0;
	_ =	sdelay $0x1  }
0x3c9: {  	s21 =	simm.s32 $0x1;
	v1 =	vmul.f32 v1, v2  }
0x3ca: {  	s23 =	simm.s32 $0x20;
	s24 =	sand.u32 $0x7, s21;
	s20 =	simm.s32 $0x80  }
.LBB2_130:
0x3cb: {  	p0 =	sne.s32 s23, $0x7F0;
	s24 =	sshll.u32 s24, $0x4;
	[tilespmem:s22+$0x9080] =	vst v1;
	s19 =	sadd.s32 $0x10, s19  }
0x3cc: {  	s22 =	sadd.s32 s24, s20;
	v1 =	vld [tilespmem:s19+$0x0]  }
0x3cd: {  	s22 =	sor.u32 $0x4380, s22  }
0x3ce: {  	v2 =	vld [tilespmem:s22+$0x1080];
	_ =	sdelay $0x1  }
.Ltmp64:
0x3cf: {  	(pc) =	sbr.rel @p0 .LBB2_130-.Ltmp64, $3  }
0x3d0: {  	v1 =	vadd.f32 v1, v0;
	_ =	sdelay $0x1  }
0x3d1: {  	s21 =	sadd.s32 $0x1, s21;
	v1 =	vmul.f32 v1, v2  }
0x3d2: {  	s23 =	sadd.s32 $0x10, s23;
	s24 =	sand.u32 $0x7, s21;
	s20 =	sadd.s32 $0x80, s20  }
0x3d3: {  	s21 =	sshll.u32 s24, $0x4;
	[tilespmem:s22+$0x9080] =	vst v1;
	s19 =	sadd.s32 $0x10, s19  }
0x3d4: {  	s20 =	sadd.s32 s21, s20;
	v1 =	vld [tilespmem:s19+$0x0]  }
0x3d5: {  	s31 =	sor.u32 $0x4380, s20  }
0x3d6: {  	v2 =	vld [tilespmem:s31+$0x1080];
	_ =	sdelay $0x2  }
0x3d7: {  	v0 =	vadd.f32 v1, v0;
	_ =	sdelay $0x1  }
0x3d8: {  	s18 =	sadd.s32 $0x1, s18;
	v0 =	vmul.f32 v0, v2  }
0x3d9: {  	p0 =	sne.s32 s18, s13  }
.Ltmp65:
0x3da: {  	[tilespmem:s31+$0x9080] =	vst v0;
	(pc) =	sbr.rel @p0 .LBB2_1-.Ltmp65, $4  }
0x3db: {  	[hbm4b:s12+s2] =	stream.linear.scatter [tilespmem:s17], [sflag:$0x1], $0x8000, $0x38;
	[tilespmem:$0x11080] =	vst v63  }
0x3dc: {  	_ =	swait.ge [sflag:s14], $0x8000  }
0x3dd: {  	[sflag:s14] =	ssyncset.done $0x0  }
0x3de: {  	[sflag:s14] =	ssyncadd.s32 $0xFFFF8000  }
0x3df: {  	_ =	sfence.sel $0x180000  }
0x3e0: {  	[bflag:$0x0] =	sbarrier.arrive $0xFFFF  }
0x3e1: {  	p0 =	sne.s32 s0, $0x0;
	_ =	strace $0x90000047  }
0x3e2: {  	s0 =	sadd.s32 @!p0 $0x100000, s1;
	[bflag:$0x2] =	sbarrier.arrive $0xFFFF  }
0x3e3: {  	[sflag:s0] =	ssyncadd.tile.s32 @!p0 $0x1;
	_ =	shalt  }
.Lfunc_end2:
_tile_overlayer_lowered:
.L_overlay_start_2:
0x3e4: {  	(tag) =	ssettag $0x2  }
0x3e5: {  	s0 =	rddreg [dreg:$0x0];
	s2 =	stileid.u32  }
0x3e6: {  	s1 =	rddreg [dreg:$0x1];
	p0 =	sne.s32 s2, $0x0  }
0x3e7: {  	s3 =	rddreg [dreg:$0x2];
	[bflag:$0x3] =	sbarrier.arrive $0xFFFF;
	s2 =	simm.s32 @!p0 $0x1C01  }
0x3e8: {  	[timem:s3], [sflag:s2] =	dma.local @!p0 [hbm:s0], s1  }
0x3e9: {  	s0 =	simm.s32 @!p0 $0x1  }
0x3ea: {  	_ =	swait.ge @!p0 [sflag:s0], s1  }
0x3eb: {  	s1 =	ssub.s32 @!p0 $0x0, s1;
	[sflag:s0] =	ssyncset.done @!p0 $0x0  }
0x3ec: {  	[sflag:s0] =	ssyncadd.s32 @!p0 s1  }
0x3ed: {  	[bflag:$0x3] =	sbarrier.arrive $0xFFFF  }
0x3ee: {  	_ =	shalt  }

</sc_bundles>
